<compile_context>
chip_gen: v7x
topology: tpu7x:2x2x1
jax: 0.10.2.dev20260603
libtpu: 0.0.44.dev20260713+nightly
codegen_flags: <defaults>
</compile_context>

<pallas_src>
import functools

import jax
import jax.numpy as jnp
from jax import lax
from jax.experimental import pallas as pl
from jax.experimental.pallas import tpu as pltpu
from jax.experimental.pallas import tpu_sc as plsc

N = 10000
NPAD = 10240
F = 128
E = 320000
NC = 2
NS = 16
NW = NC * NS
EPW = E // NW
CHUNK = 80
NCHUNK = EPW // CHUNK
RPT = NPAD // NS

_mesh = plsc.VectorSubcoreMesh(core_axis_name="c", subcore_axis_name="s")



@functools.partial(
    pl.kernel,
    mesh=_mesh,
    out_type=jax.ShapeDtypeStruct((NW, N), jnp.float32),
    scratch_types=[
        pltpu.VMEM((EPW,), jnp.int32),
        pltpu.VMEM((N,), jnp.float32),
    ],
    compiler_params=pltpu.CompilerParams(needs_layout_passes=False),
)
def _deg_kernel(dst_hbm, out_hbm, dst_v, deg_v):
    c = lax.axis_index("c")
    s = lax.axis_index("s")
    wid = s * NC + c
    pltpu.sync_copy(dst_hbm.at[pl.ds(wid * EPW, EPW)], dst_v)

    def zero_body(i, carry):
        deg_v[pl.ds(i * 16, 16)] = jnp.zeros((16,), jnp.float32)
        return carry

    lax.fori_loop(0, N // 16, zero_body, 0)

    ones = jnp.ones((16,), jnp.float32)

    def acc_body(i, carry):
        idx = dst_v[pl.ds(i * 16, 16)]
        plsc.addupdate_scatter(deg_v, [idx], ones)
        return carry

    lax.fori_loop(0, EPW // 16, acc_body, 0)

    pltpu.sync_copy(deg_v, out_hbm.at[wid])



@functools.partial(
    pl.kernel,
    mesh=_mesh,
    out_type=jax.ShapeDtypeStruct((2 * NPAD, F), jnp.float32),
    scratch_types=[
        pltpu.VMEM((EPW,), jnp.int32),
        pltpu.VMEM((NCHUNK, CHUNK), jnp.int32),
        pltpu.VMEM((CHUNK, F), jnp.float32),
        pltpu.VMEM((CHUNK, F), jnp.float32),
        pltpu.VMEM_SHARED((NPAD, F), jnp.float32),
        pltpu.SemaphoreType.DMA,
        pltpu.SemaphoreType.DMA,
        pltpu.SemaphoreType.DMA,
        pltpu.SemaphoreType.DMA,
    ],
)
def _agg_kernel(g_hbm, src_hbm, dstr_hbm, out_hbm,
                src_v, dst_v, r0, r1, acc_sh, gsA, gsB, ssA, ssB):
    c = lax.axis_index("c")
    s = lax.axis_index("s")
    wid = s * NC + c
    pltpu.sync_copy(src_hbm.at[pl.ds(wid * EPW, EPW)], src_v)
    pltpu.sync_copy(dstr_hbm.at[wid], dst_v)
    r0[...] = jnp.zeros((CHUNK, F), jnp.float32)
    for z in range(RPT // CHUNK):
        pltpu.sync_copy(r0, acc_sh.at[pl.ds(s * RPT + z * CHUNK, CHUNK)])
    plsc.subcore_barrier()

    def start_gather(i, buf, sem):
        pltpu.async_copy(g_hbm.at[src_v.at[pl.ds(i * CHUNK, CHUNK)]],
                         buf, sem)

    def wait_gather(i, buf, sem):
        pltpu.make_async_copy(g_hbm.at[src_v.at[pl.ds(i * CHUNK, CHUNK)]],
                              buf, sem).wait()

    def start_scatter(i, buf, sem):
        pltpu.async_copy(buf, acc_sh.at[dst_v.at[i]], sem, add=True)

    def wait_scatter(i, buf, sem):
        pltpu.make_async_copy(buf, acc_sh.at[dst_v.at[i]], sem).wait()

    start_gather(0, r0, gsA)

    def pair(p, carry):
        i0 = 2 * p

        wait_gather(i0, r0, gsA)

        @pl.when(p > 0)
        def _():
            wait_scatter(i0 - 1, r1, ssB)

        start_gather(i0 + 1, r1, gsB)
        start_scatter(i0, r0, ssA)

        wait_gather(i0 + 1, r1, gsB)
        wait_scatter(i0, r0, ssA)
        start_gather(i0 + 2, r0, gsA)
        start_scatter(i0 + 1, r1, ssB)
        return carry

    lax.fori_loop(0, (NCHUNK - 1) // 2, pair, 0)

    wait_gather(NCHUNK - 1, r0, gsA)
    wait_scatter(NCHUNK - 2, r1, ssB)
    start_scatter(NCHUNK - 1, r0, ssA)
    wait_scatter(NCHUNK - 1, r0, ssA)

    plsc.subcore_barrier()
    pltpu.sync_copy(acc_sh.at[pl.ds(s * RPT, RPT)],
                    out_hbm.at[pl.ds(c * NPAD + s * RPT, RPT)])



def _dinv_from_partials(degp):
    return lax.rsqrt(jnp.sum(degp, axis=0) + 1.0)


def _tc1_body(x_ref, w1_ref, degp_ref, g1_ref):
    dinv = _dinv_from_partials(degp_ref[...])
    h = jnp.dot(x_ref[...], w1_ref[...], preferred_element_type=jnp.float32)
    g1_ref[...] = h * dinv[:, None]


def _tc2_body(p_ref, g1_ref, degp_ref, b1_ref, w2_ref, g2_ref):
    dinv = _dinv_from_partials(degp_ref[...])
    p = p_ref[...]
    g1 = g1_ref[...]
    agg = p[:N] + p[NPAD:NPAD + N] + g1
    out1 = jnp.maximum(agg * dinv[:, None] + b1_ref[...][None, :], 0.0)
    h2 = jnp.dot(out1, w2_ref[...], preferred_element_type=jnp.float32)
    g2_ref[...] = h2 * dinv[:, None]


def _tc3_body(p_ref, g2_ref, degp_ref, b2_ref, wh_ref, bh_ref,
              scores_ref, h_ref):
    dinv = _dinv_from_partials(degp_ref[...])
    p = p_ref[...]
    g2 = g2_ref[...]
    agg = p[:N] + p[NPAD:NPAD + N] + g2
    out2 = jnp.maximum(agg * dinv[:, None] + b2_ref[...][None, :], 0.0)
    h_ref[...] = out2
    scores_ref[...] = (
        jnp.dot(out2, wh_ref[...], preferred_element_type=jnp.float32)
        + bh_ref[...][None, :]
    )


_tc1 = pl.pallas_call(
    _tc1_body,
    out_shape=jax.ShapeDtypeStruct((N, F), jnp.float32),
)

_tc2 = pl.pallas_call(
    _tc2_body,
    out_shape=jax.ShapeDtypeStruct((N, F), jnp.float32),
)

_tc3 = pl.pallas_call(
    _tc3_body,
    out_shape=(
        jax.ShapeDtypeStruct((N, 40), jnp.float32),
        jax.ShapeDtypeStruct((N, F), jnp.float32),
    ),
)


def kernel(x, edge_index, W1, b1, W2, b2, Wh, bh):
    dstr = edge_index[1].reshape(NW, NCHUNK, CHUNK)

    degp = _deg_kernel(edge_index[1])
    g1 = _tc1(x, W1, degp)
    p1 = _agg_kernel(g1, edge_index[0], dstr)
    g2 = _tc2(p1, g1, degp, b1, W2)
    p2 = _agg_kernel(g2, edge_index[0], dstr)
    scores, h = _tc3(p2, g2, degp, b2, Wh, bh)
    return (scores, h)

# --- scband reference (transcript-rebuilt; emitter-appended) ---
"""Pipeline reference for scband-gcnnode-classification-4861902979273 (READ-ONLY COPY).

The authoritative reference and input builder live on the scoring server;
editing this copy changes nothing except your own understanding.
"""

import jax, jax.numpy as jnp
import numpy as np

N = 10000
E = 320000
F_IN = 128
HID = 128
NUM_CLASSES = 40


def setup_inputs(seed: int = 0) -> dict:
    key = jax.random.key(seed)
    ks = jax.random.split(key, 10)
    x = jax.random.normal(ks[0], (N, F_IN), dtype=jnp.float32)
    edge_index = jax.random.randint(ks[1], (2, E), 0, N, dtype=jnp.int32)
    # GCNConv layer 1: in=F_IN, out=HID (glorot weight, zero bias like PyG)
    W1 = jax.random.normal(ks[2], (F_IN, HID), dtype=jnp.float32) * (1.0 / np.sqrt(F_IN))
    b1 = jnp.zeros((HID,), dtype=jnp.float32)
    # GCNConv layer 2: in=HID, out=HID
    W2 = jax.random.normal(ks[3], (HID, HID), dtype=jnp.float32) * (1.0 / np.sqrt(HID))
    b2 = jnp.zeros((HID,), dtype=jnp.float32)
    # head linear: HID -> NUM_CLASSES
    Wh = jax.random.normal(ks[4], (HID, NUM_CLASSES), dtype=jnp.float32) * (1.0 / np.sqrt(HID))
    bh = jnp.zeros((NUM_CLASSES,), dtype=jnp.float32)
    return {"x": x, "edge_index": edge_index, "W1": W1, "b1": b1, "W2": W2, "b2": b2, "Wh": Wh, "bh": bh}


def _gcn_conv(x, edge_index, W, b):
    # PyG GCNConv: x' = D^{-1/2} (A + I) D^{-1/2} (x W) + b
    h = x @ W
    loop = jnp.arange(N, dtype=edge_index.dtype)
    src = jnp.concatenate([edge_index[0], loop])
    dst = jnp.concatenate([edge_index[1], loop])
    deg = jnp.zeros((N,), dtype=h.dtype).at[dst].add(1.0)
    dinv = jax.lax.rsqrt(jnp.maximum(deg, 1.0))
    norm = dinv[src] * dinv[dst]
    msg = h[src] * norm[:, None]
    out = jnp.zeros((N, h.shape[1]), dtype=h.dtype).at[dst].add(msg)
    return out + b


def reference(x, edge_index, W1, b1, W2, b2, Wh, bh):
    # layer 1 + relu (dropout in eval mode -> identity)
    h = jax.nn.relu(_gcn_conv(x, edge_index, W1, b1))
    # layer 2 + relu
    h = jax.nn.relu(_gcn_conv(h, edge_index, W2, b2))
    scores = h @ Wh + bh
    return (scores, h)

if __name__ == "__main__":
    import jax
    _d = setup_inputs()
    print(jax.jit(kernel)(*tuple(_d.values())))

</pallas_src>

<mosaic_0001>
#map = affine_map<(d0, d1) -> (0, 0)>
#map1 = affine_map<(d0, d1) -> (0)>
#map2 = affine_map<(d0, d1) -> (0, 0, 0)>
module attributes {stable_mosaic.version = 14 : i64} {
  func.func @_agg_kernel(%arg0: i32, %arg1: i32, %arg2: memref<10000x128xf32, #tpu.memory_space<hbm>>, %arg3: memref<320000xi32, #tpu.memory_space<hbm>>, %arg4: memref<32x125x80xi32, #tpu.memory_space<hbm>>, %arg5: memref<20480x128xf32, #tpu.memory_space<hbm>>, %arg6: memref<10000xi32, #tpu.memory_space<vmem>>, %arg7: memref<125x80xi32, #tpu.memory_space<vmem>>, %arg8: memref<80x128xf32, #tpu.memory_space<vmem>>, %arg9: memref<80x128xf32, #tpu.memory_space<vmem>>, %arg10: memref<10240x128xf32, #tpu.memory_space<vmem_shared>>, %arg11: memref<!tpu.dma_semaphore, #tpu.memory_space<semaphore_mem>>, %arg12: memref<!tpu.dma_semaphore, #tpu.memory_space<semaphore_mem>>, %arg13: memref<!tpu.dma_semaphore, #tpu.memory_space<semaphore_mem>>, %arg14: memref<!tpu.dma_semaphore, #tpu.memory_space<semaphore_mem>>) attributes {dimension_semantics = [#tpu.dimension_semantics<core_parallel>, #tpu.dimension_semantics<subcore_parallel>], iteration_bounds = array<i64: 2, 16>, scalar_prefetch = 0 : i64, scratch_operands = 9 : i64, tpu.core_type = #tpu.core_type<sc_vector_subcore>, window_params = [{transform_indices = #map}, {transform_indices = #map1}, {transform_indices = #map2}, {transform_indices = #map}]} {
    %mul3A = arith.constant 2 : i32
    %mul3A_0 = arith.muli %arg1, %mul3A : i32
    %add3A = arith.addi %mul3A_0, %arg0 : i32
    %mul3A_1 = arith.constant 10000 : i32
    %mul3A_2 = arith.muli %add3A, %mul3A_1 : i32
    "tpu.region"() ({
      %run_scoped3A = tpu.sem_alloc : memref<!tpu.dma_semaphore, #tpu.memory_space<semaphore_mem>>
      %dma_start3A_82 = tpu.memref_slice %arg3[%mul3A_2] : memref<320000xi32, #tpu.memory_space<hbm>> -> memref<10000xi32, #tpu.memory_space<hbm>>
      %dma_start3A_83 = tpu.memref_slice %arg3[%mul3A_2] : memref<320000xi32, #tpu.memory_space<hbm>> -> memref<10000xi32, #tpu.memory_space<hbm>>
      tpu.enqueue_dma source(%dma_start3A_83 : memref<10000xi32, #tpu.memory_space<hbm>>) target(%arg6 : memref<10000xi32, #tpu.memory_space<vmem>>) target_semaphore(%run_scoped3A : memref<!tpu.dma_semaphore, #tpu.memory_space<semaphore_mem>>)
      %dma_wait3A_84 = tpu.memref_slice %arg3[%mul3A_2] : memref<320000xi32, #tpu.memory_space<hbm>> -> memref<10000xi32, #tpu.memory_space<hbm>>
      %dma_wait3A_85 = tpu.memref_slice %arg3[%mul3A_2] : memref<320000xi32, #tpu.memory_space<hbm>> -> memref<10000xi32, #tpu.memory_space<hbm>>
      tpu.wait_dma2 semaphore(%run_scoped3A : memref<!tpu.dma_semaphore, #tpu.memory_space<semaphore_mem>>) src(%dma_wait3A_85 : memref<10000xi32, #tpu.memory_space<hbm>>) dst(%arg6 : memref<10000xi32, #tpu.memory_space<vmem>>)
      tpu.yield
    }) : () -> ()
    "tpu.region"() ({
      %run_scoped3A = tpu.sem_alloc : memref<!tpu.dma_semaphore, #tpu.memory_space<semaphore_mem>>
      %dma_start3A_82 = arith.constant 0 : i32
      %dma_start3A_83 = arith.constant 0 : i32
      %dma_start3A_84 = tpu.memref_slice %arg4[%add3A, %dma_start3A_82, %dma_start3A_83] : memref<32x125x80xi32, #tpu.memory_space<hbm>> -> memref<1x125x80xi32, #tpu.memory_space<hbm>>
      %dma_start3A_85 = tpu.memref_squeeze %dma_start3A_84 : memref<1x125x80xi32, #tpu.memory_space<hbm>> -> memref<125x80xi32, #tpu.memory_space<hbm>>
      %dma_start3A_86 = arith.constant 0 : i32
      %dma_start3A_87 = arith.constant 0 : i32
      %dma_start3A_88 = tpu.memref_slice %arg4[%add3A, %dma_start3A_86, %dma_start3A_87] : memref<32x125x80xi32, #tpu.memory_space<hbm>> -> memref<1x125x80xi32, #tpu.memory_space<hbm>>
      %dma_start3A_89 = tpu.memref_squeeze %dma_start3A_88 : memref<1x125x80xi32, #tpu.memory_space<hbm>> -> memref<125x80xi32, #tpu.memory_space<hbm>>
      tpu.enqueue_dma source(%dma_start3A_89 : memref<125x80xi32, #tpu.memory_space<hbm>>) target(%arg7 : memref<125x80xi32, #tpu.memory_space<vmem>>) target_semaphore(%run_scoped3A : memref<!tpu.dma_semaphore, #tpu.memory_space<semaphore_mem>>)
      %dma_wait3A_90 = arith.constant 0 : i32
      %dma_wait3A_91 = arith.constant 0 : i32
      %dma_wait3A_92 = tpu.memref_slice %arg4[%add3A, %dma_wait3A_90, %dma_wait3A_91] : memref<32x125x80xi32, #tpu.memory_space<hbm>> -> memref<1x125x80xi32, #tpu.memory_space<hbm>>
      %dma_wait3A_93 = tpu.memref_squeeze %dma_wait3A_92 : memref<1x125x80xi32, #tpu.memory_space<hbm>> -> memref<125x80xi32, #tpu.memory_space<hbm>>
      %dma_wait3A_94 = arith.constant 0 : i32
      %dma_wait3A_95 = arith.constant 0 : i32
      %dma_wait3A_96 = tpu.memref_slice %arg4[%add3A, %dma_wait3A_94, %dma_wait3A_95] : memref<32x125x80xi32, #tpu.memory_space<hbm>> -> memref<1x125x80xi32, #tpu.memory_space<hbm>>
      %dma_wait3A_97 = tpu.memref_squeeze %dma_wait3A_96 : memref<1x125x80xi32, #tpu.memory_space<hbm>> -> memref<125x80xi32, #tpu.memory_space<hbm>>
      tpu.wait_dma2 semaphore(%run_scoped3A : memref<!tpu.dma_semaphore, #tpu.memory_space<semaphore_mem>>) src(%dma_wait3A_97 : memref<125x80xi32, #tpu.memory_space<hbm>>) dst(%arg7 : memref<125x80xi32, #tpu.memory_space<vmem>>)
      tpu.yield
    }) : () -> ()
    %broadcast_in_dim3A = arith.constant 0.000000e+00 : f32
    %broadcast_in_dim3A_3 = vector.broadcast %broadcast_in_dim3A : f32 to vector<80x128xf32>
    %swap3A = arith.constant 0 : index
    %swap3A_4 = arith.constant 0 : index
    %swap3A_5 = tpu.vector_load %arg8[%swap3A, %swap3A_4] {strides = array<i32>} : memref<80x128xf32, #tpu.memory_space<vmem>>, vector<80x128xf32>,
    %swap3A_6 = vector.shape_cast %swap3A_5 : vector<80x128xf32> to vector<80x128xf32>
    %swap3A_7 = vector.shape_cast %broadcast_in_dim3A_3 : vector<80x128xf32> to vector<80x128xf32>
    tpu.vector_store %arg8[%swap3A, %swap3A_4], %swap3A_7 {strides = array<i32>} : memref<80x128xf32, #tpu.memory_space<vmem>>, vector<80x128xf32>,
    %mul3A_8 = arith.constant 640 : i32
    %mul3A_9 = arith.muli %arg1, %mul3A_8 : i32
    %add3A_10 = arith.constant 0 : i32
    %add3A_11 = arith.addi %mul3A_9, %add3A_10 : i32
    "tpu.region"() ({
      %run_scoped3A = tpu.sem_alloc : memref<!tpu.dma_semaphore, #tpu.memory_space<semaphore_mem>>
      %dma_start3A_82 = arith.constant 0 : i32
      %dma_start3A_83 = tpu.memref_slice %arg10[%add3A_11, %dma_start3A_82] : memref<10240x128xf32, #tpu.memory_space<vmem_shared>> -> memref<80x128xf32, #tpu.memory_space<vmem_shared>>
      %dma_start3A_84 = arith.constant 0 : i32
      %dma_start3A_85 = tpu.memref_slice %arg10[%add3A_11, %dma_start3A_84] : memref<10240x128xf32, #tpu.memory_space<vmem_shared>> -> memref<80x128xf32, #tpu.memory_space<vmem_shared>>
      tpu.enqueue_dma source(%arg8 : memref<80x128xf32, #tpu.memory_space<vmem>>) target(%dma_start3A_85 : memref<80x128xf32, #tpu.memory_space<vmem_shared>>) target_semaphore(%run_scoped3A : memref<!tpu.dma_semaphore, #tpu.memory_space<semaphore_mem>>)
      %dma_wait3A_86 = arith.constant 0 : i32
      %dma_wait3A_87 = tpu.memref_slice %arg10[%add3A_11, %dma_wait3A_86] : memref<10240x128xf32, #tpu.memory_space<vmem_shared>> -> memref<80x128xf32, #tpu.memory_space<vmem_shared>>
      %dma_wait3A_88 = arith.constant 0 : i32
      %dma_wait3A_89 = tpu.memref_slice %arg10[%add3A_11, %dma_wait3A_88] : memref<10240x128xf32, #tpu.memory_space<vmem_shared>> -> memref<80x128xf32, #tpu.memory_space<vmem_shared>>
      tpu.wait_dma2 semaphore(%run_scoped3A : memref<!tpu.dma_semaphore, #tpu.memory_space<semaphore_mem>>) src(%arg8 : memref<80x128xf32, #tpu.memory_space<vmem>>) dst(%dma_wait3A_89 : memref<80x128xf32, #tpu.memory_space<vmem_shared>>)
      tpu.yield
    }) : () -> ()
    %mul3A_12 = arith.constant 640 : i32
    %mul3A_13 = arith.muli %arg1, %mul3A_12 : i32
    %add3A_14 = arith.constant 80 : i32
    %add3A_15 = arith.addi %mul3A_13, %add3A_14 : i32
    "tpu.region"() ({
      %run_scoped3A = tpu.sem_alloc : memref<!tpu.dma_semaphore, #tpu.memory_space<semaphore_mem>>
      %dma_start3A_82 = arith.constant 0 : i32
      %dma_start3A_83 = tpu.memref_slice %arg10[%add3A_15, %dma_start3A_82] : memref<10240x128xf32, #tpu.memory_space<vmem_shared>> -> memref<80x128xf32, #tpu.memory_space<vmem_shared>>
      %dma_start3A_84 = arith.constant 0 : i32
      %dma_start3A_85 = tpu.memref_slice %arg10[%add3A_15, %dma_start3A_84] : memref<10240x128xf32, #tpu.memory_space<vmem_shared>> -> memref<80x128xf32, #tpu.memory_space<vmem_shared>>
      tpu.enqueue_dma source(%arg8 : memref<80x128xf32, #tpu.memory_space<vmem>>) target(%dma_start3A_85 : memref<80x128xf32, #tpu.memory_space<vmem_shared>>) target_semaphore(%run_scoped3A : memref<!tpu.dma_semaphore, #tpu.memory_space<semaphore_mem>>)
      %dma_wait3A_86 = arith.constant 0 : i32
      %dma_wait3A_87 = tpu.memref_slice %arg10[%add3A_15, %dma_wait3A_86] : memref<10240x128xf32, #tpu.memory_space<vmem_shared>> -> memref<80x128xf32, #tpu.memory_space<vmem_shared>>
      %dma_wait3A_88 = arith.constant 0 : i32
      %dma_wait3A_89 = tpu.memref_slice %arg10[%add3A_15, %dma_wait3A_88] : memref<10240x128xf32, #tpu.memory_space<vmem_shared>> -> memref<80x128xf32, #tpu.memory_space<vmem_shared>>
      tpu.wait_dma2 semaphore(%run_scoped3A : memref<!tpu.dma_semaphore, #tpu.memory_space<semaphore_mem>>) src(%arg8 : memref<80x128xf32, #tpu.memory_space<vmem>>) dst(%dma_wait3A_89 : memref<80x128xf32, #tpu.memory_space<vmem_shared>>)
      tpu.yield
    }) : () -> ()
    %mul3A_16 = arith.constant 640 : i32
    %mul3A_17 = arith.muli %arg1, %mul3A_16 : i32
    %add3A_18 = arith.constant 160 : i32
    %add3A_19 = arith.addi %mul3A_17, %add3A_18 : i32
    "tpu.region"() ({
      %run_scoped3A = tpu.sem_alloc : memref<!tpu.dma_semaphore, #tpu.memory_space<semaphore_mem>>
      %dma_start3A_82 = arith.constant 0 : i32
      %dma_start3A_83 = tpu.memref_slice %arg10[%add3A_19, %dma_start3A_82] : memref<10240x128xf32, #tpu.memory_space<vmem_shared>> -> memref<80x128xf32, #tpu.memory_space<vmem_shared>>
      %dma_start3A_84 = arith.constant 0 : i32
      %dma_start3A_85 = tpu.memref_slice %arg10[%add3A_19, %dma_start3A_84] : memref<10240x128xf32, #tpu.memory_space<vmem_shared>> -> memref<80x128xf32, #tpu.memory_space<vmem_shared>>
      tpu.enqueue_dma source(%arg8 : memref<80x128xf32, #tpu.memory_space<vmem>>) target(%dma_start3A_85 : memref<80x128xf32, #tpu.memory_space<vmem_shared>>) target_semaphore(%run_scoped3A : memref<!tpu.dma_semaphore, #tpu.memory_space<semaphore_mem>>)
      %dma_wait3A_86 = arith.constant 0 : i32
      %dma_wait3A_87 = tpu.memref_slice %arg10[%add3A_19, %dma_wait3A_86] : memref<10240x128xf32, #tpu.memory_space<vmem_shared>> -> memref<80x128xf32, #tpu.memory_space<vmem_shared>>
      %dma_wait3A_88 = arith.constant 0 : i32
      %dma_wait3A_89 = tpu.memref_slice %arg10[%add3A_19, %dma_wait3A_88] : memref<10240x128xf32, #tpu.memory_space<vmem_shared>> -> memref<80x128xf32, #tpu.memory_space<vmem_shared>>
      tpu.wait_dma2 semaphore(%run_scoped3A : memref<!tpu.dma_semaphore, #tpu.memory_space<semaphore_mem>>) src(%arg8 : memref<80x128xf32, #tpu.memory_space<vmem>>) dst(%dma_wait3A_89 : memref<80x128xf32, #tpu.memory_space<vmem_shared>>)
      tpu.yield
    }) : () -> ()
    %mul3A_20 = arith.constant 640 : i32
    %mul3A_21 = arith.muli %arg1, %mul3A_20 : i32
    %add3A_22 = arith.constant 240 : i32
    %add3A_23 = arith.addi %mul3A_21, %add3A_22 : i32
    "tpu.region"() ({
      %run_scoped3A = tpu.sem_alloc : memref<!tpu.dma_semaphore, #tpu.memory_space<semaphore_mem>>
      %dma_start3A_82 = arith.constant 0 : i32
      %dma_start3A_83 = tpu.memref_slice %arg10[%add3A_23, %dma_start3A_82] : memref<10240x128xf32, #tpu.memory_space<vmem_shared>> -> memref<80x128xf32, #tpu.memory_space<vmem_shared>>
      %dma_start3A_84 = arith.constant 0 : i32
      %dma_start3A_85 = tpu.memref_slice %arg10[%add3A_23, %dma_start3A_84] : memref<10240x128xf32, #tpu.memory_space<vmem_shared>> -> memref<80x128xf32, #tpu.memory_space<vmem_shared>>
      tpu.enqueue_dma source(%arg8 : memref<80x128xf32, #tpu.memory_space<vmem>>) target(%dma_start3A_85 : memref<80x128xf32, #tpu.memory_space<vmem_shared>>) target_semaphore(%run_scoped3A : memref<!tpu.dma_semaphore, #tpu.memory_space<semaphore_mem>>)
      %dma_wait3A_86 = arith.constant 0 : i32
      %dma_wait3A_87 = tpu.memref_slice %arg10[%add3A_23, %dma_wait3A_86] : memref<10240x128xf32, #tpu.memory_space<vmem_shared>> -> memref<80x128xf32, #tpu.memory_space<vmem_shared>>
      %dma_wait3A_88 = arith.constant 0 : i32
      %dma_wait3A_89 = tpu.memref_slice %arg10[%add3A_23, %dma_wait3A_88] : memref<10240x128xf32, #tpu.memory_space<vmem_shared>> -> memref<80x128xf32, #tpu.memory_space<vmem_shared>>
      tpu.wait_dma2 semaphore(%run_scoped3A : memref<!tpu.dma_semaphore, #tpu.memory_space<semaphore_mem>>) src(%arg8 : memref<80x128xf32, #tpu.memory_space<vmem>>) dst(%dma_wait3A_89 : memref<80x128xf32, #tpu.memory_space<vmem_shared>>)
      tpu.yield
    }) : () -> ()
    %mul3A_24 = arith.constant 640 : i32
    %mul3A_25 = arith.muli %arg1, %mul3A_24 : i32
    %add3A_26 = arith.constant 320 : i32
    %add3A_27 = arith.addi %mul3A_25, %add3A_26 : i32
    "tpu.region"() ({
      %run_scoped3A = tpu.sem_alloc : memref<!tpu.dma_semaphore, #tpu.memory_space<semaphore_mem>>
      %dma_start3A_82 = arith.constant 0 : i32
      %dma_start3A_83 = tpu.memref_slice %arg10[%add3A_27, %dma_start3A_82] : memref<10240x128xf32, #tpu.memory_space<vmem_shared>> -> memref<80x128xf32, #tpu.memory_space<vmem_shared>>
      %dma_start3A_84 = arith.constant 0 : i32
      %dma_start3A_85 = tpu.memref_slice %arg10[%add3A_27, %dma_start3A_84] : memref<10240x128xf32, #tpu.memory_space<vmem_shared>> -> memref<80x128xf32, #tpu.memory_space<vmem_shared>>
      tpu.enqueue_dma source(%arg8 : memref<80x128xf32, #tpu.memory_space<vmem>>) target(%dma_start3A_85 : memref<80x128xf32, #tpu.memory_space<vmem_shared>>) target_semaphore(%run_scoped3A : memref<!tpu.dma_semaphore, #tpu.memory_space<semaphore_mem>>)
      %dma_wait3A_86 = arith.constant 0 : i32
      %dma_wait3A_87 = tpu.memref_slice %arg10[%add3A_27, %dma_wait3A_86] : memref<10240x128xf32, #tpu.memory_space<vmem_shared>> -> memref<80x128xf32, #tpu.memory_space<vmem_shared>>
      %dma_wait3A_88 = arith.constant 0 : i32
      %dma_wait3A_89 = tpu.memref_slice %arg10[%add3A_27, %dma_wait3A_88] : memref<10240x128xf32, #tpu.memory_space<vmem_shared>> -> memref<80x128xf32, #tpu.memory_space<vmem_shared>>
      tpu.wait_dma2 semaphore(%run_scoped3A : memref<!tpu.dma_semaphore, #tpu.memory_space<semaphore_mem>>) src(%arg8 : memref<80x128xf32, #tpu.memory_space<vmem>>) dst(%dma_wait3A_89 : memref<80x128xf32, #tpu.memory_space<vmem_shared>>)
      tpu.yield
    }) : () -> ()
    %mul3A_28 = arith.constant 640 : i32
    %mul3A_29 = arith.muli %arg1, %mul3A_28 : i32
    %add3A_30 = arith.constant 400 : i32
    %add3A_31 = arith.addi %mul3A_29, %add3A_30 : i32
    "tpu.region"() ({
      %run_scoped3A = tpu.sem_alloc : memref<!tpu.dma_semaphore, #tpu.memory_space<semaphore_mem>>
      %dma_start3A_82 = arith.constant 0 : i32
      %dma_start3A_83 = tpu.memref_slice %arg10[%add3A_31, %dma_start3A_82] : memref<10240x128xf32, #tpu.memory_space<vmem_shared>> -> memref<80x128xf32, #tpu.memory_space<vmem_shared>>
      %dma_start3A_84 = arith.constant 0 : i32
      %dma_start3A_85 = tpu.memref_slice %arg10[%add3A_31, %dma_start3A_84] : memref<10240x128xf32, #tpu.memory_space<vmem_shared>> -> memref<80x128xf32, #tpu.memory_space<vmem_shared>>
      tpu.enqueue_dma source(%arg8 : memref<80x128xf32, #tpu.memory_space<vmem>>) target(%dma_start3A_85 : memref<80x128xf32, #tpu.memory_space<vmem_shared>>) target_semaphore(%run_scoped3A : memref<!tpu.dma_semaphore, #tpu.memory_space<semaphore_mem>>)
      %dma_wait3A_86 = arith.constant 0 : i32
      %dma_wait3A_87 = tpu.memref_slice %arg10[%add3A_31, %dma_wait3A_86] : memref<10240x128xf32, #tpu.memory_space<vmem_shared>> -> memref<80x128xf32, #tpu.memory_space<vmem_shared>>
      %dma_wait3A_88 = arith.constant 0 : i32
      %dma_wait3A_89 = tpu.memref_slice %arg10[%add3A_31, %dma_wait3A_88] : memref<10240x128xf32, #tpu.memory_space<vmem_shared>> -> memref<80x128xf32, #tpu.memory_space<vmem_shared>>
      tpu.wait_dma2 semaphore(%run_scoped3A : memref<!tpu.dma_semaphore, #tpu.memory_space<semaphore_mem>>) src(%arg8 : memref<80x128xf32, #tpu.memory_space<vmem>>) dst(%dma_wait3A_89 : memref<80x128xf32, #tpu.memory_space<vmem_shared>>)
      tpu.yield
    }) : () -> ()
    %mul3A_32 = arith.constant 640 : i32
    %mul3A_33 = arith.muli %arg1, %mul3A_32 : i32
    %add3A_34 = arith.constant 480 : i32
    %add3A_35 = arith.addi %mul3A_33, %add3A_34 : i32
    "tpu.region"() ({
      %run_scoped3A = tpu.sem_alloc : memref<!tpu.dma_semaphore, #tpu.memory_space<semaphore_mem>>
      %dma_start3A_82 = arith.constant 0 : i32
      %dma_start3A_83 = tpu.memref_slice %arg10[%add3A_35, %dma_start3A_82] : memref<10240x128xf32, #tpu.memory_space<vmem_shared>> -> memref<80x128xf32, #tpu.memory_space<vmem_shared>>
      %dma_start3A_84 = arith.constant 0 : i32
      %dma_start3A_85 = tpu.memref_slice %arg10[%add3A_35, %dma_start3A_84] : memref<10240x128xf32, #tpu.memory_space<vmem_shared>> -> memref<80x128xf32, #tpu.memory_space<vmem_shared>>
      tpu.enqueue_dma source(%arg8 : memref<80x128xf32, #tpu.memory_space<vmem>>) target(%dma_start3A_85 : memref<80x128xf32, #tpu.memory_space<vmem_shared>>) target_semaphore(%run_scoped3A : memref<!tpu.dma_semaphore, #tpu.memory_space<semaphore_mem>>)
      %dma_wait3A_86 = arith.constant 0 : i32
      %dma_wait3A_87 = tpu.memref_slice %arg10[%add3A_35, %dma_wait3A_86] : memref<10240x128xf32, #tpu.memory_space<vmem_shared>> -> memref<80x128xf32, #tpu.memory_space<vmem_shared>>
      %dma_wait3A_88 = arith.constant 0 : i32
      %dma_wait3A_89 = tpu.memref_slice %arg10[%add3A_35, %dma_wait3A_88] : memref<10240x128xf32, #tpu.memory_space<vmem_shared>> -> memref<80x128xf32, #tpu.memory_space<vmem_shared>>
      tpu.wait_dma2 semaphore(%run_scoped3A : memref<!tpu.dma_semaphore, #tpu.memory_space<semaphore_mem>>) src(%arg8 : memref<80x128xf32, #tpu.memory_space<vmem>>) dst(%dma_wait3A_89 : memref<80x128xf32, #tpu.memory_space<vmem_shared>>)
      tpu.yield
    }) : () -> ()
    %mul3A_36 = arith.constant 640 : i32
    %mul3A_37 = arith.muli %arg1, %mul3A_36 : i32
    %add3A_38 = arith.constant 560 : i32
    %add3A_39 = arith.addi %mul3A_37, %add3A_38 : i32
    "tpu.region"() ({
      %run_scoped3A = tpu.sem_alloc : memref<!tpu.dma_semaphore, #tpu.memory_space<semaphore_mem>>
      %dma_start3A_82 = arith.constant 0 : i32
      %dma_start3A_83 = tpu.memref_slice %arg10[%add3A_39, %dma_start3A_82] : memref<10240x128xf32, #tpu.memory_space<vmem_shared>> -> memref<80x128xf32, #tpu.memory_space<vmem_shared>>
      %dma_start3A_84 = arith.constant 0 : i32
      %dma_start3A_85 = tpu.memref_slice %arg10[%add3A_39, %dma_start3A_84] : memref<10240x128xf32, #tpu.memory_space<vmem_shared>> -> memref<80x128xf32, #tpu.memory_space<vmem_shared>>
      tpu.enqueue_dma source(%arg8 : memref<80x128xf32, #tpu.memory_space<vmem>>) target(%dma_start3A_85 : memref<80x128xf32, #tpu.memory_space<vmem_shared>>) target_semaphore(%run_scoped3A : memref<!tpu.dma_semaphore, #tpu.memory_space<semaphore_mem>>)
      %dma_wait3A_86 = arith.constant 0 : i32
      %dma_wait3A_87 = tpu.memref_slice %arg10[%add3A_39, %dma_wait3A_86] : memref<10240x128xf32, #tpu.memory_space<vmem_shared>> -> memref<80x128xf32, #tpu.memory_space<vmem_shared>>
      %dma_wait3A_88 = arith.constant 0 : i32
      %dma_wait3A_89 = tpu.memref_slice %arg10[%add3A_39, %dma_wait3A_88] : memref<10240x128xf32, #tpu.memory_space<vmem_shared>> -> memref<80x128xf32, #tpu.memory_space<vmem_shared>>
      tpu.wait_dma2 semaphore(%run_scoped3A : memref<!tpu.dma_semaphore, #tpu.memory_space<semaphore_mem>>) src(%arg8 : memref<80x128xf32, #tpu.memory_space<vmem>>) dst(%dma_wait3A_89 : memref<80x128xf32, #tpu.memory_space<vmem_shared>>)
      tpu.yield
    }) : () -> ()
    %barrier3A = arith.constant 0 : index
    tpu.barrier barrier_id(%barrier3A)
    %dma_start3A = arith.constant 0 : i32
    %dma_start3A_40 = tpu.memref_slice %arg6[%dma_start3A] : memref<10000xi32, #tpu.memory_space<vmem>> -> memref<80xi32, #tpu.memory_space<vmem>>
    %dma_start3A_41 = arith.constant 0 : i32
    %dma_start3A_42 = arith.constant 0 : i32
    %dma_start3A_43 = tpu.memref_slice %arg2[%dma_start3A_41, %dma_start3A_42] : memref<10000x128xf32, #tpu.memory_space<hbm>> -> memref<10000x128xf32, #tpu.memory_space<hbm>>
    tpu.enqueue_indirect_dma source(%dma_start3A_43 : memref<10000x128xf32, #tpu.memory_space<hbm>>) target(%arg8 : memref<80x128xf32, #tpu.memory_space<vmem>>) offsets(%dma_start3A_40 : memref<80xi32, #tpu.memory_space<vmem>>) semaphore(%arg11 : memref<!tpu.dma_semaphore, #tpu.memory_space<semaphore_mem>>)
    %scan3A = arith.constant 0 : i32
    %scan3A_44 = arith.constant 0 : i32
    %scan3A_45 = arith.constant 62 : i32
    %scan3A_46 = arith.addi %scan3A_44, %scan3A_45 : i32
    %scan3A_47 = arith.constant 1 : i32
    scf.for %scan3A_82 = %scan3A_44 to %scan3A_46 step %scan3A_47  : i32 {
      %mul3A_83 = arith.constant 2 : i32
      %mul3A_84 = arith.muli %mul3A_83, %scan3A_82 : i32
      %mul3A_85 = arith.constant 80 : i32
      %mul3A_86 = arith.muli %mul3A_84, %mul3A_85 : i32
      %dma_wait3A_87 = tpu.memref_slice %arg6[%mul3A_86] : memref<10000xi32, #tpu.memory_space<vmem>> -> memref<80xi32, #tpu.memory_space<vmem>>
      %dma_wait3A_88 = arith.constant 0 : i32
      %dma_wait3A_89 = arith.constant 0 : i32
      %dma_wait3A_90 = tpu.memref_slice %arg2[%dma_wait3A_88, %dma_wait3A_89] : memref<10000x128xf32, #tpu.memory_space<hbm>> -> memref<10000x128xf32, #tpu.memory_space<hbm>>
      tpu.wait_indirect_dma semaphore(%arg11 : memref<!tpu.dma_semaphore, #tpu.memory_space<semaphore_mem>>) src(%dma_wait3A_90 : memref<10000x128xf32, #tpu.memory_space<hbm>>) dst(%arg8 : memref<80x128xf32, #tpu.memory_space<vmem>>)
      %gt3A = arith.constant 0 : i32
      %gt3A_91 = arith.cmpi sgt, %scan3A_82, %gt3A : i32
      %convert_element_type3A = arith.extui %gt3A_91 : i1 to i32
      %cond3A = arith.constant 0 : i32
      %cond3A_92 = arith.cmpi ne, %convert_element_type3A, %cond3A : i32
      scf.if %cond3A_92 {
        %sub3A = arith.constant 1 : i32
        %sub3A_137 = arith.subi %mul3A_84, %sub3A : i32
        %dma_wait3A_138 = arith.constant 0 : i32
        %dma_wait3A_139 = tpu.memref_slice %arg7[%sub3A_137, %dma_wait3A_138] : memref<125x80xi32, #tpu.memory_space<vmem>> -> memref<1x80xi32, #tpu.memory_space<vmem>>
        %dma_wait3A_140 = tpu.memref_squeeze %dma_wait3A_139 : memref<1x80xi32, #tpu.memory_space<vmem>> -> memref<80xi32, #tpu.memory_space<vmem>>
        %dma_wait3A_141 = arith.constant 0 : i32
        %dma_wait3A_142 = arith.constant 0 : i32
        %dma_wait3A_143 = tpu.memref_slice %arg10[%dma_wait3A_141, %dma_wait3A_142] : memref<10240x128xf32, #tpu.memory_space<vmem_shared>> -> memref<10240x128xf32, #tpu.memory_space<vmem_shared>>
        tpu.wait_indirect_dma semaphore(%arg14 : memref<!tpu.dma_semaphore, #tpu.memory_space<semaphore_mem>>) src(%arg9 : memref<80x128xf32, #tpu.memory_space<vmem>>) dst(%dma_wait3A_143 : memref<10240x128xf32, #tpu.memory_space<vmem_shared>>)
      } else {
      }
      %add3A_93 = arith.constant 1 : i32
      %add3A_94 = arith.addi %mul3A_84, %add3A_93 : i32
      %mul3A_95 = arith.constant 80 : i32
      %mul3A_96 = arith.muli %add3A_94, %mul3A_95 : i32
      %dma_start3A_97 = tpu.memref_slice %arg6[%mul3A_96] : memref<10000xi32, #tpu.memory_space<vmem>> -> memref<80xi32, #tpu.memory_space<vmem>>
      %dma_start3A_98 = arith.constant 0 : i32
      %dma_start3A_99 = arith.constant 0 : i32
      %dma_start3A_100 = tpu.memref_slice %arg2[%dma_start3A_98, %dma_start3A_99] : memref<10000x128xf32, #tpu.memory_space<hbm>> -> memref<10000x128xf32, #tpu.memory_space<hbm>>
      tpu.enqueue_indirect_dma source(%dma_start3A_100 : memref<10000x128xf32, #tpu.memory_space<hbm>>) target(%arg9 : memref<80x128xf32, #tpu.memory_space<vmem>>) offsets(%dma_start3A_97 : memref<80xi32, #tpu.memory_space<vmem>>) semaphore(%arg12 : memref<!tpu.dma_semaphore, #tpu.memory_space<semaphore_mem>>)
      %dma_start3A_101 = arith.constant 0 : i32
      %dma_start3A_102 = tpu.memref_slice %arg7[%mul3A_84, %dma_start3A_101] : memref<125x80xi32, #tpu.memory_space<vmem>> -> memref<1x80xi32, #tpu.memory_space<vmem>>
      %dma_start3A_103 = tpu.memref_squeeze %dma_start3A_102 : memref<1x80xi32, #tpu.memory_space<vmem>> -> memref<80xi32, #tpu.memory_space<vmem>>
      %dma_start3A_104 = arith.constant 0 : i32
      %dma_start3A_105 = arith.constant 0 : i32
      %dma_start3A_106 = tpu.memref_slice %arg10[%dma_start3A_104, %dma_start3A_105] : memref<10240x128xf32, #tpu.memory_space<vmem_shared>> -> memref<10240x128xf32, #tpu.memory_space<vmem_shared>>
      tpu.enqueue_indirect_dma source(%arg8 : memref<80x128xf32, #tpu.memory_space<vmem>>) target(%dma_start3A_106 : memref<10240x128xf32, #tpu.memory_space<vmem_shared>>) offsets(%dma_start3A_103 : memref<80xi32, #tpu.memory_space<vmem>>) semaphore(%arg13 : memref<!tpu.dma_semaphore, #tpu.memory_space<semaphore_mem>>) {add = true}
      %add3A_107 = arith.constant 1 : i32
      %add3A_108 = arith.addi %mul3A_84, %add3A_107 : i32
      %mul3A_109 = arith.constant 80 : i32
      %mul3A_110 = arith.muli %add3A_108, %mul3A_109 : i32
      %dma_wait3A_111 = tpu.memref_slice %arg6[%mul3A_110] : memref<10000xi32, #tpu.memory_space<vmem>> -> memref<80xi32, #tpu.memory_space<vmem>>
      %dma_wait3A_112 = arith.constant 0 : i32
      %dma_wait3A_113 = arith.constant 0 : i32
      %dma_wait3A_114 = tpu.memref_slice %arg2[%dma_wait3A_112, %dma_wait3A_113] : memref<10000x128xf32, #tpu.memory_space<hbm>> -> memref<10000x128xf32, #tpu.memory_space<hbm>>
      tpu.wait_indirect_dma semaphore(%arg12 : memref<!tpu.dma_semaphore, #tpu.memory_space<semaphore_mem>>) src(%dma_wait3A_114 : memref<10000x128xf32, #tpu.memory_space<hbm>>) dst(%arg9 : memref<80x128xf32, #tpu.memory_space<vmem>>)
      %dma_wait3A_115 = arith.constant 0 : i32
      %dma_wait3A_116 = tpu.memref_slice %arg7[%mul3A_84, %dma_wait3A_115] : memref<125x80xi32, #tpu.memory_space<vmem>> -> memref<1x80xi32, #tpu.memory_space<vmem>>
      %dma_wait3A_117 = tpu.memref_squeeze %dma_wait3A_116 : memref<1x80xi32, #tpu.memory_space<vmem>> -> memref<80xi32, #tpu.memory_space<vmem>>
      %dma_wait3A_118 = arith.constant 0 : i32
      %dma_wait3A_119 = arith.constant 0 : i32
      %dma_wait3A_120 = tpu.memref_slice %arg10[%dma_wait3A_118, %dma_wait3A_119] : memref<10240x128xf32, #tpu.memory_space<vmem_shared>> -> memref<10240x128xf32, #tpu.memory_space<vmem_shared>>
      tpu.wait_indirect_dma semaphore(%arg13 : memref<!tpu.dma_semaphore, #tpu.memory_space<semaphore_mem>>) src(%arg8 : memref<80x128xf32, #tpu.memory_space<vmem>>) dst(%dma_wait3A_120 : memref<10240x128xf32, #tpu.memory_space<vmem_shared>>)
      %add3A_121 = arith.constant 2 : i32
      %add3A_122 = arith.addi %mul3A_84, %add3A_121 : i32
      %mul3A_123 = arith.constant 80 : i32
      %mul3A_124 = arith.muli %add3A_122, %mul3A_123 : i32
      %dma_start3A_125 = tpu.memref_slice %arg6[%mul3A_124] : memref<10000xi32, #tpu.memory_space<vmem>> -> memref<80xi32, #tpu.memory_space<vmem>>
      %dma_start3A_126 = arith.constant 0 : i32
      %dma_start3A_127 = arith.constant 0 : i32
      %dma_start3A_128 = tpu.memref_slice %arg2[%dma_start3A_126, %dma_start3A_127] : memref<10000x128xf32, #tpu.memory_space<hbm>> -> memref<10000x128xf32, #tpu.memory_space<hbm>>
      tpu.enqueue_indirect_dma source(%dma_start3A_128 : memref<10000x128xf32, #tpu.memory_space<hbm>>) target(%arg8 : memref<80x128xf32, #tpu.memory_space<vmem>>) offsets(%dma_start3A_125 : memref<80xi32, #tpu.memory_space<vmem>>) semaphore(%arg11 : memref<!tpu.dma_semaphore, #tpu.memory_space<semaphore_mem>>)
      %add3A_129 = arith.constant 1 : i32
      %add3A_130 = arith.addi %mul3A_84, %add3A_129 : i32
      %dma_start3A_131 = arith.constant 0 : i32
      %dma_start3A_132 = tpu.memref_slice %arg7[%add3A_130, %dma_start3A_131] : memref<125x80xi32, #tpu.memory_space<vmem>> -> memref<1x80xi32, #tpu.memory_space<vmem>>
      %dma_start3A_133 = tpu.memref_squeeze %dma_start3A_132 : memref<1x80xi32, #tpu.memory_space<vmem>> -> memref<80xi32, #tpu.memory_space<vmem>>
      %dma_start3A_134 = arith.constant 0 : i32
      %dma_start3A_135 = arith.constant 0 : i32
      %dma_start3A_136 = tpu.memref_slice %arg10[%dma_start3A_134, %dma_start3A_135] : memref<10240x128xf32, #tpu.memory_space<vmem_shared>> -> memref<10240x128xf32, #tpu.memory_space<vmem_shared>>
      tpu.enqueue_indirect_dma source(%arg9 : memref<80x128xf32, #tpu.memory_space<vmem>>) target(%dma_start3A_136 : memref<10240x128xf32, #tpu.memory_space<vmem_shared>>) offsets(%dma_start3A_133 : memref<80xi32, #tpu.memory_space<vmem>>) semaphore(%arg14 : memref<!tpu.dma_semaphore, #tpu.memory_space<semaphore_mem>>) {add = true}
    }
    %scan3A_48 = arith.constant 62 : i32
    %dma_wait3A = arith.constant 9920 : i32
    %dma_wait3A_49 = tpu.memref_slice %arg6[%dma_wait3A] : memref<10000xi32, #tpu.memory_space<vmem>> -> memref<80xi32, #tpu.memory_space<vmem>>
    %dma_wait3A_50 = arith.constant 0 : i32
    %dma_wait3A_51 = arith.constant 0 : i32
    %dma_wait3A_52 = tpu.memref_slice %arg2[%dma_wait3A_50, %dma_wait3A_51] : memref<10000x128xf32, #tpu.memory_space<hbm>> -> memref<10000x128xf32, #tpu.memory_space<hbm>>
    tpu.wait_indirect_dma semaphore(%arg11 : memref<!tpu.dma_semaphore, #tpu.memory_space<semaphore_mem>>) src(%dma_wait3A_52 : memref<10000x128xf32, #tpu.memory_space<hbm>>) dst(%arg8 : memref<80x128xf32, #tpu.memory_space<vmem>>)
    %dma_wait3A_53 = arith.constant 123 : i32
    %dma_wait3A_54 = arith.constant 0 : i32
    %dma_wait3A_55 = tpu.memref_slice %arg7[%dma_wait3A_53, %dma_wait3A_54] : memref<125x80xi32, #tpu.memory_space<vmem>> -> memref<1x80xi32, #tpu.memory_space<vmem>>
    %dma_wait3A_56 = tpu.memref_squeeze %dma_wait3A_55 : memref<1x80xi32, #tpu.memory_space<vmem>> -> memref<80xi32, #tpu.memory_space<vmem>>
    %dma_wait3A_57 = arith.constant 0 : i32
    %dma_wait3A_58 = arith.constant 0 : i32
    %dma_wait3A_59 = tpu.memref_slice %arg10[%dma_wait3A_57, %dma_wait3A_58] : memref<10240x128xf32, #tpu.memory_space<vmem_shared>> -> memref<10240x128xf32, #tpu.memory_space<vmem_shared>>
    tpu.wait_indirect_dma semaphore(%arg14 : memref<!tpu.dma_semaphore, #tpu.memory_space<semaphore_mem>>) src(%arg9 : memref<80x128xf32, #tpu.memory_space<vmem>>) dst(%dma_wait3A_59 : memref<10240x128xf32, #tpu.memory_space<vmem_shared>>)
    %dma_start3A_60 = arith.constant 124 : i32
    %dma_start3A_61 = arith.constant 0 : i32
    %dma_start3A_62 = tpu.memref_slice %arg7[%dma_start3A_60, %dma_start3A_61] : memref<125x80xi32, #tpu.memory_space<vmem>> -> memref<1x80xi32, #tpu.memory_space<vmem>>
    %dma_start3A_63 = tpu.memref_squeeze %dma_start3A_62 : memref<1x80xi32, #tpu.memory_space<vmem>> -> memref<80xi32, #tpu.memory_space<vmem>>
    %dma_start3A_64 = arith.constant 0 : i32
    %dma_start3A_65 = arith.constant 0 : i32
    %dma_start3A_66 = tpu.memref_slice %arg10[%dma_start3A_64, %dma_start3A_65] : memref<10240x128xf32, #tpu.memory_space<vmem_shared>> -> memref<10240x128xf32, #tpu.memory_space<vmem_shared>>
    tpu.enqueue_indirect_dma source(%arg8 : memref<80x128xf32, #tpu.memory_space<vmem>>) target(%dma_start3A_66 : memref<10240x128xf32, #tpu.memory_space<vmem_shared>>) offsets(%dma_start3A_63 : memref<80xi32, #tpu.memory_space<vmem>>) semaphore(%arg13 : memref<!tpu.dma_semaphore, #tpu.memory_space<semaphore_mem>>) {add = true}
    %dma_wait3A_67 = arith.constant 124 : i32
    %dma_wait3A_68 = arith.constant 0 : i32
    %dma_wait3A_69 = tpu.memref_slice %arg7[%dma_wait3A_67, %dma_wait3A_68] : memref<125x80xi32, #tpu.memory_space<vmem>> -> memref<1x80xi32, #tpu.memory_space<vmem>>
    %dma_wait3A_70 = tpu.memref_squeeze %dma_wait3A_69 : memref<1x80xi32, #tpu.memory_space<vmem>> -> memref<80xi32, #tpu.memory_space<vmem>>
    %dma_wait3A_71 = arith.constant 0 : i32
    %dma_wait3A_72 = arith.constant 0 : i32
    %dma_wait3A_73 = tpu.memref_slice %arg10[%dma_wait3A_71, %dma_wait3A_72] : memref<10240x128xf32, #tpu.memory_space<vmem_shared>> -> memref<10240x128xf32, #tpu.memory_space<vmem_shared>>
    tpu.wait_indirect_dma semaphore(%arg13 : memref<!tpu.dma_semaphore, #tpu.memory_space<semaphore_mem>>) src(%arg8 : memref<80x128xf32, #tpu.memory_space<vmem>>) dst(%dma_wait3A_73 : memref<10240x128xf32, #tpu.memory_space<vmem_shared>>)
    %barrier3A_74 = arith.constant 0 : index
    tpu.barrier barrier_id(%barrier3A_74)
    %mul3A_75 = arith.constant 640 : i32
    %mul3A_76 = arith.muli %arg1, %mul3A_75 : i32
    %mul3A_77 = arith.constant 10240 : i32
    %mul3A_78 = arith.muli %arg0, %mul3A_77 : i32
    %mul3A_79 = arith.constant 640 : i32
    %mul3A_80 = arith.muli %arg1, %mul3A_79 : i32
    %add3A_81 = arith.addi %mul3A_78, %mul3A_80 : i32
    "tpu.region"() ({
      %run_scoped3A = tpu.sem_alloc : memref<!tpu.dma_semaphore, #tpu.memory_space<semaphore_mem>>
      %dma_start3A_82 = arith.constant 0 : i32
      %dma_start3A_83 = tpu.memref_slice %arg5[%add3A_81, %dma_start3A_82] : memref<20480x128xf32, #tpu.memory_space<hbm>> -> memref<640x128xf32, #tpu.memory_space<hbm>>
      %dma_start3A_84 = arith.constant 0 : i32
      %dma_start3A_85 = tpu.memref_slice %arg10[%mul3A_76, %dma_start3A_84] : memref<10240x128xf32, #tpu.memory_space<vmem_shared>> -> memref<640x128xf32, #tpu.memory_space<vmem_shared>>
      tpu.enqueue_dma source(%dma_start3A_85 : memref<640x128xf32, #tpu.memory_space<vmem_shared>>) target(%dma_start3A_83 : memref<640x128xf32, #tpu.memory_space<hbm>>) target_semaphore(%run_scoped3A : memref<!tpu.dma_semaphore, #tpu.memory_space<semaphore_mem>>)
      %dma_wait3A_86 = arith.constant 0 : i32
      %dma_wait3A_87 = tpu.memref_slice %arg5[%add3A_81, %dma_wait3A_86] : memref<20480x128xf32, #tpu.memory_space<hbm>> -> memref<640x128xf32, #tpu.memory_space<hbm>>
      %dma_wait3A_88 = arith.constant 0 : i32
      %dma_wait3A_89 = tpu.memref_slice %arg10[%mul3A_76, %dma_wait3A_88] : memref<10240x128xf32, #tpu.memory_space<vmem_shared>> -> memref<640x128xf32, #tpu.memory_space<vmem_shared>>
      tpu.wait_dma2 semaphore(%run_scoped3A : memref<!tpu.dma_semaphore, #tpu.memory_space<semaphore_mem>>) src(%dma_wait3A_89 : memref<640x128xf32, #tpu.memory_space<vmem_shared>>) dst(%dma_wait3A_87 : memref<640x128xf32, #tpu.memory_space<hbm>>)
      tpu.yield
    }) : () -> ()
    return
  }
}

#map = affine_map<(d0, d1) -> (0)>
#map1 = affine_map<(d0, d1) -> (0, 0)>
module attributes {stable_mosaic.version = 14 : i64} {
  func.func @_deg_kernel(%arg0: i32, %arg1: i32, %arg2: memref<320000xi32, #tpu.memory_space<hbm>>, %arg3: memref<32x10000xf32, #tpu.memory_space<hbm>>, %arg4: memref<10000xi32, #tpu.memory_space<vmem>>, %arg5: memref<10000xf32, #tpu.memory_space<vmem>>) attributes {dimension_semantics = [#tpu.dimension_semantics<core_parallel>, #tpu.dimension_semantics<subcore_parallel>], iteration_bounds = array<i64: 2, 16>, scalar_prefetch = 0 : i64, scratch_operands = 2 : i64, tpu.core_type = #tpu.core_type<sc_vector_subcore>, window_params = [{transform_indices = #map}, {transform_indices = #map1}]} {
    %mul3A = arith.constant 2 : i32
    %mul3A_0 = arith.muli %arg1, %mul3A : i32
    %add3A = arith.addi %mul3A_0, %arg0 : i32
    %mul3A_1 = arith.constant 10000 : i32
    %mul3A_2 = arith.muli %add3A, %mul3A_1 : i32
    "tpu.region"() ({
      %run_scoped3A = tpu.sem_alloc : memref<!tpu.dma_semaphore, #tpu.memory_space<semaphore_mem>>
      %dma_start3A = tpu.memref_slice %arg2[%mul3A_2] : memref<320000xi32, #tpu.memory_space<hbm>> -> memref<10000xi32, #tpu.memory_space<hbm>>
      %dma_start3A_15 = tpu.memref_slice %arg2[%mul3A_2] : memref<320000xi32, #tpu.memory_space<hbm>> -> memref<10000xi32, #tpu.memory_space<hbm>>
      tpu.enqueue_dma source(%dma_start3A_15 : memref<10000xi32, #tpu.memory_space<hbm>>) target(%arg4 : memref<10000xi32, #tpu.memory_space<vmem>>) target_semaphore(%run_scoped3A : memref<!tpu.dma_semaphore, #tpu.memory_space<semaphore_mem>>)
      %dma_wait3A = tpu.memref_slice %arg2[%mul3A_2] : memref<320000xi32, #tpu.memory_space<hbm>> -> memref<10000xi32, #tpu.memory_space<hbm>>
      %dma_wait3A_16 = tpu.memref_slice %arg2[%mul3A_2] : memref<320000xi32, #tpu.memory_space<hbm>> -> memref<10000xi32, #tpu.memory_space<hbm>>
      tpu.wait_dma2 semaphore(%run_scoped3A : memref<!tpu.dma_semaphore, #tpu.memory_space<semaphore_mem>>) src(%dma_wait3A_16 : memref<10000xi32, #tpu.memory_space<hbm>>) dst(%arg4 : memref<10000xi32, #tpu.memory_space<vmem>>)
      tpu.yield
    }) : () -> ()
    %scan3A = arith.constant 0 : i32
    %scan3A_3 = arith.constant 0 : i32
    %scan3A_4 = arith.constant 625 : i32
    %scan3A_5 = arith.addi %scan3A_3, %scan3A_4 : i32
    %scan3A_6 = arith.constant 1 : i32
    scf.for %scan3A_15 = %scan3A_3 to %scan3A_5 step %scan3A_6  : i32 {
      %broadcast_in_dim3A_16 = arith.constant 0.000000e+00 : f32
      %broadcast_in_dim3A_17 = vector.broadcast %broadcast_in_dim3A_16 : f32 to vector<16xf32>
      %mul3A_18 = arith.constant 16 : i32
      %mul3A_19 = arith.muli %scan3A_15, %mul3A_18 : i32
      %swap3A = arith.index_cast %mul3A_19 : i32 to index
      %swap3A_20 = tpu.vector_load %arg5[%swap3A] {strides = array<i32>} : memref<10000xf32, #tpu.memory_space<vmem>>, vector<16xf32>,
      tpu.vector_store %arg5[%swap3A], %broadcast_in_dim3A_17 {strides = array<i32>} : memref<10000xf32, #tpu.memory_space<vmem>>, vector<16xf32>,
    }
    %scan3A_7 = arith.constant 625 : i32
    %broadcast_in_dim3A = arith.constant 1.000000e+00 : f32
    %broadcast_in_dim3A_8 = vector.broadcast %broadcast_in_dim3A : f32 to vector<16xf32>
    %scan3A_9 = arith.constant 0 : i32
    %scan3A_10 = arith.constant 0 : i32
    %scan3A_11 = arith.constant 625 : i32
    %scan3A_12 = arith.addi %scan3A_10, %scan3A_11 : i32
    %scan3A_13 = arith.constant 1 : i32
    scf.for %scan3A_15 = %scan3A_10 to %scan3A_12 step %scan3A_13  : i32 {
      %mul3A_16 = arith.constant 16 : i32
      %mul3A_17 = arith.muli %scan3A_15, %mul3A_16 : i32
      %get3A = arith.index_cast %mul3A_17 : i32 to index
      %get3A_18 = tpu.vector_load %arg4[%get3A] {strides = array<i32>} : memref<10000xi32, #tpu.memory_space<vmem>>, vector<16xi32>,
      tpu.vector_store_idx %arg5[%get3A_18], %broadcast_in_dim3A_8 {add = true} : memref<10000xf32, #tpu.memory_space<vmem>>[vector<16xi32>], vector<16xf32>,
    }
    %scan3A_14 = arith.constant 625 : i32
    "tpu.region"() ({
      %run_scoped3A = tpu.sem_alloc : memref<!tpu.dma_semaphore, #tpu.memory_space<semaphore_mem>>
      %dma_start3A = arith.constant 0 : i32
      %dma_start3A_15 = tpu.memref_slice %arg3[%add3A, %dma_start3A] : memref<32x10000xf32, #tpu.memory_space<hbm>> -> memref<1x10000xf32, #tpu.memory_space<hbm>>
      %dma_start3A_16 = tpu.memref_squeeze %dma_start3A_15 : memref<1x10000xf32, #tpu.memory_space<hbm>> -> memref<10000xf32, #tpu.memory_space<hbm>>
      %dma_start3A_17 = arith.constant 0 : i32
      %dma_start3A_18 = tpu.memref_slice %arg3[%add3A, %dma_start3A_17] : memref<32x10000xf32, #tpu.memory_space<hbm>> -> memref<1x10000xf32, #tpu.memory_space<hbm>>
      %dma_start3A_19 = tpu.memref_squeeze %dma_start3A_18 : memref<1x10000xf32, #tpu.memory_space<hbm>> -> memref<10000xf32, #tpu.memory_space<hbm>>
      tpu.enqueue_dma source(%arg5 : memref<10000xf32, #tpu.memory_space<vmem>>) target(%dma_start3A_19 : memref<10000xf32, #tpu.memory_space<hbm>>) target_semaphore(%run_scoped3A : memref<!tpu.dma_semaphore, #tpu.memory_space<semaphore_mem>>)
      %dma_wait3A = arith.constant 0 : i32
      %dma_wait3A_20 = tpu.memref_slice %arg3[%add3A, %dma_wait3A] : memref<32x10000xf32, #tpu.memory_space<hbm>> -> memref<1x10000xf32, #tpu.memory_space<hbm>>
      %dma_wait3A_21 = tpu.memref_squeeze %dma_wait3A_20 : memref<1x10000xf32, #tpu.memory_space<hbm>> -> memref<10000xf32, #tpu.memory_space<hbm>>
      %dma_wait3A_22 = arith.constant 0 : i32
      %dma_wait3A_23 = tpu.memref_slice %arg3[%add3A, %dma_wait3A_22] : memref<32x10000xf32, #tpu.memory_space<hbm>> -> memref<1x10000xf32, #tpu.memory_space<hbm>>
      %dma_wait3A_24 = tpu.memref_squeeze %dma_wait3A_23 : memref<1x10000xf32, #tpu.memory_space<hbm>> -> memref<10000xf32, #tpu.memory_space<hbm>>
      tpu.wait_dma2 semaphore(%run_scoped3A : memref<!tpu.dma_semaphore, #tpu.memory_space<semaphore_mem>>) src(%arg5 : memref<10000xf32, #tpu.memory_space<vmem>>) dst(%dma_wait3A_24 : memref<10000xf32, #tpu.memory_space<hbm>>)
      tpu.yield
    }) : () -> ()
    return
  }
}

#map = affine_map<(d0, d1) -> (0, 0)>
#map1 = affine_map<(d0, d1) -> (0)>
#map2 = affine_map<(d0, d1) -> (0, 0, 0)>
module attributes {stable_mosaic.version = 14 : i64} {
  func.func @_agg_kernel(%arg0: i32, %arg1: i32, %arg2: memref<10000x128xf32, #tpu.memory_space<hbm>>, %arg3: memref<320000xi32, #tpu.memory_space<hbm>>, %arg4: memref<32x125x80xi32, #tpu.memory_space<hbm>>, %arg5: memref<20480x128xf32, #tpu.memory_space<hbm>>, %arg6: memref<10000xi32, #tpu.memory_space<vmem>>, %arg7: memref<125x80xi32, #tpu.memory_space<vmem>>, %arg8: memref<80x128xf32, #tpu.memory_space<vmem>>, %arg9: memref<80x128xf32, #tpu.memory_space<vmem>>, %arg10: memref<10240x128xf32, #tpu.memory_space<vmem_shared>>, %arg11: memref<!tpu.dma_semaphore, #tpu.memory_space<semaphore_mem>>, %arg12: memref<!tpu.dma_semaphore, #tpu.memory_space<semaphore_mem>>, %arg13: memref<!tpu.dma_semaphore, #tpu.memory_space<semaphore_mem>>, %arg14: memref<!tpu.dma_semaphore, #tpu.memory_space<semaphore_mem>>) attributes {dimension_semantics = [#tpu.dimension_semantics<core_parallel>, #tpu.dimension_semantics<subcore_parallel>], iteration_bounds = array<i64: 2, 16>, scalar_prefetch = 0 : i64, scratch_operands = 9 : i64, tpu.core_type = #tpu.core_type<sc_vector_subcore>, window_params = [{transform_indices = #map}, {transform_indices = #map1}, {transform_indices = #map2}, {transform_indices = #map}]} {
    %mul3A = arith.constant 2 : i32
    %mul3A_0 = arith.muli %arg1, %mul3A : i32
    %add3A = arith.addi %mul3A_0, %arg0 : i32
    %mul3A_1 = arith.constant 10000 : i32
    %mul3A_2 = arith.muli %add3A, %mul3A_1 : i32
    "tpu.region"() ({
      %run_scoped3A = tpu.sem_alloc : memref<!tpu.dma_semaphore, #tpu.memory_space<semaphore_mem>>
      %dma_start3A_82 = tpu.memref_slice %arg3[%mul3A_2] : memref<320000xi32, #tpu.memory_space<hbm>> -> memref<10000xi32, #tpu.memory_space<hbm>>
      %dma_start3A_83 = tpu.memref_slice %arg3[%mul3A_2] : memref<320000xi32, #tpu.memory_space<hbm>> -> memref<10000xi32, #tpu.memory_space<hbm>>
      tpu.enqueue_dma source(%dma_start3A_83 : memref<10000xi32, #tpu.memory_space<hbm>>) target(%arg6 : memref<10000xi32, #tpu.memory_space<vmem>>) target_semaphore(%run_scoped3A : memref<!tpu.dma_semaphore, #tpu.memory_space<semaphore_mem>>)
      %dma_wait3A_84 = tpu.memref_slice %arg3[%mul3A_2] : memref<320000xi32, #tpu.memory_space<hbm>> -> memref<10000xi32, #tpu.memory_space<hbm>>
      %dma_wait3A_85 = tpu.memref_slice %arg3[%mul3A_2] : memref<320000xi32, #tpu.memory_space<hbm>> -> memref<10000xi32, #tpu.memory_space<hbm>>
      tpu.wait_dma2 semaphore(%run_scoped3A : memref<!tpu.dma_semaphore, #tpu.memory_space<semaphore_mem>>) src(%dma_wait3A_85 : memref<10000xi32, #tpu.memory_space<hbm>>) dst(%arg6 : memref<10000xi32, #tpu.memory_space<vmem>>)
      tpu.yield
    }) : () -> ()
    "tpu.region"() ({
      %run_scoped3A = tpu.sem_alloc : memref<!tpu.dma_semaphore, #tpu.memory_space<semaphore_mem>>
      %dma_start3A_82 = arith.constant 0 : i32
      %dma_start3A_83 = arith.constant 0 : i32
      %dma_start3A_84 = tpu.memref_slice %arg4[%add3A, %dma_start3A_82, %dma_start3A_83] : memref<32x125x80xi32, #tpu.memory_space<hbm>> -> memref<1x125x80xi32, #tpu.memory_space<hbm>>
      %dma_start3A_85 = tpu.memref_squeeze %dma_start3A_84 : memref<1x125x80xi32, #tpu.memory_space<hbm>> -> memref<125x80xi32, #tpu.memory_space<hbm>>
      %dma_start3A_86 = arith.constant 0 : i32
      %dma_start3A_87 = arith.constant 0 : i32
      %dma_start3A_88 = tpu.memref_slice %arg4[%add3A, %dma_start3A_86, %dma_start3A_87] : memref<32x125x80xi32, #tpu.memory_space<hbm>> -> memref<1x125x80xi32, #tpu.memory_space<hbm>>
      %dma_start3A_89 = tpu.memref_squeeze %dma_start3A_88 : memref<1x125x80xi32, #tpu.memory_space<hbm>> -> memref<125x80xi32, #tpu.memory_space<hbm>>
      tpu.enqueue_dma source(%dma_start3A_89 : memref<125x80xi32, #tpu.memory_space<hbm>>) target(%arg7 : memref<125x80xi32, #tpu.memory_space<vmem>>) target_semaphore(%run_scoped3A : memref<!tpu.dma_semaphore, #tpu.memory_space<semaphore_mem>>)
      %dma_wait3A_90 = arith.constant 0 : i32
      %dma_wait3A_91 = arith.constant 0 : i32
      %dma_wait3A_92 = tpu.memref_slice %arg4[%add3A, %dma_wait3A_90, %dma_wait3A_91] : memref<32x125x80xi32, #tpu.memory_space<hbm>> -> memref<1x125x80xi32, #tpu.memory_space<hbm>>
      %dma_wait3A_93 = tpu.memref_squeeze %dma_wait3A_92 : memref<1x125x80xi32, #tpu.memory_space<hbm>> -> memref<125x80xi32, #tpu.memory_space<hbm>>
      %dma_wait3A_94 = arith.constant 0 : i32
      %dma_wait3A_95 = arith.constant 0 : i32
      %dma_wait3A_96 = tpu.memref_slice %arg4[%add3A, %dma_wait3A_94, %dma_wait3A_95] : memref<32x125x80xi32, #tpu.memory_space<hbm>> -> memref<1x125x80xi32, #tpu.memory_space<hbm>>
      %dma_wait3A_97 = tpu.memref_squeeze %dma_wait3A_96 : memref<1x125x80xi32, #tpu.memory_space<hbm>> -> memref<125x80xi32, #tpu.memory_space<hbm>>
      tpu.wait_dma2 semaphore(%run_scoped3A : memref<!tpu.dma_semaphore, #tpu.memory_space<semaphore_mem>>) src(%dma_wait3A_97 : memref<125x80xi32, #tpu.memory_space<hbm>>) dst(%arg7 : memref<125x80xi32, #tpu.memory_space<vmem>>)
      tpu.yield
    }) : () -> ()
    %broadcast_in_dim3A = arith.constant 0.000000e+00 : f32
    %broadcast_in_dim3A_3 = vector.broadcast %broadcast_in_dim3A : f32 to vector<80x128xf32>
    %swap3A = arith.constant 0 : index
    %swap3A_4 = arith.constant 0 : index
    %swap3A_5 = tpu.vector_load %arg8[%swap3A, %swap3A_4] {strides = array<i32>} : memref<80x128xf32, #tpu.memory_space<vmem>>, vector<80x128xf32>,
    %swap3A_6 = vector.shape_cast %swap3A_5 : vector<80x128xf32> to vector<80x128xf32>
    %swap3A_7 = vector.shape_cast %broadcast_in_dim3A_3 : vector<80x128xf32> to vector<80x128xf32>
    tpu.vector_store %arg8[%swap3A, %swap3A_4], %swap3A_7 {strides = array<i32>} : memref<80x128xf32, #tpu.memory_space<vmem>>, vector<80x128xf32>,
    %mul3A_8 = arith.constant 640 : i32
    %mul3A_9 = arith.muli %arg1, %mul3A_8 : i32
    %add3A_10 = arith.constant 0 : i32
    %add3A_11 = arith.addi %mul3A_9, %add3A_10 : i32
    "tpu.region"() ({
      %run_scoped3A = tpu.sem_alloc : memref<!tpu.dma_semaphore, #tpu.memory_space<semaphore_mem>>
      %dma_start3A_82 = arith.constant 0 : i32
      %dma_start3A_83 = tpu.memref_slice %arg10[%add3A_11, %dma_start3A_82] : memref<10240x128xf32, #tpu.memory_space<vmem_shared>> -> memref<80x128xf32, #tpu.memory_space<vmem_shared>>
      %dma_start3A_84 = arith.constant 0 : i32
      %dma_start3A_85 = tpu.memref_slice %arg10[%add3A_11, %dma_start3A_84] : memref<10240x128xf32, #tpu.memory_space<vmem_shared>> -> memref<80x128xf32, #tpu.memory_space<vmem_shared>>
      tpu.enqueue_dma source(%arg8 : memref<80x128xf32, #tpu.memory_space<vmem>>) target(%dma_start3A_85 : memref<80x128xf32, #tpu.memory_space<vmem_shared>>) target_semaphore(%run_scoped3A : memref<!tpu.dma_semaphore, #tpu.memory_space<semaphore_mem>>)
      %dma_wait3A_86 = arith.constant 0 : i32
      %dma_wait3A_87 = tpu.memref_slice %arg10[%add3A_11, %dma_wait3A_86] : memref<10240x128xf32, #tpu.memory_space<vmem_shared>> -> memref<80x128xf32, #tpu.memory_space<vmem_shared>>
      %dma_wait3A_88 = arith.constant 0 : i32
      %dma_wait3A_89 = tpu.memref_slice %arg10[%add3A_11, %dma_wait3A_88] : memref<10240x128xf32, #tpu.memory_space<vmem_shared>> -> memref<80x128xf32, #tpu.memory_space<vmem_shared>>
      tpu.wait_dma2 semaphore(%run_scoped3A : memref<!tpu.dma_semaphore, #tpu.memory_space<semaphore_mem>>) src(%arg8 : memref<80x128xf32, #tpu.memory_space<vmem>>) dst(%dma_wait3A_89 : memref<80x128xf32, #tpu.memory_space<vmem_shared>>)
      tpu.yield
    }) : () -> ()
    %mul3A_12 = arith.constant 640 : i32
    %mul3A_13 = arith.muli %arg1, %mul3A_12 : i32
    %add3A_14 = arith.constant 80 : i32
    %add3A_15 = arith.addi %mul3A_13, %add3A_14 : i32
    "tpu.region"() ({
      %run_scoped3A = tpu.sem_alloc : memref<!tpu.dma_semaphore, #tpu.memory_space<semaphore_mem>>
      %dma_start3A_82 = arith.constant 0 : i32
      %dma_start3A_83 = tpu.memref_slice %arg10[%add3A_15, %dma_start3A_82] : memref<10240x128xf32, #tpu.memory_space<vmem_shared>> -> memref<80x128xf32, #tpu.memory_space<vmem_shared>>
      %dma_start3A_84 = arith.constant 0 : i32
      %dma_start3A_85 = tpu.memref_slice %arg10[%add3A_15, %dma_start3A_84] : memref<10240x128xf32, #tpu.memory_space<vmem_shared>> -> memref<80x128xf32, #tpu.memory_space<vmem_shared>>
      tpu.enqueue_dma source(%arg8 : memref<80x128xf32, #tpu.memory_space<vmem>>) target(%dma_start3A_85 : memref<80x128xf32, #tpu.memory_space<vmem_shared>>) target_semaphore(%run_scoped3A : memref<!tpu.dma_semaphore, #tpu.memory_space<semaphore_mem>>)
      %dma_wait3A_86 = arith.constant 0 : i32
      %dma_wait3A_87 = tpu.memref_slice %arg10[%add3A_15, %dma_wait3A_86] : memref<10240x128xf32, #tpu.memory_space<vmem_shared>> -> memref<80x128xf32, #tpu.memory_space<vmem_shared>>
      %dma_wait3A_88 = arith.constant 0 : i32
      %dma_wait3A_89 = tpu.memref_slice %arg10[%add3A_15, %dma_wait3A_88] : memref<10240x128xf32, #tpu.memory_space<vmem_shared>> -> memref<80x128xf32, #tpu.memory_space<vmem_shared>>
      tpu.wait_dma2 semaphore(%run_scoped3A : memref<!tpu.dma_semaphore, #tpu.memory_space<semaphore_mem>>) src(%arg8 : memref<80x128xf32, #tpu.memory_space<vmem>>) dst(%dma_wait3A_89 : memref<80x128xf32, #tpu.memory_space<vmem_shared>>)
      tpu.yield
    }) : () -> ()
    %mul3A_16 = arith.constant 640 : i32
    %mul3A_17 = arith.muli %arg1, %mul3A_16 : i32
    %add3A_18 = arith.constant 160 : i32
    %add3A_19 = arith.addi %mul3A_17, %add3A_18 : i32
    "tpu.region"() ({
      %run_scoped3A = tpu.sem_alloc : memref<!tpu.dma_semaphore, #tpu.memory_space<semaphore_mem>>
      %dma_start3A_82 = arith.constant 0 : i32
      %dma_start3A_83 = tpu.memref_slice %arg10[%add3A_19, %dma_start3A_82] : memref<10240x128xf32, #tpu.memory_space<vmem_shared>> -> memref<80x128xf32, #tpu.memory_space<vmem_shared>>
      %dma_start3A_84 = arith.constant 0 : i32
      %dma_start3A_85 = tpu.memref_slice %arg10[%add3A_19, %dma_start3A_84] : memref<10240x128xf32, #tpu.memory_space<vmem_shared>> -> memref<80x128xf32, #tpu.memory_space<vmem_shared>>
      tpu.enqueue_dma source(%arg8 : memref<80x128xf32, #tpu.memory_space<vmem>>) target(%dma_start3A_85 : memref<80x128xf32, #tpu.memory_space<vmem_shared>>) target_semaphore(%run_scoped3A : memref<!tpu.dma_semaphore, #tpu.memory_space<semaphore_mem>>)
      %dma_wait3A_86 = arith.constant 0 : i32
      %dma_wait3A_87 = tpu.memref_slice %arg10[%add3A_19, %dma_wait3A_86] : memref<10240x128xf32, #tpu.memory_space<vmem_shared>> -> memref<80x128xf32, #tpu.memory_space<vmem_shared>>
      %dma_wait3A_88 = arith.constant 0 : i32
      %dma_wait3A_89 = tpu.memref_slice %arg10[%add3A_19, %dma_wait3A_88] : memref<10240x128xf32, #tpu.memory_space<vmem_shared>> -> memref<80x128xf32, #tpu.memory_space<vmem_shared>>
      tpu.wait_dma2 semaphore(%run_scoped3A : memref<!tpu.dma_semaphore, #tpu.memory_space<semaphore_mem>>) src(%arg8 : memref<80x128xf32, #tpu.memory_space<vmem>>) dst(%dma_wait3A_89 : memref<80x128xf32, #tpu.memory_space<vmem_shared>>)
      tpu.yield
    }) : () -> ()
    %mul3A_20 = arith.constant 640 : i32
    %mul3A_21 = arith.muli %arg1, %mul3A_20 : i32
    %add3A_22 = arith.constant 240 : i32
    %add3A_23 = arith.addi %mul3A_21, %add3A_22 : i32
    "tpu.region"() ({
      %run_scoped3A = tpu.sem_alloc : memref<!tpu.dma_semaphore, #tpu.memory_space<semaphore_mem>>
      %dma_start3A_82 = arith.constant 0 : i32
      %dma_start3A_83 = tpu.memref_slice %arg10[%add3A_23, %dma_start3A_82] : memref<10240x128xf32, #tpu.memory_space<vmem_shared>> -> memref<80x128xf32, #tpu.memory_space<vmem_shared>>
      %dma_start3A_84 = arith.constant 0 : i32
      %dma_start3A_85 = tpu.memref_slice %arg10[%add3A_23, %dma_start3A_84] : memref<10240x128xf32, #tpu.memory_space<vmem_shared>> -> memref<80x128xf32, #tpu.memory_space<vmem_shared>>
      tpu.enqueue_dma source(%arg8 : memref<80x128xf32, #tpu.memory_space<vmem>>) target(%dma_start3A_85 : memref<80x128xf32, #tpu.memory_space<vmem_shared>>) target_semaphore(%run_scoped3A : memref<!tpu.dma_semaphore, #tpu.memory_space<semaphore_mem>>)
      %dma_wait3A_86 = arith.constant 0 : i32
      %dma_wait3A_87 = tpu.memref_slice %arg10[%add3A_23, %dma_wait3A_86] : memref<10240x128xf32, #tpu.memory_space<vmem_shared>> -> memref<80x128xf32, #tpu.memory_space<vmem_shared>>
      %dma_wait3A_88 = arith.constant 0 : i32
      %dma_wait3A_89 = tpu.memref_slice %arg10[%add3A_23, %dma_wait3A_88] : memref<10240x128xf32, #tpu.memory_space<vmem_shared>> -> memref<80x128xf32, #tpu.memory_space<vmem_shared>>
      tpu.wait_dma2 semaphore(%run_scoped3A : memref<!tpu.dma_semaphore, #tpu.memory_space<semaphore_mem>>) src(%arg8 : memref<80x128xf32, #tpu.memory_space<vmem>>) dst(%dma_wait3A_89 : memref<80x128xf32, #tpu.memory_space<vmem_shared>>)
      tpu.yield
    }) : () -> ()
    %mul3A_24 = arith.constant 640 : i32
    %mul3A_25 = arith.muli %arg1, %mul3A_24 : i32
    %add3A_26 = arith.constant 320 : i32
    %add3A_27 = arith.addi %mul3A_25, %add3A_26 : i32
    "tpu.region"() ({
      %run_scoped3A = tpu.sem_alloc : memref<!tpu.dma_semaphore, #tpu.memory_space<semaphore_mem>>
      %dma_start3A_82 = arith.constant 0 : i32
      %dma_start3A_83 = tpu.memref_slice %arg10[%add3A_27, %dma_start3A_82] : memref<10240x128xf32, #tpu.memory_space<vmem_shared>> -> memref<80x128xf32, #tpu.memory_space<vmem_shared>>
      %dma_start3A_84 = arith.constant 0 : i32
      %dma_start3A_85 = tpu.memref_slice %arg10[%add3A_27, %dma_start3A_84] : memref<10240x128xf32, #tpu.memory_space<vmem_shared>> -> memref<80x128xf32, #tpu.memory_space<vmem_shared>>
      tpu.enqueue_dma source(%arg8 : memref<80x128xf32, #tpu.memory_space<vmem>>) target(%dma_start3A_85 : memref<80x128xf32, #tpu.memory_space<vmem_shared>>) target_semaphore(%run_scoped3A : memref<!tpu.dma_semaphore, #tpu.memory_space<semaphore_mem>>)
      %dma_wait3A_86 = arith.constant 0 : i32
      %dma_wait3A_87 = tpu.memref_slice %arg10[%add3A_27, %dma_wait3A_86] : memref<10240x128xf32, #tpu.memory_space<vmem_shared>> -> memref<80x128xf32, #tpu.memory_space<vmem_shared>>
      %dma_wait3A_88 = arith.constant 0 : i32
      %dma_wait3A_89 = tpu.memref_slice %arg10[%add3A_27, %dma_wait3A_88] : memref<10240x128xf32, #tpu.memory_space<vmem_shared>> -> memref<80x128xf32, #tpu.memory_space<vmem_shared>>
      tpu.wait_dma2 semaphore(%run_scoped3A : memref<!tpu.dma_semaphore, #tpu.memory_space<semaphore_mem>>) src(%arg8 : memref<80x128xf32, #tpu.memory_space<vmem>>) dst(%dma_wait3A_89 : memref<80x128xf32, #tpu.memory_space<vmem_shared>>)
      tpu.yield
    }) : () -> ()
    %mul3A_28 = arith.constant 640 : i32
    %mul3A_29 = arith.muli %arg1, %mul3A_28 : i32
    %add3A_30 = arith.constant 400 : i32
    %add3A_31 = arith.addi %mul3A_29, %add3A_30 : i32
    "tpu.region"() ({
      %run_scoped3A = tpu.sem_alloc : memref<!tpu.dma_semaphore, #tpu.memory_space<semaphore_mem>>
      %dma_start3A_82 = arith.constant 0 : i32
      %dma_start3A_83 = tpu.memref_slice %arg10[%add3A_31, %dma_start3A_82] : memref<10240x128xf32, #tpu.memory_space<vmem_shared>> -> memref<80x128xf32, #tpu.memory_space<vmem_shared>>
      %dma_start3A_84 = arith.constant 0 : i32
      %dma_start3A_85 = tpu.memref_slice %arg10[%add3A_31, %dma_start3A_84] : memref<10240x128xf32, #tpu.memory_space<vmem_shared>> -> memref<80x128xf32, #tpu.memory_space<vmem_shared>>
      tpu.enqueue_dma source(%arg8 : memref<80x128xf32, #tpu.memory_space<vmem>>) target(%dma_start3A_85 : memref<80x128xf32, #tpu.memory_space<vmem_shared>>) target_semaphore(%run_scoped3A : memref<!tpu.dma_semaphore, #tpu.memory_space<semaphore_mem>>)
      %dma_wait3A_86 = arith.constant 0 : i32
      %dma_wait3A_87 = tpu.memref_slice %arg10[%add3A_31, %dma_wait3A_86] : memref<10240x128xf32, #tpu.memory_space<vmem_shared>> -> memref<80x128xf32, #tpu.memory_space<vmem_shared>>
      %dma_wait3A_88 = arith.constant 0 : i32
      %dma_wait3A_89 = tpu.memref_slice %arg10[%add3A_31, %dma_wait3A_88] : memref<10240x128xf32, #tpu.memory_space<vmem_shared>> -> memref<80x128xf32, #tpu.memory_space<vmem_shared>>
      tpu.wait_dma2 semaphore(%run_scoped3A : memref<!tpu.dma_semaphore, #tpu.memory_space<semaphore_mem>>) src(%arg8 : memref<80x128xf32, #tpu.memory_space<vmem>>) dst(%dma_wait3A_89 : memref<80x128xf32, #tpu.memory_space<vmem_shared>>)
      tpu.yield
    }) : () -> ()
    %mul3A_32 = arith.constant 640 : i32
    %mul3A_33 = arith.muli %arg1, %mul3A_32 : i32
    %add3A_34 = arith.constant 480 : i32
    %add3A_35 = arith.addi %mul3A_33, %add3A_34 : i32
    "tpu.region"() ({
      %run_scoped3A = tpu.sem_alloc : memref<!tpu.dma_semaphore, #tpu.memory_space<semaphore_mem>>
      %dma_start3A_82 = arith.constant 0 : i32
      %dma_start3A_83 = tpu.memref_slice %arg10[%add3A_35, %dma_start3A_82] : memref<10240x128xf32, #tpu.memory_space<vmem_shared>> -> memref<80x128xf32, #tpu.memory_space<vmem_shared>>
      %dma_start3A_84 = arith.constant 0 : i32
      %dma_start3A_85 = tpu.memref_slice %arg10[%add3A_35, %dma_start3A_84] : memref<10240x128xf32, #tpu.memory_space<vmem_shared>> -> memref<80x128xf32, #tpu.memory_space<vmem_shared>>
      tpu.enqueue_dma source(%arg8 : memref<80x128xf32, #tpu.memory_space<vmem>>) target(%dma_start3A_85 : memref<80x128xf32, #tpu.memory_space<vmem_shared>>) target_semaphore(%run_scoped3A : memref<!tpu.dma_semaphore, #tpu.memory_space<semaphore_mem>>)
      %dma_wait3A_86 = arith.constant 0 : i32
      %dma_wait3A_87 = tpu.memref_slice %arg10[%add3A_35, %dma_wait3A_86] : memref<10240x128xf32, #tpu.memory_space<vmem_shared>> -> memref<80x128xf32, #tpu.memory_space<vmem_shared>>
      %dma_wait3A_88 = arith.constant 0 : i32
      %dma_wait3A_89 = tpu.memref_slice %arg10[%add3A_35, %dma_wait3A_88] : memref<10240x128xf32, #tpu.memory_space<vmem_shared>> -> memref<80x128xf32, #tpu.memory_space<vmem_shared>>
      tpu.wait_dma2 semaphore(%run_scoped3A : memref<!tpu.dma_semaphore, #tpu.memory_space<semaphore_mem>>) src(%arg8 : memref<80x128xf32, #tpu.memory_space<vmem>>) dst(%dma_wait3A_89 : memref<80x128xf32, #tpu.memory_space<vmem_shared>>)
      tpu.yield
    }) : () -> ()
    %mul3A_36 = arith.constant 640 : i32
    %mul3A_37 = arith.muli %arg1, %mul3A_36 : i32
    %add3A_38 = arith.constant 560 : i32
    %add3A_39 = arith.addi %mul3A_37, %add3A_38 : i32
    "tpu.region"() ({
      %run_scoped3A = tpu.sem_alloc : memref<!tpu.dma_semaphore, #tpu.memory_space<semaphore_mem>>
      %dma_start3A_82 = arith.constant 0 : i32
      %dma_start3A_83 = tpu.memref_slice %arg10[%add3A_39, %dma_start3A_82] : memref<10240x128xf32, #tpu.memory_space<vmem_shared>> -> memref<80x128xf32, #tpu.memory_space<vmem_shared>>
      %dma_start3A_84 = arith.constant 0 : i32
      %dma_start3A_85 = tpu.memref_slice %arg10[%add3A_39, %dma_start3A_84] : memref<10240x128xf32, #tpu.memory_space<vmem_shared>> -> memref<80x128xf32, #tpu.memory_space<vmem_shared>>
      tpu.enqueue_dma source(%arg8 : memref<80x128xf32, #tpu.memory_space<vmem>>) target(%dma_start3A_85 : memref<80x128xf32, #tpu.memory_space<vmem_shared>>) target_semaphore(%run_scoped3A : memref<!tpu.dma_semaphore, #tpu.memory_space<semaphore_mem>>)
      %dma_wait3A_86 = arith.constant 0 : i32
      %dma_wait3A_87 = tpu.memref_slice %arg10[%add3A_39, %dma_wait3A_86] : memref<10240x128xf32, #tpu.memory_space<vmem_shared>> -> memref<80x128xf32, #tpu.memory_space<vmem_shared>>
      %dma_wait3A_88 = arith.constant 0 : i32
      %dma_wait3A_89 = tpu.memref_slice %arg10[%add3A_39, %dma_wait3A_88] : memref<10240x128xf32, #tpu.memory_space<vmem_shared>> -> memref<80x128xf32, #tpu.memory_space<vmem_shared>>
      tpu.wait_dma2 semaphore(%run_scoped3A : memref<!tpu.dma_semaphore, #tpu.memory_space<semaphore_mem>>) src(%arg8 : memref<80x128xf32, #tpu.memory_space<vmem>>) dst(%dma_wait3A_89 : memref<80x128xf32, #tpu.memory_space<vmem_shared>>)
      tpu.yield
    }) : () -> ()
    %barrier3A = arith.constant 0 : index
    tpu.barrier barrier_id(%barrier3A)
    %dma_start3A = arith.constant 0 : i32
    %dma_start3A_40 = tpu.memref_slice %arg6[%dma_start3A] : memref<10000xi32, #tpu.memory_space<vmem>> -> memref<80xi32, #tpu.memory_space<vmem>>
    %dma_start3A_41 = arith.constant 0 : i32
    %dma_start3A_42 = arith.constant 0 : i32
    %dma_start3A_43 = tpu.memref_slice %arg2[%dma_start3A_41, %dma_start3A_42] : memref<10000x128xf32, #tpu.memory_space<hbm>> -> memref<10000x128xf32, #tpu.memory_space<hbm>>
    tpu.enqueue_indirect_dma source(%dma_start3A_43 : memref<10000x128xf32, #tpu.memory_space<hbm>>) target(%arg8 : memref<80x128xf32, #tpu.memory_space<vmem>>) offsets(%dma_start3A_40 : memref<80xi32, #tpu.memory_space<vmem>>) semaphore(%arg11 : memref<!tpu.dma_semaphore, #tpu.memory_space<semaphore_mem>>)
    %scan3A = arith.constant 0 : i32
    %scan3A_44 = arith.constant 0 : i32
    %scan3A_45 = arith.constant 62 : i32
    %scan3A_46 = arith.addi %scan3A_44, %scan3A_45 : i32
    %scan3A_47 = arith.constant 1 : i32
    scf.for %scan3A_82 = %scan3A_44 to %scan3A_46 step %scan3A_47  : i32 {
      %mul3A_83 = arith.constant 2 : i32
      %mul3A_84 = arith.muli %mul3A_83, %scan3A_82 : i32
      %mul3A_85 = arith.constant 80 : i32
      %mul3A_86 = arith.muli %mul3A_84, %mul3A_85 : i32
      %dma_wait3A_87 = tpu.memref_slice %arg6[%mul3A_86] : memref<10000xi32, #tpu.memory_space<vmem>> -> memref<80xi32, #tpu.memory_space<vmem>>
      %dma_wait3A_88 = arith.constant 0 : i32
      %dma_wait3A_89 = arith.constant 0 : i32
      %dma_wait3A_90 = tpu.memref_slice %arg2[%dma_wait3A_88, %dma_wait3A_89] : memref<10000x128xf32, #tpu.memory_space<hbm>> -> memref<10000x128xf32, #tpu.memory_space<hbm>>
      tpu.wait_indirect_dma semaphore(%arg11 : memref<!tpu.dma_semaphore, #tpu.memory_space<semaphore_mem>>) src(%dma_wait3A_90 : memref<10000x128xf32, #tpu.memory_space<hbm>>) dst(%arg8 : memref<80x128xf32, #tpu.memory_space<vmem>>)
      %gt3A = arith.constant 0 : i32
      %gt3A_91 = arith.cmpi sgt, %scan3A_82, %gt3A : i32
      %convert_element_type3A = arith.extui %gt3A_91 : i1 to i32
      %cond3A = arith.constant 0 : i32
      %cond3A_92 = arith.cmpi ne, %convert_element_type3A, %cond3A : i32
      scf.if %cond3A_92 {
        %sub3A = arith.constant 1 : i32
        %sub3A_137 = arith.subi %mul3A_84, %sub3A : i32
        %dma_wait3A_138 = arith.constant 0 : i32
        %dma_wait3A_139 = tpu.memref_slice %arg7[%sub3A_137, %dma_wait3A_138] : memref<125x80xi32, #tpu.memory_space<vmem>> -> memref<1x80xi32, #tpu.memory_space<vmem>>
        %dma_wait3A_140 = tpu.memref_squeeze %dma_wait3A_139 : memref<1x80xi32, #tpu.memory_space<vmem>> -> memref<80xi32, #tpu.memory_space<vmem>>
        %dma_wait3A_141 = arith.constant 0 : i32
        %dma_wait3A_142 = arith.constant 0 : i32
        %dma_wait3A_143 = tpu.memref_slice %arg10[%dma_wait3A_141, %dma_wait3A_142] : memref<10240x128xf32, #tpu.memory_space<vmem_shared>> -> memref<10240x128xf32, #tpu.memory_space<vmem_shared>>
        tpu.wait_indirect_dma semaphore(%arg14 : memref<!tpu.dma_semaphore, #tpu.memory_space<semaphore_mem>>) src(%arg9 : memref<80x128xf32, #tpu.memory_space<vmem>>) dst(%dma_wait3A_143 : memref<10240x128xf32, #tpu.memory_space<vmem_shared>>)
      } else {
      }
      %add3A_93 = arith.constant 1 : i32
      %add3A_94 = arith.addi %mul3A_84, %add3A_93 : i32
      %mul3A_95 = arith.constant 80 : i32
      %mul3A_96 = arith.muli %add3A_94, %mul3A_95 : i32
      %dma_start3A_97 = tpu.memref_slice %arg6[%mul3A_96] : memref<10000xi32, #tpu.memory_space<vmem>> -> memref<80xi32, #tpu.memory_space<vmem>>
      %dma_start3A_98 = arith.constant 0 : i32
      %dma_start3A_99 = arith.constant 0 : i32
      %dma_start3A_100 = tpu.memref_slice %arg2[%dma_start3A_98, %dma_start3A_99] : memref<10000x128xf32, #tpu.memory_space<hbm>> -> memref<10000x128xf32, #tpu.memory_space<hbm>>
      tpu.enqueue_indirect_dma source(%dma_start3A_100 : memref<10000x128xf32, #tpu.memory_space<hbm>>) target(%arg9 : memref<80x128xf32, #tpu.memory_space<vmem>>) offsets(%dma_start3A_97 : memref<80xi32, #tpu.memory_space<vmem>>) semaphore(%arg12 : memref<!tpu.dma_semaphore, #tpu.memory_space<semaphore_mem>>)
      %dma_start3A_101 = arith.constant 0 : i32
      %dma_start3A_102 = tpu.memref_slice %arg7[%mul3A_84, %dma_start3A_101] : memref<125x80xi32, #tpu.memory_space<vmem>> -> memref<1x80xi32, #tpu.memory_space<vmem>>
      %dma_start3A_103 = tpu.memref_squeeze %dma_start3A_102 : memref<1x80xi32, #tpu.memory_space<vmem>> -> memref<80xi32, #tpu.memory_space<vmem>>
      %dma_start3A_104 = arith.constant 0 : i32
      %dma_start3A_105 = arith.constant 0 : i32
      %dma_start3A_106 = tpu.memref_slice %arg10[%dma_start3A_104, %dma_start3A_105] : memref<10240x128xf32, #tpu.memory_space<vmem_shared>> -> memref<10240x128xf32, #tpu.memory_space<vmem_shared>>
      tpu.enqueue_indirect_dma source(%arg8 : memref<80x128xf32, #tpu.memory_space<vmem>>) target(%dma_start3A_106 : memref<10240x128xf32, #tpu.memory_space<vmem_shared>>) offsets(%dma_start3A_103 : memref<80xi32, #tpu.memory_space<vmem>>) semaphore(%arg13 : memref<!tpu.dma_semaphore, #tpu.memory_space<semaphore_mem>>) {add = true}
      %add3A_107 = arith.constant 1 : i32
      %add3A_108 = arith.addi %mul3A_84, %add3A_107 : i32
      %mul3A_109 = arith.constant 80 : i32
      %mul3A_110 = arith.muli %add3A_108, %mul3A_109 : i32
      %dma_wait3A_111 = tpu.memref_slice %arg6[%mul3A_110] : memref<10000xi32, #tpu.memory_space<vmem>> -> memref<80xi32, #tpu.memory_space<vmem>>
      %dma_wait3A_112 = arith.constant 0 : i32
      %dma_wait3A_113 = arith.constant 0 : i32
      %dma_wait3A_114 = tpu.memref_slice %arg2[%dma_wait3A_112, %dma_wait3A_113] : memref<10000x128xf32, #tpu.memory_space<hbm>> -> memref<10000x128xf32, #tpu.memory_space<hbm>>
      tpu.wait_indirect_dma semaphore(%arg12 : memref<!tpu.dma_semaphore, #tpu.memory_space<semaphore_mem>>) src(%dma_wait3A_114 : memref<10000x128xf32, #tpu.memory_space<hbm>>) dst(%arg9 : memref<80x128xf32, #tpu.memory_space<vmem>>)
      %dma_wait3A_115 = arith.constant 0 : i32
      %dma_wait3A_116 = tpu.memref_slice %arg7[%mul3A_84, %dma_wait3A_115] : memref<125x80xi32, #tpu.memory_space<vmem>> -> memref<1x80xi32, #tpu.memory_space<vmem>>
      %dma_wait3A_117 = tpu.memref_squeeze %dma_wait3A_116 : memref<1x80xi32, #tpu.memory_space<vmem>> -> memref<80xi32, #tpu.memory_space<vmem>>
      %dma_wait3A_118 = arith.constant 0 : i32
      %dma_wait3A_119 = arith.constant 0 : i32
      %dma_wait3A_120 = tpu.memref_slice %arg10[%dma_wait3A_118, %dma_wait3A_119] : memref<10240x128xf32, #tpu.memory_space<vmem_shared>> -> memref<10240x128xf32, #tpu.memory_space<vmem_shared>>
      tpu.wait_indirect_dma semaphore(%arg13 : memref<!tpu.dma_semaphore, #tpu.memory_space<semaphore_mem>>) src(%arg8 : memref<80x128xf32, #tpu.memory_space<vmem>>) dst(%dma_wait3A_120 : memref<10240x128xf32, #tpu.memory_space<vmem_shared>>)
      %add3A_121 = arith.constant 2 : i32
      %add3A_122 = arith.addi %mul3A_84, %add3A_121 : i32
      %mul3A_123 = arith.constant 80 : i32
      %mul3A_124 = arith.muli %add3A_122, %mul3A_123 : i32
      %dma_start3A_125 = tpu.memref_slice %arg6[%mul3A_124] : memref<10000xi32, #tpu.memory_space<vmem>> -> memref<80xi32, #tpu.memory_space<vmem>>
      %dma_start3A_126 = arith.constant 0 : i32
      %dma_start3A_127 = arith.constant 0 : i32
      %dma_start3A_128 = tpu.memref_slice %arg2[%dma_start3A_126, %dma_start3A_127] : memref<10000x128xf32, #tpu.memory_space<hbm>> -> memref<10000x128xf32, #tpu.memory_space<hbm>>
      tpu.enqueue_indirect_dma source(%dma_start3A_128 : memref<10000x128xf32, #tpu.memory_space<hbm>>) target(%arg8 : memref<80x128xf32, #tpu.memory_space<vmem>>) offsets(%dma_start3A_125 : memref<80xi32, #tpu.memory_space<vmem>>) semaphore(%arg11 : memref<!tpu.dma_semaphore, #tpu.memory_space<semaphore_mem>>)
      %add3A_129 = arith.constant 1 : i32
      %add3A_130 = arith.addi %mul3A_84, %add3A_129 : i32
      %dma_start3A_131 = arith.constant 0 : i32
      %dma_start3A_132 = tpu.memref_slice %arg7[%add3A_130, %dma_start3A_131] : memref<125x80xi32, #tpu.memory_space<vmem>> -> memref<1x80xi32, #tpu.memory_space<vmem>>
      %dma_start3A_133 = tpu.memref_squeeze %dma_start3A_132 : memref<1x80xi32, #tpu.memory_space<vmem>> -> memref<80xi32, #tpu.memory_space<vmem>>
      %dma_start3A_134 = arith.constant 0 : i32
      %dma_start3A_135 = arith.constant 0 : i32
      %dma_start3A_136 = tpu.memref_slice %arg10[%dma_start3A_134, %dma_start3A_135] : memref<10240x128xf32, #tpu.memory_space<vmem_shared>> -> memref<10240x128xf32, #tpu.memory_space<vmem_shared>>
      tpu.enqueue_indirect_dma source(%arg9 : memref<80x128xf32, #tpu.memory_space<vmem>>) target(%dma_start3A_136 : memref<10240x128xf32, #tpu.memory_space<vmem_shared>>) offsets(%dma_start3A_133 : memref<80xi32, #tpu.memory_space<vmem>>) semaphore(%arg14 : memref<!tpu.dma_semaphore, #tpu.memory_space<semaphore_mem>>) {add = true}
    }
    %scan3A_48 = arith.constant 62 : i32
    %dma_wait3A = arith.constant 9920 : i32
    %dma_wait3A_49 = tpu.memref_slice %arg6[%dma_wait3A] : memref<10000xi32, #tpu.memory_space<vmem>> -> memref<80xi32, #tpu.memory_space<vmem>>
    %dma_wait3A_50 = arith.constant 0 : i32
    %dma_wait3A_51 = arith.constant 0 : i32
    %dma_wait3A_52 = tpu.memref_slice %arg2[%dma_wait3A_50, %dma_wait3A_51] : memref<10000x128xf32, #tpu.memory_space<hbm>> -> memref<10000x128xf32, #tpu.memory_space<hbm>>
    tpu.wait_indirect_dma semaphore(%arg11 : memref<!tpu.dma_semaphore, #tpu.memory_space<semaphore_mem>>) src(%dma_wait3A_52 : memref<10000x128xf32, #tpu.memory_space<hbm>>) dst(%arg8 : memref<80x128xf32, #tpu.memory_space<vmem>>)
    %dma_wait3A_53 = arith.constant 123 : i32
    %dma_wait3A_54 = arith.constant 0 : i32
    %dma_wait3A_55 = tpu.memref_slice %arg7[%dma_wait3A_53, %dma_wait3A_54] : memref<125x80xi32, #tpu.memory_space<vmem>> -> memref<1x80xi32, #tpu.memory_space<vmem>>
    %dma_wait3A_56 = tpu.memref_squeeze %dma_wait3A_55 : memref<1x80xi32, #tpu.memory_space<vmem>> -> memref<80xi32, #tpu.memory_space<vmem>>
    %dma_wait3A_57 = arith.constant 0 : i32
    %dma_wait3A_58 = arith.constant 0 : i32
    %dma_wait3A_59 = tpu.memref_slice %arg10[%dma_wait3A_57, %dma_wait3A_58] : memref<10240x128xf32, #tpu.memory_space<vmem_shared>> -> memref<10240x128xf32, #tpu.memory_space<vmem_shared>>
    tpu.wait_indirect_dma semaphore(%arg14 : memref<!tpu.dma_semaphore, #tpu.memory_space<semaphore_mem>>) src(%arg9 : memref<80x128xf32, #tpu.memory_space<vmem>>) dst(%dma_wait3A_59 : memref<10240x128xf32, #tpu.memory_space<vmem_shared>>)
    %dma_start3A_60 = arith.constant 124 : i32
    %dma_start3A_61 = arith.constant 0 : i32
    %dma_start3A_62 = tpu.memref_slice %arg7[%dma_start3A_60, %dma_start3A_61] : memref<125x80xi32, #tpu.memory_space<vmem>> -> memref<1x80xi32, #tpu.memory_space<vmem>>
    %dma_start3A_63 = tpu.memref_squeeze %dma_start3A_62 : memref<1x80xi32, #tpu.memory_space<vmem>> -> memref<80xi32, #tpu.memory_space<vmem>>
    %dma_start3A_64 = arith.constant 0 : i32
    %dma_start3A_65 = arith.constant 0 : i32
    %dma_start3A_66 = tpu.memref_slice %arg10[%dma_start3A_64, %dma_start3A_65] : memref<10240x128xf32, #tpu.memory_space<vmem_shared>> -> memref<10240x128xf32, #tpu.memory_space<vmem_shared>>
    tpu.enqueue_indirect_dma source(%arg8 : memref<80x128xf32, #tpu.memory_space<vmem>>) target(%dma_start3A_66 : memref<10240x128xf32, #tpu.memory_space<vmem_shared>>) offsets(%dma_start3A_63 : memref<80xi32, #tpu.memory_space<vmem>>) semaphore(%arg13 : memref<!tpu.dma_semaphore, #tpu.memory_space<semaphore_mem>>) {add = true}
    %dma_wait3A_67 = arith.constant 124 : i32
    %dma_wait3A_68 = arith.constant 0 : i32
    %dma_wait3A_69 = tpu.memref_slice %arg7[%dma_wait3A_67, %dma_wait3A_68] : memref<125x80xi32, #tpu.memory_space<vmem>> -> memref<1x80xi32, #tpu.memory_space<vmem>>
    %dma_wait3A_70 = tpu.memref_squeeze %dma_wait3A_69 : memref<1x80xi32, #tpu.memory_space<vmem>> -> memref<80xi32, #tpu.memory_space<vmem>>
    %dma_wait3A_71 = arith.constant 0 : i32
    %dma_wait3A_72 = arith.constant 0 : i32
    %dma_wait3A_73 = tpu.memref_slice %arg10[%dma_wait3A_71, %dma_wait3A_72] : memref<10240x128xf32, #tpu.memory_space<vmem_shared>> -> memref<10240x128xf32, #tpu.memory_space<vmem_shared>>
    tpu.wait_indirect_dma semaphore(%arg13 : memref<!tpu.dma_semaphore, #tpu.memory_space<semaphore_mem>>) src(%arg8 : memref<80x128xf32, #tpu.memory_space<vmem>>) dst(%dma_wait3A_73 : memref<10240x128xf32, #tpu.memory_space<vmem_shared>>)
    %barrier3A_74 = arith.constant 0 : index
    tpu.barrier barrier_id(%barrier3A_74)
    %mul3A_75 = arith.constant 640 : i32
    %mul3A_76 = arith.muli %arg1, %mul3A_75 : i32
    %mul3A_77 = arith.constant 10240 : i32
    %mul3A_78 = arith.muli %arg0, %mul3A_77 : i32
    %mul3A_79 = arith.constant 640 : i32
    %mul3A_80 = arith.muli %arg1, %mul3A_79 : i32
    %add3A_81 = arith.addi %mul3A_78, %mul3A_80 : i32
    "tpu.region"() ({
      %run_scoped3A = tpu.sem_alloc : memref<!tpu.dma_semaphore, #tpu.memory_space<semaphore_mem>>
      %dma_start3A_82 = arith.constant 0 : i32
      %dma_start3A_83 = tpu.memref_slice %arg5[%add3A_81, %dma_start3A_82] : memref<20480x128xf32, #tpu.memory_space<hbm>> -> memref<640x128xf32, #tpu.memory_space<hbm>>
      %dma_start3A_84 = arith.constant 0 : i32
      %dma_start3A_85 = tpu.memref_slice %arg10[%mul3A_76, %dma_start3A_84] : memref<10240x128xf32, #tpu.memory_space<vmem_shared>> -> memref<640x128xf32, #tpu.memory_space<vmem_shared>>
      tpu.enqueue_dma source(%dma_start3A_85 : memref<640x128xf32, #tpu.memory_space<vmem_shared>>) target(%dma_start3A_83 : memref<640x128xf32, #tpu.memory_space<hbm>>) target_semaphore(%run_scoped3A : memref<!tpu.dma_semaphore, #tpu.memory_space<semaphore_mem>>)
      %dma_wait3A_86 = arith.constant 0 : i32
      %dma_wait3A_87 = tpu.memref_slice %arg5[%add3A_81, %dma_wait3A_86] : memref<20480x128xf32, #tpu.memory_space<hbm>> -> memref<640x128xf32, #tpu.memory_space<hbm>>
      %dma_wait3A_88 = arith.constant 0 : i32
      %dma_wait3A_89 = tpu.memref_slice %arg10[%mul3A_76, %dma_wait3A_88] : memref<10240x128xf32, #tpu.memory_space<vmem_shared>> -> memref<640x128xf32, #tpu.memory_space<vmem_shared>>
      tpu.wait_dma2 semaphore(%run_scoped3A : memref<!tpu.dma_semaphore, #tpu.memory_space<semaphore_mem>>) src(%dma_wait3A_89 : memref<640x128xf32, #tpu.memory_space<vmem_shared>>) dst(%dma_wait3A_87 : memref<640x128xf32, #tpu.memory_space<hbm>>)
      tpu.yield
    }) : () -> ()
    return
  }
}

module attributes {stable_mosaic.version = 14 : i64} {
  func.func @_tc2_body(%arg0: memref<20480x128xf32, #tpu.memory_space<vmem>>, %arg1: memref<10000x128xf32, #tpu.memory_space<vmem>>, %arg2: memref<32x10000xf32, #tpu.memory_space<vmem>>, %arg3: memref<128xf32, #tpu.memory_space<vmem>>, %arg4: memref<128x128xf32, #tpu.memory_space<vmem>>, %arg5: memref<10000x128xf32, #tpu.memory_space<vmem>>) attributes {dimension_semantics = [], scalar_prefetch = 0 : i64, scratch_operands = 0 : i64, tpu.core_type = #tpu.core_type<tc>} {
    %get3A = arith.constant 0 : index
    %get3A_0 = arith.constant 0 : index
    %get3A_1 = vector.load %arg2[%get3A, %get3A_0] : memref<32x10000xf32, #tpu.memory_space<vmem>>, vector<32x10000xf32>
    %reduce_sum3A = arith.constant dense<0.000000e+00> : vector<10000xf32>
    %reduce_sum3A_2 = vector.multi_reduction <add>, %get3A_1, %reduce_sum3A [0] : vector<32x10000xf32> to vector<10000xf32>
    %add3A = arith.constant 1.000000e+00 : f32
    %add3A_3 = vector.broadcast %add3A : f32 to vector<10000xf32>
    %add3A_4 = arith.addf %reduce_sum3A_2, %add3A_3 : vector<10000xf32>
    %rsqrt3A = math.rsqrt %add3A_4 : vector<10000xf32>
    %get3A_5 = arith.constant 0 : index
    %get3A_6 = arith.constant 0 : index
    %get3A_7 = vector.load %arg0[%get3A_5, %get3A_6] : memref<20480x128xf32, #tpu.memory_space<vmem>>, vector<20480x128xf32>
    %get3A_8 = arith.constant 0 : index
    %get3A_9 = arith.constant 0 : index
    %get3A_10 = vector.load %arg1[%get3A_8, %get3A_9] : memref<10000x128xf32, #tpu.memory_space<vmem>>, vector<10000x128xf32>
    %slice3A = vector.extract_strided_slice %get3A_7 {offsets = [0, 0], sizes = [10000, 128], strides = [1, 1]} : vector<20480x128xf32> to vector<10000x128xf32>
    %slice3A_11 = vector.extract_strided_slice %get3A_7 {offsets = [10240, 0], sizes = [10000, 128], strides = [1, 1]} : vector<20480x128xf32> to vector<10000x128xf32>
    %add3A_12 = arith.addf %slice3A, %slice3A_11 : vector<10000x128xf32>
    %add3A_13 = arith.addf %add3A_12, %get3A_10 : vector<10000x128xf32>
    %broadcast_in_dim3A = vector.shape_cast %rsqrt3A : vector<10000xf32> to vector<10000x1xf32>
    %mul3A = vector.broadcast %broadcast_in_dim3A : vector<10000x1xf32> to vector<10000x128xf32>
    %mul3A_14 = arith.mulf %add3A_13, %mul3A : vector<10000x128xf32>
    %get3A_15 = arith.constant 0 : index
    %get3A_16 = vector.load %arg3[%get3A_15] : memref<128xf32, #tpu.memory_space<vmem>>, vector<128xf32>
    %broadcast_in_dim3A_17 = vector.shape_cast %get3A_16 : vector<128xf32> to vector<1x128xf32>
    %add3A_18 = vector.broadcast %broadcast_in_dim3A_17 : vector<1x128xf32> to vector<10000x128xf32>
    %add3A_19 = arith.addf %mul3A_14, %add3A_18 : vector<10000x128xf32>
    %max3A = arith.constant 0.000000e+00 : f32
    %max3A_20 = vector.broadcast %max3A : f32 to vector<10000x128xf32>
    %max3A_21 = arith.maximumf %add3A_19, %max3A_20 : vector<10000x128xf32>
    %get3A_22 = arith.constant 0 : index
    %get3A_23 = arith.constant 0 : index
    %get3A_24 = vector.load %arg4[%get3A_22, %get3A_23] : memref<128x128xf32, #tpu.memory_space<vmem>>, vector<128x128xf32>
    %dot_general3A = arith.constant dense<0.000000e+00> : vector<10000x128xf32>
    %dot_general3A_25 = tpu.matmul %max3A_21, %get3A_24, %dot_general3A {dimension_numbers = #tpu.dot_dimension_numbers<[1], [0], [0], [1], [0, 0, 1, 1], [], []>, transpose_lhs_hint = false} : vector<10000x128xf32>, vector<128x128xf32>, vector<10000x128xf32> -> vector<10000x128xf32>
    %broadcast_in_dim3A_26 = vector.shape_cast %rsqrt3A : vector<10000xf32> to vector<10000x1xf32>
    %mul3A_27 = vector.broadcast %broadcast_in_dim3A_26 : vector<10000x1xf32> to vector<10000x128xf32>
    %mul3A_28 = arith.mulf %dot_general3A_25, %mul3A_27 : vector<10000x128xf32>
    %swap3A = arith.constant 0 : index
    %swap3A_29 = arith.constant 0 : index
    %swap3A_30 = vector.load %arg5[%swap3A, %swap3A_29] : memref<10000x128xf32, #tpu.memory_space<vmem>>, vector<10000x128xf32>
    tpu.vector_store %arg5[%swap3A, %swap3A_29], %mul3A_28 {strides = array<i32>} : memref<10000x128xf32, #tpu.memory_space<vmem>>, vector<10000x128xf32>,
    return
  }
}

module attributes {stable_mosaic.version = 14 : i64} {
  func.func @_tc1_body(%arg0: memref<10000x128xf32, #tpu.memory_space<vmem>>, %arg1: memref<128x128xf32, #tpu.memory_space<vmem>>, %arg2: memref<32x10000xf32, #tpu.memory_space<vmem>>, %arg3: memref<10000x128xf32, #tpu.memory_space<vmem>>) attributes {dimension_semantics = [], scalar_prefetch = 0 : i64, scratch_operands = 0 : i64, tpu.core_type = #tpu.core_type<tc>} {
    %get3A = arith.constant 0 : index
    %get3A_0 = arith.constant 0 : index
    %get3A_1 = vector.load %arg2[%get3A, %get3A_0] : memref<32x10000xf32, #tpu.memory_space<vmem>>, vector<32x10000xf32>
    %reduce_sum3A = arith.constant dense<0.000000e+00> : vector<10000xf32>
    %reduce_sum3A_2 = vector.multi_reduction <add>, %get3A_1, %reduce_sum3A [0] : vector<32x10000xf32> to vector<10000xf32>
    %add3A = arith.constant 1.000000e+00 : f32
    %add3A_3 = vector.broadcast %add3A : f32 to vector<10000xf32>
    %add3A_4 = arith.addf %reduce_sum3A_2, %add3A_3 : vector<10000xf32>
    %rsqrt3A = math.rsqrt %add3A_4 : vector<10000xf32>
    %get3A_5 = arith.constant 0 : index
    %get3A_6 = arith.constant 0 : index
    %get3A_7 = vector.load %arg0[%get3A_5, %get3A_6] : memref<10000x128xf32, #tpu.memory_space<vmem>>, vector<10000x128xf32>
    %get3A_8 = arith.constant 0 : index
    %get3A_9 = arith.constant 0 : index
    %get3A_10 = vector.load %arg1[%get3A_8, %get3A_9] : memref<128x128xf32, #tpu.memory_space<vmem>>, vector<128x128xf32>
    %dot_general3A = arith.constant dense<0.000000e+00> : vector<10000x128xf32>
    %dot_general3A_11 = tpu.matmul %get3A_7, %get3A_10, %dot_general3A {dimension_numbers = #tpu.dot_dimension_numbers<[1], [0], [0], [1], [0, 0, 1, 1], [], []>, transpose_lhs_hint = false} : vector<10000x128xf32>, vector<128x128xf32>, vector<10000x128xf32> -> vector<10000x128xf32>
    %broadcast_in_dim3A = vector.shape_cast %rsqrt3A : vector<10000xf32> to vector<10000x1xf32>
    %mul3A = vector.broadcast %broadcast_in_dim3A : vector<10000x1xf32> to vector<10000x128xf32>
    %mul3A_12 = arith.mulf %dot_general3A_11, %mul3A : vector<10000x128xf32>
    %swap3A = arith.constant 0 : index
    %swap3A_13 = arith.constant 0 : index
    %swap3A_14 = vector.load %arg3[%swap3A, %swap3A_13] : memref<10000x128xf32, #tpu.memory_space<vmem>>, vector<10000x128xf32>
    tpu.vector_store %arg3[%swap3A, %swap3A_13], %mul3A_12 {strides = array<i32>} : memref<10000x128xf32, #tpu.memory_space<vmem>>, vector<10000x128xf32>,
    return
  }
}

module attributes {stable_mosaic.version = 14 : i64} {
  func.func @_tc3_body(%arg0: memref<20480x128xf32, #tpu.memory_space<vmem>>, %arg1: memref<10000x128xf32, #tpu.memory_space<vmem>>, %arg2: memref<32x10000xf32, #tpu.memory_space<vmem>>, %arg3: memref<128xf32, #tpu.memory_space<vmem>>, %arg4: memref<128x40xf32, #tpu.memory_space<vmem>>, %arg5: memref<40xf32, #tpu.memory_space<vmem>>, %arg6: memref<10000x40xf32, #tpu.memory_space<vmem>>, %arg7: memref<10000x128xf32, #tpu.memory_space<vmem>>) attributes {dimension_semantics = [], scalar_prefetch = 0 : i64, scratch_operands = 0 : i64, tpu.core_type = #tpu.core_type<tc>} {
    %get3A = arith.constant 0 : index
    %get3A_0 = arith.constant 0 : index
    %get3A_1 = vector.load %arg2[%get3A, %get3A_0] : memref<32x10000xf32, #tpu.memory_space<vmem>>, vector<32x10000xf32>
    %reduce_sum3A = arith.constant dense<0.000000e+00> : vector<10000xf32>
    %reduce_sum3A_2 = vector.multi_reduction <add>, %get3A_1, %reduce_sum3A [0] : vector<32x10000xf32> to vector<10000xf32>
    %add3A = arith.constant 1.000000e+00 : f32
    %add3A_3 = vector.broadcast %add3A : f32 to vector<10000xf32>
    %add3A_4 = arith.addf %reduce_sum3A_2, %add3A_3 : vector<10000xf32>
    %rsqrt3A = math.rsqrt %add3A_4 : vector<10000xf32>
    %get3A_5 = arith.constant 0 : index
    %get3A_6 = arith.constant 0 : index
    %get3A_7 = vector.load %arg0[%get3A_5, %get3A_6] : memref<20480x128xf32, #tpu.memory_space<vmem>>, vector<20480x128xf32>
    %get3A_8 = arith.constant 0 : index
    %get3A_9 = arith.constant 0 : index
    %get3A_10 = vector.load %arg1[%get3A_8, %get3A_9] : memref<10000x128xf32, #tpu.memory_space<vmem>>, vector<10000x128xf32>
    %slice3A = vector.extract_strided_slice %get3A_7 {offsets = [0, 0], sizes = [10000, 128], strides = [1, 1]} : vector<20480x128xf32> to vector<10000x128xf32>
    %slice3A_11 = vector.extract_strided_slice %get3A_7 {offsets = [10240, 0], sizes = [10000, 128], strides = [1, 1]} : vector<20480x128xf32> to vector<10000x128xf32>
    %add3A_12 = arith.addf %slice3A, %slice3A_11 : vector<10000x128xf32>
    %add3A_13 = arith.addf %add3A_12, %get3A_10 : vector<10000x128xf32>
    %broadcast_in_dim3A = vector.shape_cast %rsqrt3A : vector<10000xf32> to vector<10000x1xf32>
    %mul3A = vector.broadcast %broadcast_in_dim3A : vector<10000x1xf32> to vector<10000x128xf32>
    %mul3A_14 = arith.mulf %add3A_13, %mul3A : vector<10000x128xf32>
    %get3A_15 = arith.constant 0 : index
    %get3A_16 = vector.load %arg3[%get3A_15] : memref<128xf32, #tpu.memory_space<vmem>>, vector<128xf32>
    %broadcast_in_dim3A_17 = vector.shape_cast %get3A_16 : vector<128xf32> to vector<1x128xf32>
    %add3A_18 = vector.broadcast %broadcast_in_dim3A_17 : vector<1x128xf32> to vector<10000x128xf32>
    %add3A_19 = arith.addf %mul3A_14, %add3A_18 : vector<10000x128xf32>
    %max3A = arith.constant 0.000000e+00 : f32
    %max3A_20 = vector.broadcast %max3A : f32 to vector<10000x128xf32>
    %max3A_21 = arith.maximumf %add3A_19, %max3A_20 : vector<10000x128xf32>
    %swap3A = arith.constant 0 : index
    %swap3A_22 = arith.constant 0 : index
    %swap3A_23 = vector.load %arg7[%swap3A, %swap3A_22] : memref<10000x128xf32, #tpu.memory_space<vmem>>, vector<10000x128xf32>
    tpu.vector_store %arg7[%swap3A, %swap3A_22], %max3A_21 {strides = array<i32>} : memref<10000x128xf32, #tpu.memory_space<vmem>>, vector<10000x128xf32>,
    %get3A_24 = arith.constant 0 : index
    %get3A_25 = arith.constant 0 : index
    %get3A_26 = vector.load %arg4[%get3A_24, %get3A_25] : memref<128x40xf32, #tpu.memory_space<vmem>>, vector<128x40xf32>
    %dot_general3A = arith.constant dense<0.000000e+00> : vector<10000x40xf32>
    %dot_general3A_27 = tpu.matmul %max3A_21, %get3A_26, %dot_general3A {dimension_numbers = #tpu.dot_dimension_numbers<[1], [0], [0], [1], [0, 0, 1, 1], [], []>, transpose_lhs_hint = false} : vector<10000x128xf32>, vector<128x40xf32>, vector<10000x40xf32> -> vector<10000x40xf32>
    %get3A_28 = arith.constant 0 : index
    %get3A_29 = vector.load %arg5[%get3A_28] : memref<40xf32, #tpu.memory_space<vmem>>, vector<40xf32>
    %broadcast_in_dim3A_30 = vector.shape_cast %get3A_29 : vector<40xf32> to vector<1x40xf32>
    %add3A_31 = vector.broadcast %broadcast_in_dim3A_30 : vector<1x40xf32> to vector<10000x40xf32>
    %add3A_32 = arith.addf %dot_general3A_27, %add3A_31 : vector<10000x40xf32>
    %swap3A_33 = arith.constant 0 : index
    %swap3A_34 = arith.constant 0 : index
    %swap3A_35 = vector.load %arg6[%swap3A_33, %swap3A_34] : memref<10000x40xf32, #tpu.memory_space<vmem>>, vector<10000x40xf32>
    tpu.vector_store %arg6[%swap3A_33, %swap3A_34], %add3A_32 {strides = array<i32>} : memref<10000x40xf32, #tpu.memory_space<vmem>>, vector<10000x40xf32>,
    return
  }
}

</mosaic_0001>

<sc_bundles>
// kernel: kernel.11.cloned.1.call-start
scs
__scs_entry_jumppad:
0x0: {  	(pc) =	sbr.rel $0x88, $3  }
0x1: {  	(tag) =	ssettag $0x0;
	lr =	simm.s32 $0x1  }
0x2: {  	[smem:$0x3F99] =	sst lr;
	_ =	strace $0xD0000000  }
0x3: {  	_ = 	snop  }
0x4: {  	_ = 	snop  }
0x5: {  	_ = 	snop  }
0x6: {  	_ = 	snop  }
0x7: {  	_ = 	snop  }
__scs_overlays_trampoline_lowered:
0x8: {  	[smem:$0x3FA8] =	sst s0  }
0x9: {  	[smem:$0x3FA9] =	sst s1  }
0xa: {  	[smem:$0x3FAA] =	sst s2  }
0xb: {  	[smem:$0x3FAB] =	sst s3  }
0xc: {  	[smem:$0x3FAC] =	sst s4  }
0xd: {  	[smem:$0x3FAD] =	sst s5  }
0xe: {  	[smem:$0x3FAE] =	sst s6  }
0xf: {  	[smem:$0x3FAF] =	sst s7  }
0x10: {  	[smem:$0x3FB0] =	sst s8  }
0x11: {  	[smem:$0x3FB1] =	sst s9;
	s0 =	simm.s32 @!p0 $0x0  }
0x12: {  	s1 =	sld [smem:$0x3F97];
	s0 =	simm.s32 @p0 $0x1  }
0x13: {  	[smem:$0x3FB2] =	sst s0;
	s0 =	simm.s32 @!p1 $0x0  }
0x14: {  	s2 =	sld [smem:$0x3F96];
	s0 =	simm.s32 @p1 $0x1  }
0x15: {  	[smem:$0x3FB3] =	sst s0;
	s0 =	simm.s32 @!p2 $0x0  }
0x16: {  	s3 =	sld [smem:$0x3FDB];
	s0 =	simm.s32 @p2 $0x1  }
0x17: {  	s4 =	simm.s32 $0x1BF5;
	[smem:$0x3FB5] =	sst s0  }
0x18: {  	s0 =	sld [smem:$0x3F98];
	_ =	swait.ge [sflag:s4], $0x0  }
0x19: {  	s7 =	sld [smem:$0x3F99]  }
0x1a: {  	s8 =	sadd.s32 $0xFFFFE003, lr  }
0x1b: {  	s9 =	sadd.s32 $0xFFFFFEF7, lr;
	s5 =	simm.s32 $0xFFFFFFFF;
	p2 =	slt.u32 s8, $0xFFFFF086  }
0x1c: {  	p1 =	slt.u32 s9, $0xF7A;
	s5 =	simm.s32 @!p2 $0x0  }
0x1d: {  	s5 =	simm.s32 @p1 $0x1;
	p0 =	seq.s32 s7, s2  }
0x1e: {  	s7 =	smul.u32 @!p0 $0xF7A, s2;
	p2 =	seq.s32 @!p0 s5, $0x0  }
0x1f: {  	s9 =	smul.u32 $0xF7A, s1;
	s8 =	simm.s32 @!p0 $0x1BF5;
	p2 =	por !p2, p0  }
0x20: {  	[sflag:s8] =	ssyncset.s32 @!p0 $0xFFFFF086;
	s6 =	sadd.s32 @!p0 s3, s7;
	s7 =	simm.s32 @!p0 $0x108  }
0x21: {  	s3 =	sadd.s32 s3, s9;
	s6 =	sadd.s32 @!p0 $0x88, s6;
	s7 =	simm.s32 @p2 $0x1082  }
0x22: {  	[simem:s7], [sflag:s8] =	dma.local @!p0 [hbm:s6], $0xF7A  }
0x23: {  	s9 =	sor.u32 $0xD0000000, s2;
	s6 =	simm.s32 $0x108;
	_ =	swait.ge @!p0 [sflag:s8], $0x0  }
0x24: {  	s3 =	sadd.s32 $0x88, s3;
	s6 =	simm.s32 @!p1 $0x1082;
	[sflag:s4] =	ssyncset.s32 $0xFFFFF086  }
0x25: {  	[simem:s6], [sflag:s4] =	dma.local [hbm:s3], $0xF7A  }
0x26: {  	[smem:$0x3F99] =	sst s1;
	(tag) =	ssettag s2;
	_ =	strace s9  }
0x27: {  	s1 =	sld [smem:$0x3FA9]  }
0x28: {  	s2 =	sld [smem:$0x3FAA]  }
0x29: {  	s4 =	sld [smem:$0x3FAC]  }
0x2a: {  	p0 =	seq.s32 s5, $0x0;
	s5 =	sld [smem:$0x3FAD]  }
0x2b: {  	s6 =	sld [smem:$0x3FAE]  }
0x2c: {  	s7 =	sld [smem:$0x3FAF]  }
0x2d: {  	s3 =	simm.s32 $0x108;
	s8 =	sld [smem:$0x3FB0]  }
0x2e: {  	s3 =	simm.s32 @!p0 $0x1082;
	s9 =	sld [smem:$0x3FB1]  }
0x2f: {  	lr =	sadd.s32 s0, s3;
	s0 =	sld [smem:$0x3FA8]  }
0x30: {  	s3 =	sld [smem:$0x3FAB]  }
0x31: {  	[smem:$0x3FB4] =	sst s10  }
0x32: {  	s10 =	sld [smem:$0x3FB2];
	_ =	sdelay $0x3  }
0x33: {  	p0 =	seq.s32 s10, $0x1;
	s10 =	sld [smem:$0x3FB4];
	_ =	sdelay $0x3  }
0x34: {  	[smem:$0x3FB4] =	sst s10  }
0x35: {  	s10 =	sld [smem:$0x3FB3];
	_ =	sdelay $0x3  }
0x36: {  	p1 =	seq.s32 s10, $0x1;
	s10 =	sld [smem:$0x3FB4];
	_ =	sdelay $0x3  }
0x37: {  	[smem:$0x3FB4] =	sst s10  }
0x38: {  	s10 =	sld [smem:$0x3FB5]  }
0x39: {  	_ = 	snop;
	(pc) =	sbr.ind lr, $3  }
0x3a: {  	_ = 	snop  }
0x3b: {  	_ = 	snop  }
0x3c: {  	p2 =	seq.s32 s10, $0x1;
	s10 =	sld [smem:$0x3FB4]  }
0x3d: {  	_ =	shalt  }
0x3e: {  	_ =	shalt  }
0x3f: {  	_ =	shalt  }
0x40: {  	_ =	shalt  }
0x41: {  	_ =	shalt  }
0x42: {  	_ =	shalt  }
0x43: {  	_ =	shalt  }
0x44: {  	_ =	shalt  }
0x45: {  	_ =	shalt  }
0x46: {  	_ =	shalt  }
0x47: {  	_ =	shalt  }
0x48: {  	_ =	shalt  }
0x49: {  	_ =	shalt  }
0x4a: {  	_ =	shalt  }
0x4b: {  	_ =	shalt  }
0x4c: {  	_ =	shalt  }
0x4d: {  	_ =	shalt  }
0x4e: {  	_ =	shalt  }
0x4f: {  	_ =	shalt  }
0x50: {  	_ =	shalt  }
0x51: {  	_ =	shalt  }
0x52: {  	_ =	shalt  }
0x53: {  	_ =	shalt  }
0x54: {  	_ =	shalt  }
0x55: {  	_ =	shalt  }
0x56: {  	_ =	shalt  }
0x57: {  	_ =	shalt  }
0x58: {  	_ =	shalt  }
0x59: {  	_ =	shalt  }
0x5a: {  	_ =	shalt  }
0x5b: {  	_ =	shalt  }
0x5c: {  	_ =	shalt  }
0x5d: {  	_ =	shalt  }
0x5e: {  	_ =	shalt  }
0x5f: {  	_ =	shalt  }
0x60: {  	_ =	shalt  }
0x61: {  	_ =	shalt  }
0x62: {  	_ =	shalt  }
0x63: {  	_ =	shalt  }
0x64: {  	_ =	shalt  }
0x65: {  	_ =	shalt  }
0x66: {  	_ =	shalt  }
0x67: {  	_ =	shalt  }
0x68: {  	_ =	shalt  }
0x69: {  	_ =	shalt  }
0x6a: {  	_ =	shalt  }
0x6b: {  	_ =	shalt  }
0x6c: {  	_ =	shalt  }
0x6d: {  	_ =	shalt  }
0x6e: {  	_ =	shalt  }
0x6f: {  	_ =	shalt  }
0x70: {  	_ =	shalt  }
0x71: {  	_ =	shalt  }
0x72: {  	_ =	shalt  }
0x73: {  	_ =	shalt  }
0x74: {  	_ =	shalt  }
0x75: {  	_ =	shalt  }
0x76: {  	_ =	shalt  }
0x77: {  	_ =	shalt  }
0x78: {  	_ =	shalt  }
0x79: {  	_ =	shalt  }
0x7a: {  	_ =	shalt  }
0x7b: {  	_ =	shalt  }
0x7c: {  	_ =	shalt  }
0x7d: {  	_ =	shalt  }
0x7e: {  	_ =	shalt  }
0x7f: {  	_ =	shalt  }
0x80: {  	_ =	shalt  }
0x81: {  	_ =	shalt  }
0x82: {  	_ =	shalt  }
0x83: {  	_ =	shalt  }
0x84: {  	_ =	shalt  }
0x85: {  	_ =	shalt  }
0x86: {  	_ =	shalt  }
0x87: {  	_ =	shalt  }
.Lfunc_end0:
.L_simem_size_0:
called_computation.1_lowered:
.L_overlay_start_0:
0x88: {  	s2 =	sld [smem:$0x3FD9]  }
0x89: {  	s3 =	sld [smem:$0x3FFE];
	_ =	sdelay $0x1  }
0x8a: {  	s1 =	srdreg.scid  }
0x8b: {  	s0 =	sand.u32 $0x1, s1  }
0x8c: {  	s14 =	sshll.u32 s0, $0xA;
	s2 =	sadd.s32 s3, s2  }
0x8d: {  	s2 =	sadd.s32 s2, s14  }
0x8e: {  	[smem:$0x3FC0] =	sst s2  }
0x8f: {  	_ = 	snop  }
0x90: {  	s2 =	sld [smem:$0x3FD0];
	_ =	sdelay $0x2  }
0x91: {  	s15 =	simm.s32 $0xA;
	s4 =	simm.s32 $0x10  }
0x92: {  	[smem:s4], [sflag:s15] =	dma.local [hbm:s2], $0x1  }
0x93: {  	_ =	swait.eq [sflag:s15], $0x1  }
0x94: {  	[sflag:s15] =	ssyncset.done $0x0  }
0x95: {  	[sflag:s15] =	ssyncadd.s32 $0xFFFFFFFF  }
0x96: {  	s16 =	sld [smem:$0x11];
	(tm) =	ssettm $0x1  }
0x97: {  	s17 =	sld [smem:$0x3FFB];
	_ =	sdelay $0x3  }
0x98: {  	_ =	strace s17  }
0x99: {  	s3 =	sld [smem:$0x3FFC];
	_ =	sdelay $0x3  }
0x9a: {  	_ =	strace s3  }
0x9b: {  	s3 =	sld [smem:$0x3FFD];
	_ =	sdelay $0x3  }
0x9c: {  	_ =	strace s3  }
0x9d: {  	_ =	strace $0x8FFFFFFF  }
0x9e: {  	s18 =	sld [smem:$0x3FDB];
	_ =	sdelay $0x1  }
0x9f: {  	s19 =	simm.s32 $_scs_section_size  }
0xa0: {  	s5 =	simm.s32 $_size__tile_overlayer_lowered;
	s6 =	simm.s32 $_tile_overlayer_lowered  }
0xa1: {  	s22 =	simm.s32 $0x1BFF;
	s21 =	sshll.u32 s6, $0x1;
	s3 =	sadd.s32 s19, s18  }
0xa2: {  	s7 =	simm.s32 $0x0;
	s20 =	sshll.u32 s5, $0x1;
	s5 =	sadd.s32 s21, s3  }
0xa3: {  	[timem:s7], [sflag:s22] =	dma.local [hbm:s5], s20  }
0xa4: {  	_ =	swait.ge [sflag:s22], s20  }
0xa5: {  	s4 =	ssub.s32 $0x0, s20;
	[sflag:s22] =	ssyncset.done $0x0  }
0xa6: {  	[sflag:s22] =	ssyncadd.s32 s4;
	_ =	sdelay $0x1  }
0xa7: {  	s23 =	simm.s32 $0x1B8B  }
0xa8: {  	_ =	swait.ge [sflag:s23], $0x1  }
0xa9: {  	[sflag:s23] =	ssyncset.done $0x0  }
0xaa: {  	s25 =	simm.s32 $0x1B8E;
	s24 =	sld [smem:$0x3FFE];
	[sflag:s23] =	ssyncadd.s32 $0xFFFFFFFF  }
0xab: {  	s26 =	simm.s32 $execute0_lowered;
	[smem:$0x3FD2] =	sst s25  }
0xac: {  	s5 =	sshll.u32 s26, $0x1;
	_ =	strace $0x80000049;
	[dreg:$0x1] =	wrdreg $0xFFFFFFFF  }
0xad: {  	s28 =	simm.s32 $_size_execute0_lowered;
	s3 =	sadd.s32 s3, s5;
	[dreg:$0x0] =	wrdreg $0x0  }
0xae: {  	s5 =	sshll.u32 s28, $0x1;
	[dreg:$0x2] =	wrdreg s3  }
0xaf: {  	[dreg:$0x3] =	wrdreg s5  }
0xb0: {  	[dreg:$0x4] =	wrdreg $0xC0  }
0xb1: {  	_ =	task [dreg:s7], $0x5FFFF  }
0xb2: {  	[dreg:$0x1] =	wrdreg $0xFFFFFFFF  }
0xb3: {  	[dreg:$0x0] =	wrdreg $0x60  }
0xb4: {  	[dreg:$0x2] =	wrdreg s16  }
0xb5: {  	[dreg:$0x3] =	wrdreg s24  }
0xb6: {  	[dreg:$0x4] =	wrdreg $0xB7800  }
0xb7: {  	[dreg:$0x5] =	wrdreg $0x9  }
0xb8: {  	_ =	task.clear_ibuf [dreg:s7], $0x6FFFF;
	_ =	strace $0x90000049  }
0xb9: {  	s29 =	simm.s32 $0x9;
	_ =	strace $0x8000004B  }
0xba: {  	_ =	swait.ge [sflag:s29], $0x1  }
0xbb: {  	[sflag:s29] =	ssyncadd.s32 $0xFFFFFFFF  }
0xbc: {  	_ =	strace $0x9000004B  }
0xbd: {  	_ =	sfence  }
0xbe: {  	s30 =	sld [smem:$0x0];
	_ =	sdelay $0x2  }
0xbf: {  	s31 =	sshll.u32 s1, $0xD;
	s1 =	sshrl.u32 s1, $0x2  }
0xc0: {  	s3 =	sand.u32 $0x4000, s31;
	s1 =	sadd.s32 s1, s30  }
0xc1: {  	s0 =	sor.u32 s3, s0;
	s1 =	sshll.u32 s1, $0x11  }
0xc2: {  	s0 =	sor.u32 s1, s0  }
0xc3: {  	s0 =	sadd.s32 $0x8F2B, s0  }
0xc4: {  	[sflag:s0] =	ssyncadd.remote.s32 $0x1  }
0xc5: {  	_ =	sfence.sel $0xFFFF  }
0xc6: {  	[dreg:$0x0] =	wrdreg $0xFFFFFFFF;
	(pc) =	sbr.abs _section_cstart, $3  }
0xc7: {  	[dreg:$0x1] =	wrdreg $0xFFFFFFFF  }
0xc8: {  	_ =	task.clear_ibuf [dreg:s7], $0x2FFFF;
	_ =	strace $0x9FFFFFFF  }
0xc9: {  	(tm) =	ssettm $0x7FFFFFFF  }
tec
execute0_lowered:
.L_overlay_start_1:
0x0: {  	(tag) =	ssettag $0x1  }
0x1: {  	s2 =	srdreg.scid;
	s1 =	rddreg [dreg:$0x0]  }
0x2: {  	s0 =	stileid.u32;
	s5 =	rddreg [dreg:$0x1];
	s4 =	simm.s32 $0x0  }
0x3: {  	s17 =	simm.s32 $0x5;
	s18 =	simm.s32 $0x2780;
	s19 =	simm.s32 $0x6780  }
0x4: {  	s20 =	simm.s32 $0x50;
	s21 =	simm.s32 $0x1;
	s22 =	simm.s32 $0x8F80  }
0x5: {  	s23 =	simm.s32 $0x2;
	s24 =	simm.s32 $0x3;
	s28 =	simm.s32 $0x4  }
0x6: {  	s29 =	simm.s32 $0x6580;
	s30 =	simm.s32 $0x0;
	s2 =	sand.u32 $0x1, s2  }
0x7: {  	s3 =	sshll.u32 s0, $0x1;
	s8 =	smul.u32 $0x2800, s0;
	[smem:$0x7FF] =	sst s4  }
0x8: {  	s10 =	smul.u32 $0x50000, s0;
	s6 =	sor.u32 s2, s3;
	s3 =	rddreg [dreg:$0x2]  }
0x9: {  	s9 =	smul.u32 $0x28000, s2;
	_ =	strace $0x8000004A;
	s2 =	ssub.s32 $0x2, s2  }
0xa: {  	s7 =	smul.u32 $0x4E2, s6;
	s6 =	sshll.u32 s6, $0xB;
	s26 =	sshrl.u32 s2, $0x1  }
0xb: {  	s31 =	sshrl.u32 s10, $0x2;
	s11 =	sadd.s32 s6, s5;
	s25 =	sadd.s32 s8, s9  }
0xc: {  	s2 =	ssub.s32 s2, s26;
	s7 =	sadd.s32 s7, s5;
	s15 =	sadd.s32 s25, s5  }
0xd: {  	s5 =	sadd.s32 s31, s3;
	s16 =	smax.u32 s2, $0x1;
	s6 =	sadd.s32 $0x3000, s7  }
0xe: {  	s7 =	sadd.s32 $0xCE00, s11;
	s8 =	sadd.s32 $0x2800, s5;
	s9 =	sadd.s32 $0x5000, s5  }
0xf: {  	s10 =	sadd.s32 $0x7800, s5;
	s11 =	sadd.s32 $0xA000, s5;
	s12 =	sadd.s32 $0xC800, s5  }
0x10: {  	v0 =	vimm.f32 $0.0e+00;
	s13 =	sadd.s32 $0xF000, s5;
	s14 =	sadd.s32 $0x11800, s5;
	s15 =	sadd.s32 $0x1CE00, s15  }
.LBB2_1:
0x11: {  	[tilespmem:s4], [sflag:$0x5] =	stream.linear.gather [hbm4b:s6+s4], $0x2710, $0x38;
	[tilespmem:$0x1F780] =	vst v63  }
0x12: {  	_ =	swait.ge [sflag:s17], $0x2710  }
0x13: {  	[sflag:s17] =	ssyncset.done $0x0  }
0x14: {  	[sflag:s17] =	ssyncadd.s32 $0xFFFFD8F0  }
0x15: {  	[tilespmem:s18], [sflag:$0x5] =	stream.linear.gather [hbm4b:s7+s4], $0x3E80, $0x38;
	[tilespmem:$0x1F780] =	vst v63  }
0x16: {  	_ =	swait.ge [sflag:s17], $0x3E80  }
0x17: {  	[sflag:s17] =	ssyncset.done $0x0  }
0x18: {  	[sflag:s17] =	ssyncadd.s32 $0xFFFFC180  }
0x19: {  	[tilespmem:$0x6780] =	vst v0  }
0x1a: {  	[tilespmem:$0x6790] =	vst v0  }
0x1b: {  	[tilespmem:$0x67A0] =	vst v0  }
0x1c: {  	[tilespmem:$0x67B0] =	vst v0  }
0x1d: {  	[tilespmem:$0x67C0] =	vst v0  }
0x1e: {  	[tilespmem:$0x67D0] =	vst v0  }
0x1f: {  	[tilespmem:$0x67E0] =	vst v0  }
0x20: {  	[tilespmem:$0x67F0] =	vst v0  }
0x21: {  	[tilespmem:$0x6800] =	vst v0  }
0x22: {  	[tilespmem:$0x6810] =	vst v0  }
0x23: {  	[tilespmem:$0x6820] =	vst v0  }
0x24: {  	[tilespmem:$0x6830] =	vst v0  }
0x25: {  	[tilespmem:$0x6840] =	vst v0  }
0x26: {  	[tilespmem:$0x6850] =	vst v0  }
0x27: {  	[tilespmem:$0x6860] =	vst v0  }
0x28: {  	[tilespmem:$0x6870] =	vst v0  }
0x29: {  	[tilespmem:$0x6880] =	vst v0  }
0x2a: {  	[tilespmem:$0x6890] =	vst v0  }
0x2b: {  	[tilespmem:$0x68A0] =	vst v0  }
0x2c: {  	[tilespmem:$0x68B0] =	vst v0  }
0x2d: {  	[tilespmem:$0x68C0] =	vst v0  }
0x2e: {  	[tilespmem:$0x68D0] =	vst v0  }
0x2f: {  	[tilespmem:$0x68E0] =	vst v0  }
0x30: {  	[tilespmem:$0x68F0] =	vst v0  }
0x31: {  	[tilespmem:$0x6900] =	vst v0  }
0x32: {  	[tilespmem:$0x6910] =	vst v0  }
0x33: {  	[tilespmem:$0x6920] =	vst v0  }
0x34: {  	[tilespmem:$0x6930] =	vst v0  }
0x35: {  	[tilespmem:$0x6940] =	vst v0  }
0x36: {  	[tilespmem:$0x6950] =	vst v0  }
0x37: {  	[tilespmem:$0x6960] =	vst v0  }
0x38: {  	[tilespmem:$0x6970] =	vst v0  }
0x39: {  	[tilespmem:$0x6980] =	vst v0  }
0x3a: {  	[tilespmem:$0x6990] =	vst v0  }
0x3b: {  	[tilespmem:$0x69A0] =	vst v0  }
0x3c: {  	[tilespmem:$0x69B0] =	vst v0  }
0x3d: {  	[tilespmem:$0x69C0] =	vst v0  }
0x3e: {  	[tilespmem:$0x69D0] =	vst v0  }
0x3f: {  	[tilespmem:$0x69E0] =	vst v0  }
0x40: {  	[tilespmem:$0x69F0] =	vst v0  }
0x41: {  	[tilespmem:$0x6A00] =	vst v0  }
0x42: {  	[tilespmem:$0x6A10] =	vst v0  }
0x43: {  	[tilespmem:$0x6A20] =	vst v0  }
0x44: {  	[tilespmem:$0x6A30] =	vst v0  }
0x45: {  	[tilespmem:$0x6A40] =	vst v0  }
0x46: {  	[tilespmem:$0x6A50] =	vst v0  }
0x47: {  	[tilespmem:$0x6A60] =	vst v0  }
0x48: {  	[tilespmem:$0x6A70] =	vst v0  }
0x49: {  	[tilespmem:$0x6A80] =	vst v0  }
0x4a: {  	[tilespmem:$0x6A90] =	vst v0  }
0x4b: {  	[tilespmem:$0x6AA0] =	vst v0  }
0x4c: {  	[tilespmem:$0x6AB0] =	vst v0  }
0x4d: {  	[tilespmem:$0x6AC0] =	vst v0  }
0x4e: {  	[tilespmem:$0x6AD0] =	vst v0  }
0x4f: {  	[tilespmem:$0x6AE0] =	vst v0  }
0x50: {  	[tilespmem:$0x6AF0] =	vst v0  }
0x51: {  	[tilespmem:$0x6B00] =	vst v0  }
0x52: {  	[tilespmem:$0x6B10] =	vst v0  }
0x53: {  	[tilespmem:$0x6B20] =	vst v0  }
0x54: {  	[tilespmem:$0x6B30] =	vst v0  }
0x55: {  	[tilespmem:$0x6B40] =	vst v0  }
0x56: {  	[tilespmem:$0x6B50] =	vst v0  }
0x57: {  	[tilespmem:$0x6B60] =	vst v0  }
0x58: {  	[tilespmem:$0x6B70] =	vst v0  }
0x59: {  	[tilespmem:$0x6B80] =	vst v0  }
0x5a: {  	[tilespmem:$0x6B90] =	vst v0  }
0x5b: {  	[tilespmem:$0x6BA0] =	vst v0  }
0x5c: {  	[tilespmem:$0x6BB0] =	vst v0  }
0x5d: {  	[tilespmem:$0x6BC0] =	vst v0  }
0x5e: {  	[tilespmem:$0x6BD0] =	vst v0  }
0x5f: {  	[tilespmem:$0x6BE0] =	vst v0  }
0x60: {  	[tilespmem:$0x6BF0] =	vst v0  }
0x61: {  	[tilespmem:$0x6C00] =	vst v0  }
0x62: {  	[tilespmem:$0x6C10] =	vst v0  }
0x63: {  	[tilespmem:$0x6C20] =	vst v0  }
0x64: {  	[tilespmem:$0x6C30] =	vst v0  }
0x65: {  	[tilespmem:$0x6C40] =	vst v0  }
0x66: {  	[tilespmem:$0x6C50] =	vst v0  }
0x67: {  	[tilespmem:$0x6C60] =	vst v0  }
0x68: {  	[tilespmem:$0x6C70] =	vst v0  }
0x69: {  	[tilespmem:$0x6C80] =	vst v0  }
0x6a: {  	[tilespmem:$0x6C90] =	vst v0  }
0x6b: {  	[tilespmem:$0x6CA0] =	vst v0  }
0x6c: {  	[tilespmem:$0x6CB0] =	vst v0  }
0x6d: {  	[tilespmem:$0x6CC0] =	vst v0  }
0x6e: {  	[tilespmem:$0x6CD0] =	vst v0  }
0x6f: {  	[tilespmem:$0x6CE0] =	vst v0  }
0x70: {  	[tilespmem:$0x6CF0] =	vst v0  }
0x71: {  	[tilespmem:$0x6D00] =	vst v0  }
0x72: {  	[tilespmem:$0x6D10] =	vst v0  }
0x73: {  	[tilespmem:$0x6D20] =	vst v0  }
0x74: {  	[tilespmem:$0x6D30] =	vst v0  }
0x75: {  	[tilespmem:$0x6D40] =	vst v0  }
0x76: {  	[tilespmem:$0x6D50] =	vst v0  }
0x77: {  	[tilespmem:$0x6D60] =	vst v0  }
0x78: {  	[tilespmem:$0x6D70] =	vst v0  }
0x79: {  	[tilespmem:$0x6D80] =	vst v0  }
0x7a: {  	[tilespmem:$0x6D90] =	vst v0  }
0x7b: {  	[tilespmem:$0x6DA0] =	vst v0  }
0x7c: {  	[tilespmem:$0x6DB0] =	vst v0  }
0x7d: {  	[tilespmem:$0x6DC0] =	vst v0  }
0x7e: {  	[tilespmem:$0x6DD0] =	vst v0  }
0x7f: {  	[tilespmem:$0x6DE0] =	vst v0  }
0x80: {  	[tilespmem:$0x6DF0] =	vst v0  }
0x81: {  	[tilespmem:$0x6E00] =	vst v0  }
0x82: {  	[tilespmem:$0x6E10] =	vst v0  }
0x83: {  	[tilespmem:$0x6E20] =	vst v0  }
0x84: {  	[tilespmem:$0x6E30] =	vst v0  }
0x85: {  	[tilespmem:$0x6E40] =	vst v0  }
0x86: {  	[tilespmem:$0x6E50] =	vst v0  }
0x87: {  	[tilespmem:$0x6E60] =	vst v0  }
0x88: {  	[tilespmem:$0x6E70] =	vst v0  }
0x89: {  	[tilespmem:$0x6E80] =	vst v0  }
0x8a: {  	[tilespmem:$0x6E90] =	vst v0  }
0x8b: {  	[tilespmem:$0x6EA0] =	vst v0  }
0x8c: {  	[tilespmem:$0x6EB0] =	vst v0  }
0x8d: {  	[tilespmem:$0x6EC0] =	vst v0  }
0x8e: {  	[tilespmem:$0x6ED0] =	vst v0  }
0x8f: {  	[tilespmem:$0x6EE0] =	vst v0  }
0x90: {  	[tilespmem:$0x6EF0] =	vst v0  }
0x91: {  	[tilespmem:$0x6F00] =	vst v0  }
0x92: {  	[tilespmem:$0x6F10] =	vst v0  }
0x93: {  	[tilespmem:$0x6F20] =	vst v0  }
0x94: {  	[tilespmem:$0x6F30] =	vst v0  }
0x95: {  	[tilespmem:$0x6F40] =	vst v0  }
0x96: {  	[tilespmem:$0x6F50] =	vst v0  }
0x97: {  	[tilespmem:$0x6F60] =	vst v0  }
0x98: {  	[tilespmem:$0x6F70] =	vst v0  }
0x99: {  	[tilespmem:$0x6F80] =	vst v0  }
0x9a: {  	[tilespmem:$0x6F90] =	vst v0  }
0x9b: {  	[tilespmem:$0x6FA0] =	vst v0  }
0x9c: {  	[tilespmem:$0x6FB0] =	vst v0  }
0x9d: {  	[tilespmem:$0x6FC0] =	vst v0  }
0x9e: {  	[tilespmem:$0x6FD0] =	vst v0  }
0x9f: {  	[tilespmem:$0x6FE0] =	vst v0  }
0xa0: {  	[tilespmem:$0x6FF0] =	vst v0  }
0xa1: {  	[tilespmem:$0x7000] =	vst v0  }
0xa2: {  	[tilespmem:$0x7010] =	vst v0  }
0xa3: {  	[tilespmem:$0x7020] =	vst v0  }
0xa4: {  	[tilespmem:$0x7030] =	vst v0  }
0xa5: {  	[tilespmem:$0x7040] =	vst v0  }
0xa6: {  	[tilespmem:$0x7050] =	vst v0  }
0xa7: {  	[tilespmem:$0x7060] =	vst v0  }
0xa8: {  	[tilespmem:$0x7070] =	vst v0  }
0xa9: {  	[tilespmem:$0x7080] =	vst v0  }
0xaa: {  	[tilespmem:$0x7090] =	vst v0  }
0xab: {  	[tilespmem:$0x70A0] =	vst v0  }
0xac: {  	[tilespmem:$0x70B0] =	vst v0  }
0xad: {  	[tilespmem:$0x70C0] =	vst v0  }
0xae: {  	[tilespmem:$0x70D0] =	vst v0  }
0xaf: {  	[tilespmem:$0x70E0] =	vst v0  }
0xb0: {  	[tilespmem:$0x70F0] =	vst v0  }
0xb1: {  	[tilespmem:$0x7100] =	vst v0  }
0xb2: {  	[tilespmem:$0x7110] =	vst v0  }
0xb3: {  	[tilespmem:$0x7120] =	vst v0  }
0xb4: {  	[tilespmem:$0x7130] =	vst v0  }
0xb5: {  	[tilespmem:$0x7140] =	vst v0  }
0xb6: {  	[tilespmem:$0x7150] =	vst v0  }
0xb7: {  	[tilespmem:$0x7160] =	vst v0  }
0xb8: {  	[tilespmem:$0x7170] =	vst v0  }
0xb9: {  	[tilespmem:$0x7180] =	vst v0  }
0xba: {  	[tilespmem:$0x7190] =	vst v0  }
0xbb: {  	[tilespmem:$0x71A0] =	vst v0  }
0xbc: {  	[tilespmem:$0x71B0] =	vst v0  }
0xbd: {  	[tilespmem:$0x71C0] =	vst v0  }
0xbe: {  	[tilespmem:$0x71D0] =	vst v0  }
0xbf: {  	[tilespmem:$0x71E0] =	vst v0  }
0xc0: {  	[tilespmem:$0x71F0] =	vst v0  }
0xc1: {  	[tilespmem:$0x7200] =	vst v0  }
0xc2: {  	[tilespmem:$0x7210] =	vst v0  }
0xc3: {  	[tilespmem:$0x7220] =	vst v0  }
0xc4: {  	[tilespmem:$0x7230] =	vst v0  }
0xc5: {  	[tilespmem:$0x7240] =	vst v0  }
0xc6: {  	[tilespmem:$0x7250] =	vst v0  }
0xc7: {  	[tilespmem:$0x7260] =	vst v0  }
0xc8: {  	[tilespmem:$0x7270] =	vst v0  }
0xc9: {  	[tilespmem:$0x7280] =	vst v0  }
0xca: {  	[tilespmem:$0x7290] =	vst v0  }
0xcb: {  	[tilespmem:$0x72A0] =	vst v0  }
0xcc: {  	[tilespmem:$0x72B0] =	vst v0  }
0xcd: {  	[tilespmem:$0x72C0] =	vst v0  }
0xce: {  	[tilespmem:$0x72D0] =	vst v0  }
0xcf: {  	[tilespmem:$0x72E0] =	vst v0  }
0xd0: {  	[tilespmem:$0x72F0] =	vst v0  }
0xd1: {  	[tilespmem:$0x7300] =	vst v0  }
0xd2: {  	[tilespmem:$0x7310] =	vst v0  }
0xd3: {  	[tilespmem:$0x7320] =	vst v0  }
0xd4: {  	[tilespmem:$0x7330] =	vst v0  }
0xd5: {  	[tilespmem:$0x7340] =	vst v0  }
0xd6: {  	[tilespmem:$0x7350] =	vst v0  }
0xd7: {  	[tilespmem:$0x7360] =	vst v0  }
0xd8: {  	[tilespmem:$0x7370] =	vst v0  }
0xd9: {  	[tilespmem:$0x7380] =	vst v0  }
0xda: {  	[tilespmem:$0x7390] =	vst v0  }
0xdb: {  	[tilespmem:$0x73A0] =	vst v0  }
0xdc: {  	[tilespmem:$0x73B0] =	vst v0  }
0xdd: {  	[tilespmem:$0x73C0] =	vst v0  }
0xde: {  	[tilespmem:$0x73D0] =	vst v0  }
0xdf: {  	[tilespmem:$0x73E0] =	vst v0  }
0xe0: {  	[tilespmem:$0x73F0] =	vst v0  }
0xe1: {  	[tilespmem:$0x7400] =	vst v0  }
0xe2: {  	[tilespmem:$0x7410] =	vst v0  }
0xe3: {  	[tilespmem:$0x7420] =	vst v0  }
0xe4: {  	[tilespmem:$0x7430] =	vst v0  }
0xe5: {  	[tilespmem:$0x7440] =	vst v0  }
0xe6: {  	[tilespmem:$0x7450] =	vst v0  }
0xe7: {  	[tilespmem:$0x7460] =	vst v0  }
0xe8: {  	[tilespmem:$0x7470] =	vst v0  }
0xe9: {  	[tilespmem:$0x7480] =	vst v0  }
0xea: {  	[tilespmem:$0x7490] =	vst v0  }
0xeb: {  	[tilespmem:$0x74A0] =	vst v0  }
0xec: {  	[tilespmem:$0x74B0] =	vst v0  }
0xed: {  	[tilespmem:$0x74C0] =	vst v0  }
0xee: {  	[tilespmem:$0x74D0] =	vst v0  }
0xef: {  	[tilespmem:$0x74E0] =	vst v0  }
0xf0: {  	[tilespmem:$0x74F0] =	vst v0  }
0xf1: {  	[tilespmem:$0x7500] =	vst v0  }
0xf2: {  	[tilespmem:$0x7510] =	vst v0  }
0xf3: {  	[tilespmem:$0x7520] =	vst v0  }
0xf4: {  	[tilespmem:$0x7530] =	vst v0  }
0xf5: {  	[tilespmem:$0x7540] =	vst v0  }
0xf6: {  	[tilespmem:$0x7550] =	vst v0  }
0xf7: {  	[tilespmem:$0x7560] =	vst v0  }
0xf8: {  	[tilespmem:$0x7570] =	vst v0  }
0xf9: {  	[tilespmem:$0x7580] =	vst v0  }
0xfa: {  	[tilespmem:$0x7590] =	vst v0  }
0xfb: {  	[tilespmem:$0x75A0] =	vst v0  }
0xfc: {  	[tilespmem:$0x75B0] =	vst v0  }
0xfd: {  	[tilespmem:$0x75C0] =	vst v0  }
0xfe: {  	[tilespmem:$0x75D0] =	vst v0  }
0xff: {  	[tilespmem:$0x75E0] =	vst v0  }
0x100: {  	[tilespmem:$0x75F0] =	vst v0  }
0x101: {  	[tilespmem:$0x7600] =	vst v0  }
0x102: {  	[tilespmem:$0x7610] =	vst v0  }
0x103: {  	[tilespmem:$0x7620] =	vst v0  }
0x104: {  	[tilespmem:$0x7630] =	vst v0  }
0x105: {  	[tilespmem:$0x7640] =	vst v0  }
0x106: {  	[tilespmem:$0x7650] =	vst v0  }
0x107: {  	[tilespmem:$0x7660] =	vst v0  }
0x108: {  	[tilespmem:$0x7670] =	vst v0  }
0x109: {  	[tilespmem:$0x7680] =	vst v0  }
0x10a: {  	[tilespmem:$0x7690] =	vst v0  }
0x10b: {  	[tilespmem:$0x76A0] =	vst v0  }
0x10c: {  	[tilespmem:$0x76B0] =	vst v0  }
0x10d: {  	[tilespmem:$0x76C0] =	vst v0  }
0x10e: {  	[tilespmem:$0x76D0] =	vst v0  }
0x10f: {  	[tilespmem:$0x76E0] =	vst v0  }
0x110: {  	[tilespmem:$0x76F0] =	vst v0  }
0x111: {  	[tilespmem:$0x7700] =	vst v0  }
0x112: {  	[tilespmem:$0x7710] =	vst v0  }
0x113: {  	[tilespmem:$0x7720] =	vst v0  }
0x114: {  	[tilespmem:$0x7730] =	vst v0  }
0x115: {  	[tilespmem:$0x7740] =	vst v0  }
0x116: {  	[tilespmem:$0x7750] =	vst v0  }
0x117: {  	[tilespmem:$0x7760] =	vst v0  }
0x118: {  	[tilespmem:$0x7770] =	vst v0  }
0x119: {  	[tilespmem:$0x7780] =	vst v0  }
0x11a: {  	[tilespmem:$0x7790] =	vst v0  }
0x11b: {  	[tilespmem:$0x77A0] =	vst v0  }
0x11c: {  	[tilespmem:$0x77B0] =	vst v0  }
0x11d: {  	[tilespmem:$0x77C0] =	vst v0  }
0x11e: {  	[tilespmem:$0x77D0] =	vst v0  }
0x11f: {  	[tilespmem:$0x77E0] =	vst v0  }
0x120: {  	[tilespmem:$0x77F0] =	vst v0  }
0x121: {  	[tilespmem:$0x7800] =	vst v0  }
0x122: {  	[tilespmem:$0x7810] =	vst v0  }
0x123: {  	[tilespmem:$0x7820] =	vst v0  }
0x124: {  	[tilespmem:$0x7830] =	vst v0  }
0x125: {  	[tilespmem:$0x7840] =	vst v0  }
0x126: {  	[tilespmem:$0x7850] =	vst v0  }
0x127: {  	[tilespmem:$0x7860] =	vst v0  }
0x128: {  	[tilespmem:$0x7870] =	vst v0  }
0x129: {  	[tilespmem:$0x7880] =	vst v0  }
0x12a: {  	[tilespmem:$0x7890] =	vst v0  }
0x12b: {  	[tilespmem:$0x78A0] =	vst v0  }
0x12c: {  	[tilespmem:$0x78B0] =	vst v0  }
0x12d: {  	[tilespmem:$0x78C0] =	vst v0  }
0x12e: {  	[tilespmem:$0x78D0] =	vst v0  }
0x12f: {  	[tilespmem:$0x78E0] =	vst v0  }
0x130: {  	[tilespmem:$0x78F0] =	vst v0  }
0x131: {  	[tilespmem:$0x7900] =	vst v0  }
0x132: {  	[tilespmem:$0x7910] =	vst v0  }
0x133: {  	[tilespmem:$0x7920] =	vst v0  }
0x134: {  	[tilespmem:$0x7930] =	vst v0  }
0x135: {  	[tilespmem:$0x7940] =	vst v0  }
0x136: {  	[tilespmem:$0x7950] =	vst v0  }
0x137: {  	[tilespmem:$0x7960] =	vst v0  }
0x138: {  	[tilespmem:$0x7970] =	vst v0  }
0x139: {  	[tilespmem:$0x7980] =	vst v0  }
0x13a: {  	[tilespmem:$0x7990] =	vst v0  }
0x13b: {  	[tilespmem:$0x79A0] =	vst v0  }
0x13c: {  	[tilespmem:$0x79B0] =	vst v0  }
0x13d: {  	[tilespmem:$0x79C0] =	vst v0  }
0x13e: {  	[tilespmem:$0x79D0] =	vst v0  }
0x13f: {  	[tilespmem:$0x79E0] =	vst v0  }
0x140: {  	[tilespmem:$0x79F0] =	vst v0  }
0x141: {  	[tilespmem:$0x7A00] =	vst v0  }
0x142: {  	[tilespmem:$0x7A10] =	vst v0  }
0x143: {  	[tilespmem:$0x7A20] =	vst v0  }
0x144: {  	[tilespmem:$0x7A30] =	vst v0  }
0x145: {  	[tilespmem:$0x7A40] =	vst v0  }
0x146: {  	[tilespmem:$0x7A50] =	vst v0  }
0x147: {  	[tilespmem:$0x7A60] =	vst v0  }
0x148: {  	[tilespmem:$0x7A70] =	vst v0  }
0x149: {  	[tilespmem:$0x7A80] =	vst v0  }
0x14a: {  	[tilespmem:$0x7A90] =	vst v0  }
0x14b: {  	[tilespmem:$0x7AA0] =	vst v0  }
0x14c: {  	[tilespmem:$0x7AB0] =	vst v0  }
0x14d: {  	[tilespmem:$0x7AC0] =	vst v0  }
0x14e: {  	[tilespmem:$0x7AD0] =	vst v0  }
0x14f: {  	[tilespmem:$0x7AE0] =	vst v0  }
0x150: {  	[tilespmem:$0x7AF0] =	vst v0  }
0x151: {  	[tilespmem:$0x7B00] =	vst v0  }
0x152: {  	[tilespmem:$0x7B10] =	vst v0  }
0x153: {  	[tilespmem:$0x7B20] =	vst v0  }
0x154: {  	[tilespmem:$0x7B30] =	vst v0  }
0x155: {  	[tilespmem:$0x7B40] =	vst v0  }
0x156: {  	[tilespmem:$0x7B50] =	vst v0  }
0x157: {  	[tilespmem:$0x7B60] =	vst v0  }
0x158: {  	[tilespmem:$0x7B70] =	vst v0  }
0x159: {  	[tilespmem:$0x7B80] =	vst v0  }
0x15a: {  	[tilespmem:$0x7B90] =	vst v0  }
0x15b: {  	[tilespmem:$0x7BA0] =	vst v0  }
0x15c: {  	[tilespmem:$0x7BB0] =	vst v0  }
0x15d: {  	[tilespmem:$0x7BC0] =	vst v0  }
0x15e: {  	[tilespmem:$0x7BD0] =	vst v0  }
0x15f: {  	[tilespmem:$0x7BE0] =	vst v0  }
0x160: {  	[tilespmem:$0x7BF0] =	vst v0  }
0x161: {  	[tilespmem:$0x7C00] =	vst v0  }
0x162: {  	[tilespmem:$0x7C10] =	vst v0  }
0x163: {  	[tilespmem:$0x7C20] =	vst v0  }
0x164: {  	[tilespmem:$0x7C30] =	vst v0  }
0x165: {  	[tilespmem:$0x7C40] =	vst v0  }
0x166: {  	[tilespmem:$0x7C50] =	vst v0  }
0x167: {  	[tilespmem:$0x7C60] =	vst v0  }
0x168: {  	[tilespmem:$0x7C70] =	vst v0  }
0x169: {  	[tilespmem:$0x7C80] =	vst v0  }
0x16a: {  	[tilespmem:$0x7C90] =	vst v0  }
0x16b: {  	[tilespmem:$0x7CA0] =	vst v0  }
0x16c: {  	[tilespmem:$0x7CB0] =	vst v0  }
0x16d: {  	[tilespmem:$0x7CC0] =	vst v0  }
0x16e: {  	[tilespmem:$0x7CD0] =	vst v0  }
0x16f: {  	[tilespmem:$0x7CE0] =	vst v0  }
0x170: {  	[tilespmem:$0x7CF0] =	vst v0  }
0x171: {  	[tilespmem:$0x7D00] =	vst v0  }
0x172: {  	[tilespmem:$0x7D10] =	vst v0  }
0x173: {  	[tilespmem:$0x7D20] =	vst v0  }
0x174: {  	[tilespmem:$0x7D30] =	vst v0  }
0x175: {  	[tilespmem:$0x7D40] =	vst v0  }
0x176: {  	[tilespmem:$0x7D50] =	vst v0  }
0x177: {  	[tilespmem:$0x7D60] =	vst v0  }
0x178: {  	[tilespmem:$0x7D70] =	vst v0  }
0x179: {  	[tilespmem:$0x7D80] =	vst v0  }
0x17a: {  	[tilespmem:$0x7D90] =	vst v0  }
0x17b: {  	[tilespmem:$0x7DA0] =	vst v0  }
0x17c: {  	[tilespmem:$0x7DB0] =	vst v0  }
0x17d: {  	[tilespmem:$0x7DC0] =	vst v0  }
0x17e: {  	[tilespmem:$0x7DD0] =	vst v0  }
0x17f: {  	[tilespmem:$0x7DE0] =	vst v0  }
0x180: {  	[tilespmem:$0x7DF0] =	vst v0  }
0x181: {  	[tilespmem:$0x7E00] =	vst v0  }
0x182: {  	[tilespmem:$0x7E10] =	vst v0  }
0x183: {  	[tilespmem:$0x7E20] =	vst v0  }
0x184: {  	[tilespmem:$0x7E30] =	vst v0  }
0x185: {  	[tilespmem:$0x7E40] =	vst v0  }
0x186: {  	[tilespmem:$0x7E50] =	vst v0  }
0x187: {  	[tilespmem:$0x7E60] =	vst v0  }
0x188: {  	[tilespmem:$0x7E70] =	vst v0  }
0x189: {  	[tilespmem:$0x7E80] =	vst v0  }
0x18a: {  	[tilespmem:$0x7E90] =	vst v0  }
0x18b: {  	[tilespmem:$0x7EA0] =	vst v0  }
0x18c: {  	[tilespmem:$0x7EB0] =	vst v0  }
0x18d: {  	[tilespmem:$0x7EC0] =	vst v0  }
0x18e: {  	[tilespmem:$0x7ED0] =	vst v0  }
0x18f: {  	[tilespmem:$0x7EE0] =	vst v0  }
0x190: {  	[tilespmem:$0x7EF0] =	vst v0  }
0x191: {  	[tilespmem:$0x7F00] =	vst v0  }
0x192: {  	[tilespmem:$0x7F10] =	vst v0  }
0x193: {  	[tilespmem:$0x7F20] =	vst v0  }
0x194: {  	[tilespmem:$0x7F30] =	vst v0  }
0x195: {  	[tilespmem:$0x7F40] =	vst v0  }
0x196: {  	[tilespmem:$0x7F50] =	vst v0  }
0x197: {  	[tilespmem:$0x7F60] =	vst v0  }
0x198: {  	[tilespmem:$0x7F70] =	vst v0  }
0x199: {  	[tilespmem:$0x7F80] =	vst v0  }
0x19a: {  	[tilespmem:$0x7F90] =	vst v0  }
0x19b: {  	[tilespmem:$0x7FA0] =	vst v0  }
0x19c: {  	[tilespmem:$0x7FB0] =	vst v0  }
0x19d: {  	[tilespmem:$0x7FC0] =	vst v0  }
0x19e: {  	[tilespmem:$0x7FD0] =	vst v0  }
0x19f: {  	[tilespmem:$0x7FE0] =	vst v0  }
0x1a0: {  	[tilespmem:$0x7FF0] =	vst v0  }
0x1a1: {  	[tilespmem:$0x8000] =	vst v0  }
0x1a2: {  	[tilespmem:$0x8010] =	vst v0  }
0x1a3: {  	[tilespmem:$0x8020] =	vst v0  }
0x1a4: {  	[tilespmem:$0x8030] =	vst v0  }
0x1a5: {  	[tilespmem:$0x8040] =	vst v0  }
0x1a6: {  	[tilespmem:$0x8050] =	vst v0  }
0x1a7: {  	[tilespmem:$0x8060] =	vst v0  }
0x1a8: {  	[tilespmem:$0x8070] =	vst v0  }
0x1a9: {  	[tilespmem:$0x8080] =	vst v0  }
0x1aa: {  	[tilespmem:$0x8090] =	vst v0  }
0x1ab: {  	[tilespmem:$0x80A0] =	vst v0  }
0x1ac: {  	[tilespmem:$0x80B0] =	vst v0  }
0x1ad: {  	[tilespmem:$0x80C0] =	vst v0  }
0x1ae: {  	[tilespmem:$0x80D0] =	vst v0  }
0x1af: {  	[tilespmem:$0x80E0] =	vst v0  }
0x1b0: {  	[tilespmem:$0x80F0] =	vst v0  }
0x1b1: {  	[tilespmem:$0x8100] =	vst v0  }
0x1b2: {  	[tilespmem:$0x8110] =	vst v0  }
0x1b3: {  	[tilespmem:$0x8120] =	vst v0  }
0x1b4: {  	[tilespmem:$0x8130] =	vst v0  }
0x1b5: {  	[tilespmem:$0x8140] =	vst v0  }
0x1b6: {  	[tilespmem:$0x8150] =	vst v0  }
0x1b7: {  	[tilespmem:$0x8160] =	vst v0  }
0x1b8: {  	[tilespmem:$0x8170] =	vst v0  }
0x1b9: {  	[tilespmem:$0x8180] =	vst v0  }
0x1ba: {  	[tilespmem:$0x8190] =	vst v0  }
0x1bb: {  	[tilespmem:$0x81A0] =	vst v0  }
0x1bc: {  	[tilespmem:$0x81B0] =	vst v0  }
0x1bd: {  	[tilespmem:$0x81C0] =	vst v0  }
0x1be: {  	[tilespmem:$0x81D0] =	vst v0  }
0x1bf: {  	[tilespmem:$0x81E0] =	vst v0  }
0x1c0: {  	[tilespmem:$0x81F0] =	vst v0  }
0x1c1: {  	[tilespmem:$0x8200] =	vst v0  }
0x1c2: {  	[tilespmem:$0x8210] =	vst v0  }
0x1c3: {  	[tilespmem:$0x8220] =	vst v0  }
0x1c4: {  	[tilespmem:$0x8230] =	vst v0  }
0x1c5: {  	[tilespmem:$0x8240] =	vst v0  }
0x1c6: {  	[tilespmem:$0x8250] =	vst v0  }
0x1c7: {  	[tilespmem:$0x8260] =	vst v0  }
0x1c8: {  	[tilespmem:$0x8270] =	vst v0  }
0x1c9: {  	[tilespmem:$0x8280] =	vst v0  }
0x1ca: {  	[tilespmem:$0x8290] =	vst v0  }
0x1cb: {  	[tilespmem:$0x82A0] =	vst v0  }
0x1cc: {  	[tilespmem:$0x82B0] =	vst v0  }
0x1cd: {  	[tilespmem:$0x82C0] =	vst v0  }
0x1ce: {  	[tilespmem:$0x82D0] =	vst v0  }
0x1cf: {  	[tilespmem:$0x82E0] =	vst v0  }
0x1d0: {  	[tilespmem:$0x82F0] =	vst v0  }
0x1d1: {  	[tilespmem:$0x8300] =	vst v0  }
0x1d2: {  	[tilespmem:$0x8310] =	vst v0  }
0x1d3: {  	[tilespmem:$0x8320] =	vst v0  }
0x1d4: {  	[tilespmem:$0x8330] =	vst v0  }
0x1d5: {  	[tilespmem:$0x8340] =	vst v0  }
0x1d6: {  	[tilespmem:$0x8350] =	vst v0  }
0x1d7: {  	[tilespmem:$0x8360] =	vst v0  }
0x1d8: {  	[tilespmem:$0x8370] =	vst v0  }
0x1d9: {  	[tilespmem:$0x8380] =	vst v0  }
0x1da: {  	[tilespmem:$0x8390] =	vst v0  }
0x1db: {  	[tilespmem:$0x83A0] =	vst v0  }
0x1dc: {  	[tilespmem:$0x83B0] =	vst v0  }
0x1dd: {  	[tilespmem:$0x83C0] =	vst v0  }
0x1de: {  	[tilespmem:$0x83D0] =	vst v0  }
0x1df: {  	[tilespmem:$0x83E0] =	vst v0  }
0x1e0: {  	[tilespmem:$0x83F0] =	vst v0  }
0x1e1: {  	[tilespmem:$0x8400] =	vst v0  }
0x1e2: {  	[tilespmem:$0x8410] =	vst v0  }
0x1e3: {  	[tilespmem:$0x8420] =	vst v0  }
0x1e4: {  	[tilespmem:$0x8430] =	vst v0  }
0x1e5: {  	[tilespmem:$0x8440] =	vst v0  }
0x1e6: {  	[tilespmem:$0x8450] =	vst v0  }
0x1e7: {  	[tilespmem:$0x8460] =	vst v0  }
0x1e8: {  	[tilespmem:$0x8470] =	vst v0  }
0x1e9: {  	[tilespmem:$0x8480] =	vst v0  }
0x1ea: {  	[tilespmem:$0x8490] =	vst v0  }
0x1eb: {  	[tilespmem:$0x84A0] =	vst v0  }
0x1ec: {  	[tilespmem:$0x84B0] =	vst v0  }
0x1ed: {  	[tilespmem:$0x84C0] =	vst v0  }
0x1ee: {  	[tilespmem:$0x84D0] =	vst v0  }
0x1ef: {  	[tilespmem:$0x84E0] =	vst v0  }
0x1f0: {  	[tilespmem:$0x84F0] =	vst v0  }
0x1f1: {  	[tilespmem:$0x8500] =	vst v0  }
0x1f2: {  	[tilespmem:$0x8510] =	vst v0  }
0x1f3: {  	[tilespmem:$0x8520] =	vst v0  }
0x1f4: {  	[tilespmem:$0x8530] =	vst v0  }
0x1f5: {  	[tilespmem:$0x8540] =	vst v0  }
0x1f6: {  	[tilespmem:$0x8550] =	vst v0  }
0x1f7: {  	[tilespmem:$0x8560] =	vst v0  }
0x1f8: {  	[tilespmem:$0x8570] =	vst v0  }
0x1f9: {  	[tilespmem:$0x8580] =	vst v0  }
0x1fa: {  	[tilespmem:$0x8590] =	vst v0  }
0x1fb: {  	[tilespmem:$0x85A0] =	vst v0  }
0x1fc: {  	[tilespmem:$0x85B0] =	vst v0  }
0x1fd: {  	[tilespmem:$0x85C0] =	vst v0  }
0x1fe: {  	[tilespmem:$0x85D0] =	vst v0  }
0x1ff: {  	[tilespmem:$0x85E0] =	vst v0  }
0x200: {  	[tilespmem:$0x85F0] =	vst v0  }
0x201: {  	[tilespmem:$0x8600] =	vst v0  }
0x202: {  	[tilespmem:$0x8610] =	vst v0  }
0x203: {  	[tilespmem:$0x8620] =	vst v0  }
0x204: {  	[tilespmem:$0x8630] =	vst v0  }
0x205: {  	[tilespmem:$0x8640] =	vst v0  }
0x206: {  	[tilespmem:$0x8650] =	vst v0  }
0x207: {  	[tilespmem:$0x8660] =	vst v0  }
0x208: {  	[tilespmem:$0x8670] =	vst v0  }
0x209: {  	[tilespmem:$0x8680] =	vst v0  }
0x20a: {  	[tilespmem:$0x8690] =	vst v0  }
0x20b: {  	[tilespmem:$0x86A0] =	vst v0  }
0x20c: {  	[tilespmem:$0x86B0] =	vst v0  }
0x20d: {  	[tilespmem:$0x86C0] =	vst v0  }
0x20e: {  	[tilespmem:$0x86D0] =	vst v0  }
0x20f: {  	[tilespmem:$0x86E0] =	vst v0  }
0x210: {  	[tilespmem:$0x86F0] =	vst v0  }
0x211: {  	[tilespmem:$0x8700] =	vst v0  }
0x212: {  	[tilespmem:$0x8710] =	vst v0  }
0x213: {  	[tilespmem:$0x8720] =	vst v0  }
0x214: {  	[tilespmem:$0x8730] =	vst v0  }
0x215: {  	[tilespmem:$0x8740] =	vst v0  }
0x216: {  	[tilespmem:$0x8750] =	vst v0  }
0x217: {  	[tilespmem:$0x8760] =	vst v0  }
0x218: {  	[tilespmem:$0x8770] =	vst v0  }
0x219: {  	[tilespmem:$0x8780] =	vst v0  }
0x21a: {  	[tilespmem:$0x8790] =	vst v0  }
0x21b: {  	[tilespmem:$0x87A0] =	vst v0  }
0x21c: {  	[tilespmem:$0x87B0] =	vst v0  }
0x21d: {  	[tilespmem:$0x87C0] =	vst v0  }
0x21e: {  	[tilespmem:$0x87D0] =	vst v0  }
0x21f: {  	[tilespmem:$0x87E0] =	vst v0  }
0x220: {  	[tilespmem:$0x87F0] =	vst v0  }
0x221: {  	[tilespmem:$0x8800] =	vst v0  }
0x222: {  	[tilespmem:$0x8810] =	vst v0  }
0x223: {  	[tilespmem:$0x8820] =	vst v0  }
0x224: {  	[tilespmem:$0x8830] =	vst v0  }
0x225: {  	[tilespmem:$0x8840] =	vst v0  }
0x226: {  	[tilespmem:$0x8850] =	vst v0  }
0x227: {  	[tilespmem:$0x8860] =	vst v0  }
0x228: {  	[tilespmem:$0x8870] =	vst v0  }
0x229: {  	[tilespmem:$0x8880] =	vst v0  }
0x22a: {  	[tilespmem:$0x8890] =	vst v0  }
0x22b: {  	[tilespmem:$0x88A0] =	vst v0  }
0x22c: {  	[tilespmem:$0x88B0] =	vst v0  }
0x22d: {  	[tilespmem:$0x88C0] =	vst v0  }
0x22e: {  	[tilespmem:$0x88D0] =	vst v0  }
0x22f: {  	[tilespmem:$0x88E0] =	vst v0  }
0x230: {  	[tilespmem:$0x88F0] =	vst v0  }
0x231: {  	[tilespmem:$0x8900] =	vst v0  }
0x232: {  	[tilespmem:$0x8910] =	vst v0  }
0x233: {  	[tilespmem:$0x8920] =	vst v0  }
0x234: {  	[tilespmem:$0x8930] =	vst v0  }
0x235: {  	[tilespmem:$0x8940] =	vst v0  }
0x236: {  	[tilespmem:$0x8950] =	vst v0  }
0x237: {  	[tilespmem:$0x8960] =	vst v0  }
0x238: {  	[tilespmem:$0x8970] =	vst v0  }
0x239: {  	[tilespmem:$0x8980] =	vst v0  }
0x23a: {  	[tilespmem:$0x8990] =	vst v0  }
0x23b: {  	[tilespmem:$0x89A0] =	vst v0  }
0x23c: {  	[tilespmem:$0x89B0] =	vst v0  }
0x23d: {  	[tilespmem:$0x89C0] =	vst v0  }
0x23e: {  	[tilespmem:$0x89D0] =	vst v0  }
0x23f: {  	[tilespmem:$0x89E0] =	vst v0  }
0x240: {  	[tilespmem:$0x89F0] =	vst v0  }
0x241: {  	[tilespmem:$0x8A00] =	vst v0  }
0x242: {  	[tilespmem:$0x8A10] =	vst v0  }
0x243: {  	[tilespmem:$0x8A20] =	vst v0  }
0x244: {  	[tilespmem:$0x8A30] =	vst v0  }
0x245: {  	[tilespmem:$0x8A40] =	vst v0  }
0x246: {  	[tilespmem:$0x8A50] =	vst v0  }
0x247: {  	[tilespmem:$0x8A60] =	vst v0  }
0x248: {  	[tilespmem:$0x8A70] =	vst v0  }
0x249: {  	[tilespmem:$0x8A80] =	vst v0  }
0x24a: {  	[tilespmem:$0x8A90] =	vst v0  }
0x24b: {  	[tilespmem:$0x8AA0] =	vst v0  }
0x24c: {  	[tilespmem:$0x8AB0] =	vst v0  }
0x24d: {  	[tilespmem:$0x8AC0] =	vst v0  }
0x24e: {  	[tilespmem:$0x8AD0] =	vst v0  }
0x24f: {  	[tilespmem:$0x8AE0] =	vst v0  }
0x250: {  	[tilespmem:$0x8AF0] =	vst v0  }
0x251: {  	[tilespmem:$0x8B00] =	vst v0  }
0x252: {  	[tilespmem:$0x8B10] =	vst v0  }
0x253: {  	[tilespmem:$0x8B20] =	vst v0  }
0x254: {  	[tilespmem:$0x8B30] =	vst v0  }
0x255: {  	[tilespmem:$0x8B40] =	vst v0  }
0x256: {  	[tilespmem:$0x8B50] =	vst v0  }
0x257: {  	[tilespmem:$0x8B60] =	vst v0  }
0x258: {  	[tilespmem:$0x8B70] =	vst v0  }
0x259: {  	[tilespmem:$0x8B80] =	vst v0  }
0x25a: {  	[tilespmem:$0x8B90] =	vst v0  }
0x25b: {  	[tilespmem:$0x8BA0] =	vst v0  }
0x25c: {  	[tilespmem:$0x8BB0] =	vst v0  }
0x25d: {  	[tilespmem:$0x8BC0] =	vst v0  }
0x25e: {  	[tilespmem:$0x8BD0] =	vst v0  }
0x25f: {  	[tilespmem:$0x8BE0] =	vst v0  }
0x260: {  	[tilespmem:$0x8BF0] =	vst v0  }
0x261: {  	[tilespmem:$0x8C00] =	vst v0  }
0x262: {  	[tilespmem:$0x8C10] =	vst v0  }
0x263: {  	[tilespmem:$0x8C20] =	vst v0  }
0x264: {  	[tilespmem:$0x8C30] =	vst v0  }
0x265: {  	[tilespmem:$0x8C40] =	vst v0  }
0x266: {  	[tilespmem:$0x8C50] =	vst v0  }
0x267: {  	[tilespmem:$0x8C60] =	vst v0  }
0x268: {  	[tilespmem:$0x8C70] =	vst v0  }
0x269: {  	[tilespmem:$0x8C80] =	vst v0  }
0x26a: {  	[tilespmem:$0x8C90] =	vst v0  }
0x26b: {  	[tilespmem:$0x8CA0] =	vst v0  }
0x26c: {  	[tilespmem:$0x8CB0] =	vst v0  }
0x26d: {  	[tilespmem:$0x8CC0] =	vst v0  }
0x26e: {  	[tilespmem:$0x8CD0] =	vst v0  }
0x26f: {  	[tilespmem:$0x8CE0] =	vst v0  }
0x270: {  	[tilespmem:$0x8CF0] =	vst v0  }
0x271: {  	[tilespmem:$0x8D00] =	vst v0  }
0x272: {  	[tilespmem:$0x8D10] =	vst v0  }
0x273: {  	[tilespmem:$0x8D20] =	vst v0  }
0x274: {  	[tilespmem:$0x8D30] =	vst v0  }
0x275: {  	[tilespmem:$0x8D40] =	vst v0  }
0x276: {  	[tilespmem:$0x8D50] =	vst v0  }
0x277: {  	[tilespmem:$0x8D60] =	vst v0  }
0x278: {  	[tilespmem:$0x8D70] =	vst v0  }
0x279: {  	[tilespmem:$0x8D80] =	vst v0  }
0x27a: {  	[tilespmem:$0x8D90] =	vst v0  }
0x27b: {  	[tilespmem:$0x8DA0] =	vst v0  }
0x27c: {  	[tilespmem:$0x8DB0] =	vst v0  }
0x27d: {  	[tilespmem:$0x8DC0] =	vst v0  }
0x27e: {  	[tilespmem:$0x8DD0] =	vst v0  }
0x27f: {  	[tilespmem:$0x8DE0] =	vst v0  }
0x280: {  	[tilespmem:$0x8DF0] =	vst v0  }
0x281: {  	[tilespmem:$0x8E00] =	vst v0  }
0x282: {  	[tilespmem:$0x8E10] =	vst v0  }
0x283: {  	[tilespmem:$0x8E20] =	vst v0  }
0x284: {  	[tilespmem:$0x8E30] =	vst v0  }
0x285: {  	[tilespmem:$0x8E40] =	vst v0  }
0x286: {  	[tilespmem:$0x8E50] =	vst v0  }
0x287: {  	[tilespmem:$0x8E60] =	vst v0  }
0x288: {  	[tilespmem:$0x8E70] =	vst v0  }
0x289: {  	[tilespmem:$0x8E80] =	vst v0  }
0x28a: {  	[tilespmem:$0x8E90] =	vst v0  }
0x28b: {  	[tilespmem:$0x8EA0] =	vst v0  }
0x28c: {  	[tilespmem:$0x8EB0] =	vst v0  }
0x28d: {  	[tilespmem:$0x8EC0] =	vst v0  }
0x28e: {  	[tilespmem:$0x8ED0] =	vst v0  }
0x28f: {  	[tilespmem:$0x8EE0] =	vst v0  }
0x290: {  	[tilespmem:$0x8EF0] =	vst v0  }
0x291: {  	[tilespmem:$0x8F00] =	vst v0  }
0x292: {  	[tilespmem:$0x8F10] =	vst v0  }
0x293: {  	[tilespmem:$0x8F20] =	vst v0  }
0x294: {  	[tilespmem:$0x8F30] =	vst v0  }
0x295: {  	[tilespmem:$0x8F40] =	vst v0  }
0x296: {  	[tilespmem:$0x8F50] =	vst v0  }
0x297: {  	[tilespmem:$0x8F60] =	vst v0  }
0x298: {  	[tilespmem:$0x8F70] =	vst v0  }
0x299: {  	[spmem:s5] =	stream.linear.scatter [tilespmem:s19], [sflag:$0x5], $0x2800, $0x38;
	[tilespmem:$0x1F780] =	vst v63  }
0x29a: {  	_ =	swait.ge [sflag:s17], $0x2800  }
0x29b: {  	[sflag:s17] =	ssyncset.done $0x0  }
0x29c: {  	[sflag:s17] =	ssyncadd.s32 $0xFFFFD800  }
0x29d: {  	[spmem:s8] =	stream.linear.scatter [tilespmem:s19], [sflag:$0x5], $0x2800, $0x38;
	[tilespmem:$0x1F780] =	vst v63  }
0x29e: {  	_ =	swait.ge [sflag:s17], $0x2800  }
0x29f: {  	[sflag:s17] =	ssyncset.done $0x0  }
0x2a0: {  	[sflag:s17] =	ssyncadd.s32 $0xFFFFD800  }
0x2a1: {  	[spmem:s9] =	stream.linear.scatter [tilespmem:s19], [sflag:$0x5], $0x2800, $0x38;
	[tilespmem:$0x1F780] =	vst v63  }
0x2a2: {  	_ =	swait.ge [sflag:s17], $0x2800  }
0x2a3: {  	[sflag:s17] =	ssyncset.done $0x0  }
0x2a4: {  	[sflag:s17] =	ssyncadd.s32 $0xFFFFD800  }
0x2a5: {  	[spmem:s10] =	stream.linear.scatter [tilespmem:s19], [sflag:$0x5], $0x2800, $0x38;
	[tilespmem:$0x1F780] =	vst v63  }
0x2a6: {  	_ =	swait.ge [sflag:s17], $0x2800  }
0x2a7: {  	[sflag:s17] =	ssyncset.done $0x0  }
0x2a8: {  	[sflag:s17] =	ssyncadd.s32 $0xFFFFD800  }
0x2a9: {  	[spmem:s11] =	stream.linear.scatter [tilespmem:s19], [sflag:$0x5], $0x2800, $0x38;
	[tilespmem:$0x1F780] =	vst v63  }
0x2aa: {  	_ =	swait.ge [sflag:s17], $0x2800  }
0x2ab: {  	[sflag:s17] =	ssyncset.done $0x0  }
0x2ac: {  	[sflag:s17] =	ssyncadd.s32 $0xFFFFD800  }
0x2ad: {  	[spmem:s12] =	stream.linear.scatter [tilespmem:s19], [sflag:$0x5], $0x2800, $0x38;
	[tilespmem:$0x1F780] =	vst v63  }
0x2ae: {  	_ =	swait.ge [sflag:s17], $0x2800  }
0x2af: {  	[sflag:s17] =	ssyncset.done $0x0  }
0x2b0: {  	[sflag:s17] =	ssyncadd.s32 $0xFFFFD800  }
0x2b1: {  	[spmem:s13] =	stream.linear.scatter [tilespmem:s19], [sflag:$0x5], $0x2800, $0x38;
	[tilespmem:$0x1F780] =	vst v63  }
0x2b2: {  	_ =	swait.ge [sflag:s17], $0x2800  }
0x2b3: {  	[sflag:s17] =	ssyncset.done $0x0  }
0x2b4: {  	[sflag:s17] =	ssyncadd.s32 $0xFFFFD800  }
0x2b5: {  	[spmem:s14] =	stream.linear.scatter [tilespmem:s19], [sflag:$0x5], $0x2800, $0x38;
	[tilespmem:$0x1F780] =	vst v63  }
0x2b6: {  	_ =	swait.ge [sflag:s17], $0x2800  }
0x2b7: {  	[sflag:s17] =	ssyncset.done $0x0  }
0x2b8: {  	[sflag:s17] =	ssyncadd.s32 $0xFFFFD800  }
0x2b9: {  	[bflag:$0x0] =	sbarrier.arrive $0xFFFF  }
0x2ba: {  	[tilespmem:s19], [sflag:$0x1] =	stream.indirect.gather [hbm4b:s1+s20], $0x80, s4, s20, $0xb8;
	[tilespmem:$0x1F780] =	vst v63  }
0x2bb: {  	_ =	swait.ge [sflag:s21], $0x2800  }
0x2bc: {  	[sflag:s21] =	ssyncset.done $0x0  }
0x2bd: {  	[sflag:s21] =	ssyncadd.s32 $0xFFFFD800  }
0x2be: {  	[tilespmem:s22], [sflag:$0x2] =	stream.indirect.gather [hbm4b:s1+s20], $0x80, s20, s20, $0xb8;
	[tilespmem:$0x1F780] =	vst v63  }
0x2bf: {  	_ = 	snop  }
0x2c0: {  	[spmem:s3] =	stream.indirect.scatter.add.f32 [tilespmem:s19], [sflag:$0x3], $0x80, s18, s20, $0xb8;
	[tilespmem:$0x1F780] =	vst v63  }
0x2c1: {  	_ =	swait.ge [sflag:s23], $0x2800  }
0x2c2: {  	[sflag:s23] =	ssyncset.done $0x0  }
0x2c3: {  	[sflag:s23] =	ssyncadd.s32 $0xFFFFD800  }
0x2c4: {  	_ =	swait.ge [sflag:s24], $0x2800  }
0x2c5: {  	[sflag:s24] =	ssyncset.done $0x0  }
0x2c6: {  	s2 =	simm.s32 $0xA0;
	[sflag:s24] =	ssyncadd.s32 $0xFFFFD800  }
0x2c7: {  	[tilespmem:s19], [sflag:$0x1] =	stream.indirect.gather [hbm4b:s1+s20], $0x80, s2, s20, $0xb8;
	[tilespmem:$0x1F780] =	vst v63  }
0x2c8: {  	s25 =	simm.s32 $0x2800  }
0x2c9: {  	[spmem:s3] =	stream.indirect.scatter.add.f32 [tilespmem:s22], [sflag:$0x4], $0x80, s25, s20, $0xb8;
	[tilespmem:$0x1F780] =	vst v63  }
0x2ca: {  	_ =	swait.ge [sflag:s21], $0x2800  }
0x2cb: {  	[sflag:s21] =	ssyncset.done $0x0  }
0x2cc: {  	[sflag:s21] =	ssyncadd.s32 $0xFFFFD800  }
0x2cd: {  	_ =	swait.ge [sflag:s28], $0x2800  }
0x2ce: {  	[sflag:s28] =	ssyncset.done $0x0  }
0x2cf: {  	s26 =	simm.s32 $0xF0;
	[sflag:s28] =	ssyncadd.s32 $0xFFFFD800  }
0x2d0: {  	[tilespmem:s22], [sflag:$0x2] =	stream.indirect.gather [hbm4b:s1+s20], $0x80, s26, s20, $0xb8;
	[tilespmem:$0x1F780] =	vst v63  }
0x2d1: {  	s25 =	simm.s32 $0x2880  }
0x2d2: {  	[spmem:s3] =	stream.indirect.scatter.add.f32 [tilespmem:s19], [sflag:$0x3], $0x80, s25, s20, $0xb8;
	[tilespmem:$0x1F780] =	vst v63  }
0x2d3: {  	_ =	swait.ge [sflag:s23], $0x2800  }
0x2d4: {  	[sflag:s23] =	ssyncset.done $0x0  }
0x2d5: {  	[sflag:s23] =	ssyncadd.s32 $0xFFFFD800  }
0x2d6: {  	_ =	swait.ge [sflag:s24], $0x2800  }
0x2d7: {  	s31 =	simm.s32 $0xFFFF6A00;
	s2 =	simm.s32 $0x2980;
	[sflag:s24] =	ssyncset.done $0x0  }
0x2d8: {  	s26 =	simm.s32 $0x140;
	s25 =	simm.s32 $0x2900;
	[sflag:s24] =	ssyncadd.s32 $0xFFFFD800  }
0x2d9: {  	[tilespmem:s19], [sflag:$0x1] =	stream.indirect.gather [hbm4b:s1+s20], $0x80, s26, s20, $0xb8;
	[tilespmem:$0x1F780] =	vst v63  }
.LBB2_2:
0x2da: {  	[spmem:s3] =	stream.indirect.scatter.add.f32 [tilespmem:s22], [sflag:$0x4], $0x80, s25, s20, $0xb8;
	[tilespmem:$0x1F780] =	vst v63  }
0x2db: {  	s25 =	smov.u32 s31  }
0x2dc: {  	p0 =	sne.s32 s31, $0xFFFFFD80;
	s31 =	sadd.s32 $0x280, s31;
	_ =	swait.ge [sflag:s21], $0x2800  }
0x2dd: {  	[sflag:s21] =	ssyncset.done $0x0  }
0x2de: {  	[sflag:s21] =	ssyncadd.s32 $0xFFFFD800  }
0x2df: {  	_ =	swait.ge [sflag:s28], $0x2800  }
0x2e0: {  	s25 =	sshra.s32 s25, $0x2;
	[sflag:s28] =	ssyncset.done $0x0  }
0x2e1: {  	s26 =	sadd.s32 $0x2710, s25;
	[sflag:s28] =	ssyncadd.s32 $0xFFFFD800  }
0x2e2: {  	[tilespmem:s22], [sflag:$0x2] =	stream.indirect.gather [hbm4b:s1+s20], $0x80, s26, s20, $0xb8;
	[tilespmem:$0x1F780] =	vst v63  }
0x2e3: {  	_ = 	snop  }
0x2e4: {  	[spmem:s3] =	stream.indirect.scatter.add.f32 [tilespmem:s19], [sflag:$0x3], $0x80, s2, s20, $0xb8;
	[tilespmem:$0x1F780] =	vst v63  }
0x2e5: {  	_ =	swait.ge [sflag:s23], $0x2800  }
0x2e6: {  	[sflag:s23] =	ssyncset.done $0x0  }
0x2e7: {  	[sflag:s23] =	ssyncadd.s32 $0xFFFFD800  }
.Ltmp0:
0x2e8: {  	_ =	swait.ge [sflag:s24], $0x2800;
	(pc) =	sbr.rel @p0 .LBB2_2-.Ltmp0, $4  }
0x2e9: {  	[sflag:s24] =	ssyncset.done $0x0  }
0x2ea: {  	s25 =	sadd.s32 $0x2760, s25;
	[sflag:s24] =	ssyncadd.s32 $0xFFFFD800  }
0x2eb: {  	[tilespmem:s19], [sflag:$0x1] =	stream.indirect.gather [hbm4b:s1+s20], $0x80, s25, s20, $0xb8;
	[tilespmem:$0x1F780] =	vst v63  }
0x2ec: {  	s25 =	sadd.s32 $0x80, s2;
	s2 =	sadd.s32 $0x100, s2  }
0x2ed: {  	[spmem:s3] =	stream.indirect.scatter.add.f32 [tilespmem:s22], [sflag:$0x4], $0x80, s25, s20, $0xb8;
	[tilespmem:$0x1F780] =	vst v63  }
0x2ee: {  	_ =	swait.ge [sflag:s21], $0x2800  }
0x2ef: {  	[sflag:s21] =	ssyncset.done $0x0  }
0x2f0: {  	[sflag:s21] =	ssyncadd.s32 $0xFFFFD800  }
0x2f1: {  	_ =	swait.ge [sflag:s28], $0x2800  }
0x2f2: {  	[sflag:s28] =	ssyncset.done $0x0  }
0x2f3: {  	[sflag:s28] =	ssyncadd.s32 $0xFFFFD800  }
0x2f4: {  	[spmem:s3] =	stream.indirect.scatter.add.f32 [tilespmem:s19], [sflag:$0x3], $0x80, s29, s20, $0xb8;
	[tilespmem:$0x1F780] =	vst v63  }
0x2f5: {  	_ =	swait.ge [sflag:s24], $0x2800  }
0x2f6: {  	s2 =	sshll.u32 s0, $0x6;
	s30 =	sadd.s32 $0x1, s30;
	[sflag:s24] =	ssyncset.done $0x0  }
0x2f7: {  	s31 =	sshrl.u32 s5, $0x3;
	p0 =	sne.s32 s30, s16;
	[sflag:s24] =	ssyncadd.s32 $0xFFFFD800  }
.Ltmp1:
0x2f8: {  	s2 =	sor.u32 $0x1C05, s2;
	[bflag:$0x0] =	sbarrier.arrive $0xFFFF;
	(pc) =	sbr.rel @p0 .LBB2_1-.Ltmp1, $4  }
0x2f9: {  	[hbm:s15], [sflag:s2] =	dma.local [spmem:s31], $0x2800  }
0x2fa: {  	_ =	swait.ge [sflag:s17], $0x2800  }
0x2fb: {  	[sflag:s17] =	ssyncset.done $0x0  }
0x2fc: {  	[sflag:s17] =	ssyncadd.s32 $0xFFFFD800  }
0x2fd: {  	_ =	sfence.sel $0x180000  }
0x2fe: {  	[bflag:$0x0] =	sbarrier.arrive $0xFFFF  }
0x2ff: {  	_ =	strace $0x9000004A  }
0x300: {  	[bflag:$0x2] =	sbarrier.arrive $0xFFFF  }
0x301: {  	p0 =	sne.s32 s0, $0x0;
	s0 =	rddreg [dreg:$0x3]  }
0x302: {  	s0 =	sadd.s32 @!p0 $0x100000, s0  }
0x303: {  	[sflag:s0] =	ssyncadd.tile.s32 @!p0 $0x1;
	_ =	shalt  }
.Lfunc_end2:
_tile_overlayer_lowered:
.L_overlay_start_2:
0x304: {  	(tag) =	ssettag $0x2  }
0x305: {  	s0 =	rddreg [dreg:$0x0];
	s2 =	stileid.u32  }
0x306: {  	s1 =	rddreg [dreg:$0x1];
	p0 =	sne.s32 s2, $0x0  }
0x307: {  	s3 =	rddreg [dreg:$0x2];
	[bflag:$0x3] =	sbarrier.arrive $0xFFFF;
	s2 =	simm.s32 @!p0 $0x1C05  }
0x308: {  	[timem:s3], [sflag:s2] =	dma.local @!p0 [hbm:s0], s1  }
0x309: {  	s0 =	simm.s32 @!p0 $0x5  }
0x30a: {  	_ =	swait.ge @!p0 [sflag:s0], s1  }
0x30b: {  	s1 =	ssub.s32 @!p0 $0x0, s1;
	[sflag:s0] =	ssyncset.done @!p0 $0x0  }
0x30c: {  	[sflag:s0] =	ssyncadd.s32 @!p0 s1  }
0x30d: {  	[bflag:$0x3] =	sbarrier.arrive $0xFFFF  }
0x30e: {  	_ =	shalt  }

// kernel: kernel.14.cloned.1.call-start
scs
__scs_entry_jumppad:
0x0: {  	(pc) =	sbr.rel $0x88, $3  }
0x1: {  	(tag) =	ssettag $0x0;
	lr =	simm.s32 $0x1  }
0x2: {  	[smem:$0x3F99] =	sst lr;
	_ =	strace $0xD0000000  }
0x3: {  	_ = 	snop  }
0x4: {  	_ = 	snop  }
0x5: {  	_ = 	snop  }
0x6: {  	_ = 	snop  }
0x7: {  	_ = 	snop  }
__scs_overlays_trampoline_lowered:
0x8: {  	[smem:$0x3FA8] =	sst s0  }
0x9: {  	[smem:$0x3FA9] =	sst s1  }
0xa: {  	[smem:$0x3FAA] =	sst s2  }
0xb: {  	[smem:$0x3FAB] =	sst s3  }
0xc: {  	[smem:$0x3FAC] =	sst s4  }
0xd: {  	[smem:$0x3FAD] =	sst s5  }
0xe: {  	[smem:$0x3FAE] =	sst s6  }
0xf: {  	[smem:$0x3FAF] =	sst s7  }
0x10: {  	[smem:$0x3FB0] =	sst s8  }
0x11: {  	[smem:$0x3FB1] =	sst s9;
	s0 =	simm.s32 @!p0 $0x0  }
0x12: {  	s1 =	sld [smem:$0x3F97];
	s0 =	simm.s32 @p0 $0x1  }
0x13: {  	[smem:$0x3FB2] =	sst s0;
	s0 =	simm.s32 @!p1 $0x0  }
0x14: {  	s2 =	sld [smem:$0x3F96];
	s0 =	simm.s32 @p1 $0x1  }
0x15: {  	[smem:$0x3FB3] =	sst s0;
	s0 =	simm.s32 @!p2 $0x0  }
0x16: {  	s3 =	sld [smem:$0x3FDB];
	s0 =	simm.s32 @p2 $0x1  }
0x17: {  	s4 =	simm.s32 $0x1BF5;
	[smem:$0x3FB5] =	sst s0  }
0x18: {  	s0 =	sld [smem:$0x3F98];
	_ =	swait.ge [sflag:s4], $0x0  }
0x19: {  	s7 =	sld [smem:$0x3F99]  }
0x1a: {  	s8 =	sadd.s32 $0xFFFFE003, lr  }
0x1b: {  	s9 =	sadd.s32 $0xFFFFFEF7, lr;
	s5 =	simm.s32 $0xFFFFFFFF;
	p2 =	slt.u32 s8, $0xFFFFF086  }
0x1c: {  	p1 =	slt.u32 s9, $0xF7A;
	s5 =	simm.s32 @!p2 $0x0  }
0x1d: {  	s5 =	simm.s32 @p1 $0x1;
	p0 =	seq.s32 s7, s2  }
0x1e: {  	s7 =	smul.u32 @!p0 $0xF7A, s2;
	p2 =	seq.s32 @!p0 s5, $0x0  }
0x1f: {  	s9 =	smul.u32 $0xF7A, s1;
	s8 =	simm.s32 @!p0 $0x1BF5;
	p2 =	por !p2, p0  }
0x20: {  	[sflag:s8] =	ssyncset.s32 @!p0 $0xFFFFF086;
	s6 =	sadd.s32 @!p0 s3, s7;
	s7 =	simm.s32 @!p0 $0x108  }
0x21: {  	s3 =	sadd.s32 s3, s9;
	s6 =	sadd.s32 @!p0 $0x88, s6;
	s7 =	simm.s32 @p2 $0x1082  }
0x22: {  	[simem:s7], [sflag:s8] =	dma.local @!p0 [hbm:s6], $0xF7A  }
0x23: {  	s9 =	sor.u32 $0xD0000000, s2;
	s6 =	simm.s32 $0x108;
	_ =	swait.ge @!p0 [sflag:s8], $0x0  }
0x24: {  	s3 =	sadd.s32 $0x88, s3;
	s6 =	simm.s32 @!p1 $0x1082;
	[sflag:s4] =	ssyncset.s32 $0xFFFFF086  }
0x25: {  	[simem:s6], [sflag:s4] =	dma.local [hbm:s3], $0xF7A  }
0x26: {  	[smem:$0x3F99] =	sst s1;
	(tag) =	ssettag s2;
	_ =	strace s9  }
0x27: {  	s1 =	sld [smem:$0x3FA9]  }
0x28: {  	s2 =	sld [smem:$0x3FAA]  }
0x29: {  	s4 =	sld [smem:$0x3FAC]  }
0x2a: {  	p0 =	seq.s32 s5, $0x0;
	s5 =	sld [smem:$0x3FAD]  }
0x2b: {  	s6 =	sld [smem:$0x3FAE]  }
0x2c: {  	s7 =	sld [smem:$0x3FAF]  }
0x2d: {  	s3 =	simm.s32 $0x108;
	s8 =	sld [smem:$0x3FB0]  }
0x2e: {  	s3 =	simm.s32 @!p0 $0x1082;
	s9 =	sld [smem:$0x3FB1]  }
0x2f: {  	lr =	sadd.s32 s0, s3;
	s0 =	sld [smem:$0x3FA8]  }
0x30: {  	s3 =	sld [smem:$0x3FAB]  }
0x31: {  	[smem:$0x3FB4] =	sst s10  }
0x32: {  	s10 =	sld [smem:$0x3FB2];
	_ =	sdelay $0x3  }
0x33: {  	p0 =	seq.s32 s10, $0x1;
	s10 =	sld [smem:$0x3FB4];
	_ =	sdelay $0x3  }
0x34: {  	[smem:$0x3FB4] =	sst s10  }
0x35: {  	s10 =	sld [smem:$0x3FB3];
	_ =	sdelay $0x3  }
0x36: {  	p1 =	seq.s32 s10, $0x1;
	s10 =	sld [smem:$0x3FB4];
	_ =	sdelay $0x3  }
0x37: {  	[smem:$0x3FB4] =	sst s10  }
0x38: {  	s10 =	sld [smem:$0x3FB5]  }
0x39: {  	_ = 	snop;
	(pc) =	sbr.ind lr, $3  }
0x3a: {  	_ = 	snop  }
0x3b: {  	_ = 	snop  }
0x3c: {  	p2 =	seq.s32 s10, $0x1;
	s10 =	sld [smem:$0x3FB4]  }
0x3d: {  	_ =	shalt  }
0x3e: {  	_ =	shalt  }
0x3f: {  	_ =	shalt  }
0x40: {  	_ =	shalt  }
0x41: {  	_ =	shalt  }
0x42: {  	_ =	shalt  }
0x43: {  	_ =	shalt  }
0x44: {  	_ =	shalt  }
0x45: {  	_ =	shalt  }
0x46: {  	_ =	shalt  }
0x47: {  	_ =	shalt  }
0x48: {  	_ =	shalt  }
0x49: {  	_ =	shalt  }
0x4a: {  	_ =	shalt  }
0x4b: {  	_ =	shalt  }
0x4c: {  	_ =	shalt  }
0x4d: {  	_ =	shalt  }
0x4e: {  	_ =	shalt  }
0x4f: {  	_ =	shalt  }
0x50: {  	_ =	shalt  }
0x51: {  	_ =	shalt  }
0x52: {  	_ =	shalt  }
0x53: {  	_ =	shalt  }
0x54: {  	_ =	shalt  }
0x55: {  	_ =	shalt  }
0x56: {  	_ =	shalt  }
0x57: {  	_ =	shalt  }
0x58: {  	_ =	shalt  }
0x59: {  	_ =	shalt  }
0x5a: {  	_ =	shalt  }
0x5b: {  	_ =	shalt  }
0x5c: {  	_ =	shalt  }
0x5d: {  	_ =	shalt  }
0x5e: {  	_ =	shalt  }
0x5f: {  	_ =	shalt  }
0x60: {  	_ =	shalt  }
0x61: {  	_ =	shalt  }
0x62: {  	_ =	shalt  }
0x63: {  	_ =	shalt  }
0x64: {  	_ =	shalt  }
0x65: {  	_ =	shalt  }
0x66: {  	_ =	shalt  }
0x67: {  	_ =	shalt  }
0x68: {  	_ =	shalt  }
0x69: {  	_ =	shalt  }
0x6a: {  	_ =	shalt  }
0x6b: {  	_ =	shalt  }
0x6c: {  	_ =	shalt  }
0x6d: {  	_ =	shalt  }
0x6e: {  	_ =	shalt  }
0x6f: {  	_ =	shalt  }
0x70: {  	_ =	shalt  }
0x71: {  	_ =	shalt  }
0x72: {  	_ =	shalt  }
0x73: {  	_ =	shalt  }
0x74: {  	_ =	shalt  }
0x75: {  	_ =	shalt  }
0x76: {  	_ =	shalt  }
0x77: {  	_ =	shalt  }
0x78: {  	_ =	shalt  }
0x79: {  	_ =	shalt  }
0x7a: {  	_ =	shalt  }
0x7b: {  	_ =	shalt  }
0x7c: {  	_ =	shalt  }
0x7d: {  	_ =	shalt  }
0x7e: {  	_ =	shalt  }
0x7f: {  	_ =	shalt  }
0x80: {  	_ =	shalt  }
0x81: {  	_ =	shalt  }
0x82: {  	_ =	shalt  }
0x83: {  	_ =	shalt  }
0x84: {  	_ =	shalt  }
0x85: {  	_ =	shalt  }
0x86: {  	_ =	shalt  }
0x87: {  	_ =	shalt  }
.Lfunc_end0:
.L_simem_size_0:
called_computation.2_lowered:
.L_overlay_start_0:
0x88: {  	s2 =	sld [smem:$0x3FD9]  }
0x89: {  	s3 =	sld [smem:$0x3FFE];
	_ =	sdelay $0x1  }
0x8a: {  	s1 =	srdreg.scid  }
0x8b: {  	s0 =	sand.u32 $0x1, s1  }
0x8c: {  	s14 =	sshll.u32 s0, $0xA;
	s2 =	sadd.s32 s3, s2  }
0x8d: {  	s2 =	sadd.s32 s2, s14  }
0x8e: {  	[smem:$0x3FC0] =	sst s2  }
0x8f: {  	_ = 	snop  }
0x90: {  	s2 =	sld [smem:$0x3FD0];
	_ =	sdelay $0x2  }
0x91: {  	s15 =	simm.s32 $0xA;
	s4 =	simm.s32 $0x10  }
0x92: {  	[smem:s4], [sflag:s15] =	dma.local [hbm:s2], $0x1  }
0x93: {  	_ =	swait.eq [sflag:s15], $0x1  }
0x94: {  	[sflag:s15] =	ssyncset.done $0x0  }
0x95: {  	[sflag:s15] =	ssyncadd.s32 $0xFFFFFFFF  }
0x96: {  	s16 =	sld [smem:$0x11];
	(tm) =	ssettm $0x1  }
0x97: {  	s17 =	sld [smem:$0x3FFB];
	_ =	sdelay $0x3  }
0x98: {  	_ =	strace s17  }
0x99: {  	s3 =	sld [smem:$0x3FFC];
	_ =	sdelay $0x3  }
0x9a: {  	_ =	strace s3  }
0x9b: {  	s3 =	sld [smem:$0x3FFD];
	_ =	sdelay $0x3  }
0x9c: {  	_ =	strace s3  }
0x9d: {  	_ =	strace $0x8FFFFFFF  }
0x9e: {  	s18 =	sld [smem:$0x3FDB];
	_ =	sdelay $0x1  }
0x9f: {  	s19 =	simm.s32 $_scs_section_size  }
0xa0: {  	s5 =	simm.s32 $_size__tile_overlayer_lowered;
	s6 =	simm.s32 $_tile_overlayer_lowered  }
0xa1: {  	s22 =	simm.s32 $0x1BFF;
	s21 =	sshll.u32 s6, $0x1;
	s3 =	sadd.s32 s19, s18  }
0xa2: {  	s7 =	simm.s32 $0x0;
	s20 =	sshll.u32 s5, $0x1;
	s5 =	sadd.s32 s21, s3  }
0xa3: {  	[timem:s7], [sflag:s22] =	dma.local [hbm:s5], s20  }
0xa4: {  	_ =	swait.ge [sflag:s22], s20  }
0xa5: {  	s4 =	ssub.s32 $0x0, s20;
	[sflag:s22] =	ssyncset.done $0x0  }
0xa6: {  	[sflag:s22] =	ssyncadd.s32 s4;
	_ =	sdelay $0x1  }
0xa7: {  	s23 =	simm.s32 $0x1B8B  }
0xa8: {  	_ =	swait.ge [sflag:s23], $0x1  }
0xa9: {  	[sflag:s23] =	ssyncset.done $0x0  }
0xaa: {  	s25 =	simm.s32 $0x1B8E;
	s24 =	sld [smem:$0x3FFE];
	[sflag:s23] =	ssyncadd.s32 $0xFFFFFFFF  }
0xab: {  	s26 =	simm.s32 $execute0_lowered;
	[smem:$0x3FD2] =	sst s25  }
0xac: {  	s5 =	sshll.u32 s26, $0x1;
	_ =	strace $0x8000004C;
	[dreg:$0x1] =	wrdreg $0xFFFFFFFF  }
0xad: {  	s28 =	simm.s32 $_size_execute0_lowered;
	s3 =	sadd.s32 s3, s5;
	[dreg:$0x0] =	wrdreg $0x0  }
0xae: {  	s5 =	sshll.u32 s28, $0x1;
	[dreg:$0x2] =	wrdreg s3  }
0xaf: {  	[dreg:$0x3] =	wrdreg s5  }
0xb0: {  	[dreg:$0x4] =	wrdreg $0xC0  }
0xb1: {  	_ =	task [dreg:s7], $0x5FFFF  }
0xb2: {  	[dreg:$0x1] =	wrdreg $0xFFFFFFFF  }
0xb3: {  	[dreg:$0x0] =	wrdreg $0x60  }
0xb4: {  	[dreg:$0x2] =	wrdreg s16  }
0xb5: {  	[dreg:$0x3] =	wrdreg s24  }
0xb6: {  	[dreg:$0x4] =	wrdreg $0xB7800  }
0xb7: {  	[dreg:$0x5] =	wrdreg $0x9  }
0xb8: {  	_ =	task.clear_ibuf [dreg:s7], $0x6FFFF;
	_ =	strace $0x9000004C  }
0xb9: {  	s29 =	simm.s32 $0x9;
	_ =	strace $0x8000004E  }
0xba: {  	_ =	swait.ge [sflag:s29], $0x1  }
0xbb: {  	[sflag:s29] =	ssyncadd.s32 $0xFFFFFFFF  }
0xbc: {  	_ =	strace $0x9000004E  }
0xbd: {  	_ =	sfence  }
0xbe: {  	s30 =	sld [smem:$0x0];
	_ =	sdelay $0x2  }
0xbf: {  	s31 =	sshll.u32 s1, $0xD;
	s1 =	sshrl.u32 s1, $0x2  }
0xc0: {  	s3 =	sand.u32 $0x4000, s31;
	s1 =	sadd.s32 s1, s30  }
0xc1: {  	s0 =	sor.u32 s3, s0;
	s1 =	sshll.u32 s1, $0x11  }
0xc2: {  	s0 =	sor.u32 s1, s0  }
0xc3: {  	s0 =	sadd.s32 $0x8F2B, s0  }
0xc4: {  	[sflag:s0] =	ssyncadd.remote.s32 $0x1  }
0xc5: {  	_ =	sfence.sel $0xFFFF  }
0xc6: {  	[dreg:$0x0] =	wrdreg $0xFFFFFFFF;
	(pc) =	sbr.abs _section_cstart, $3  }
0xc7: {  	[dreg:$0x1] =	wrdreg $0xFFFFFFFF  }
0xc8: {  	_ =	task.clear_ibuf [dreg:s7], $0x2FFFF;
	_ =	strace $0x9FFFFFFF  }
0xc9: {  	(tm) =	ssettm $0x7FFFFFFF  }
tec
execute0_lowered:
.L_overlay_start_1:
0x0: {  	(tag) =	ssettag $0x1  }
0x1: {  	s2 =	srdreg.scid;
	s1 =	rddreg [dreg:$0x0]  }
0x2: {  	s0 =	stileid.u32;
	s5 =	rddreg [dreg:$0x1];
	s4 =	simm.s32 $0x0  }
0x3: {  	s17 =	simm.s32 $0x5;
	s18 =	simm.s32 $0x2780;
	s19 =	simm.s32 $0x6780  }
0x4: {  	s20 =	simm.s32 $0x50;
	s21 =	simm.s32 $0x1;
	s22 =	simm.s32 $0x8F80  }
0x5: {  	s23 =	simm.s32 $0x2;
	s24 =	simm.s32 $0x3;
	s28 =	simm.s32 $0x4  }
0x6: {  	s29 =	simm.s32 $0x6580;
	s30 =	simm.s32 $0x0;
	s2 =	sand.u32 $0x1, s2  }
0x7: {  	s3 =	sshll.u32 s0, $0x1;
	s8 =	smul.u32 $0x2800, s0;
	[smem:$0x7FF] =	sst s4  }
0x8: {  	s10 =	smul.u32 $0x50000, s0;
	s6 =	sor.u32 s2, s3;
	s3 =	rddreg [dreg:$0x2]  }
0x9: {  	s9 =	smul.u32 $0x28000, s2;
	_ =	strace $0x8000004D;
	s2 =	ssub.s32 $0x2, s2  }
0xa: {  	s7 =	smul.u32 $0x4E2, s6;
	s6 =	sshll.u32 s6, $0xB;
	s26 =	sshrl.u32 s2, $0x1  }
0xb: {  	s31 =	sshrl.u32 s10, $0x2;
	s11 =	sadd.s32 s6, s5;
	s25 =	sadd.s32 s8, s9  }
0xc: {  	s2 =	ssub.s32 s2, s26;
	s7 =	sadd.s32 s7, s5;
	s15 =	sadd.s32 s25, s5  }
0xd: {  	s5 =	sadd.s32 s31, s3;
	s16 =	smax.u32 s2, $0x1;
	s6 =	sadd.s32 $0x3000, s7  }
0xe: {  	s7 =	sadd.s32 $0xCE00, s11;
	s8 =	sadd.s32 $0x2800, s5;
	s9 =	sadd.s32 $0x5000, s5  }
0xf: {  	s10 =	sadd.s32 $0x7800, s5;
	s11 =	sadd.s32 $0xA000, s5;
	s12 =	sadd.s32 $0xC800, s5  }
0x10: {  	v0 =	vimm.f32 $0.0e+00;
	s13 =	sadd.s32 $0xF000, s5;
	s14 =	sadd.s32 $0x11800, s5;
	s15 =	sadd.s32 $0x1CE00, s15  }
.LBB2_1:
0x11: {  	[tilespmem:s4], [sflag:$0x5] =	stream.linear.gather [hbm4b:s6+s4], $0x2710, $0x38;
	[tilespmem:$0x1F780] =	vst v63  }
0x12: {  	_ =	swait.ge [sflag:s17], $0x2710  }
0x13: {  	[sflag:s17] =	ssyncset.done $0x0  }
0x14: {  	[sflag:s17] =	ssyncadd.s32 $0xFFFFD8F0  }
0x15: {  	[tilespmem:s18], [sflag:$0x5] =	stream.linear.gather [hbm4b:s7+s4], $0x3E80, $0x38;
	[tilespmem:$0x1F780] =	vst v63  }
0x16: {  	_ =	swait.ge [sflag:s17], $0x3E80  }
0x17: {  	[sflag:s17] =	ssyncset.done $0x0  }
0x18: {  	[sflag:s17] =	ssyncadd.s32 $0xFFFFC180  }
0x19: {  	[tilespmem:$0x6780] =	vst v0  }
0x1a: {  	[tilespmem:$0x6790] =	vst v0  }
0x1b: {  	[tilespmem:$0x67A0] =	vst v0  }
0x1c: {  	[tilespmem:$0x67B0] =	vst v0  }
0x1d: {  	[tilespmem:$0x67C0] =	vst v0  }
0x1e: {  	[tilespmem:$0x67D0] =	vst v0  }
0x1f: {  	[tilespmem:$0x67E0] =	vst v0  }
0x20: {  	[tilespmem:$0x67F0] =	vst v0  }
0x21: {  	[tilespmem:$0x6800] =	vst v0  }
0x22: {  	[tilespmem:$0x6810] =	vst v0  }
0x23: {  	[tilespmem:$0x6820] =	vst v0  }
0x24: {  	[tilespmem:$0x6830] =	vst v0  }
0x25: {  	[tilespmem:$0x6840] =	vst v0  }
0x26: {  	[tilespmem:$0x6850] =	vst v0  }
0x27: {  	[tilespmem:$0x6860] =	vst v0  }
0x28: {  	[tilespmem:$0x6870] =	vst v0  }
0x29: {  	[tilespmem:$0x6880] =	vst v0  }
0x2a: {  	[tilespmem:$0x6890] =	vst v0  }
0x2b: {  	[tilespmem:$0x68A0] =	vst v0  }
0x2c: {  	[tilespmem:$0x68B0] =	vst v0  }
0x2d: {  	[tilespmem:$0x68C0] =	vst v0  }
0x2e: {  	[tilespmem:$0x68D0] =	vst v0  }
0x2f: {  	[tilespmem:$0x68E0] =	vst v0  }
0x30: {  	[tilespmem:$0x68F0] =	vst v0  }
0x31: {  	[tilespmem:$0x6900] =	vst v0  }
0x32: {  	[tilespmem:$0x6910] =	vst v0  }
0x33: {  	[tilespmem:$0x6920] =	vst v0  }
0x34: {  	[tilespmem:$0x6930] =	vst v0  }
0x35: {  	[tilespmem:$0x6940] =	vst v0  }
0x36: {  	[tilespmem:$0x6950] =	vst v0  }
0x37: {  	[tilespmem:$0x6960] =	vst v0  }
0x38: {  	[tilespmem:$0x6970] =	vst v0  }
0x39: {  	[tilespmem:$0x6980] =	vst v0  }
0x3a: {  	[tilespmem:$0x6990] =	vst v0  }
0x3b: {  	[tilespmem:$0x69A0] =	vst v0  }
0x3c: {  	[tilespmem:$0x69B0] =	vst v0  }
0x3d: {  	[tilespmem:$0x69C0] =	vst v0  }
0x3e: {  	[tilespmem:$0x69D0] =	vst v0  }
0x3f: {  	[tilespmem:$0x69E0] =	vst v0  }
0x40: {  	[tilespmem:$0x69F0] =	vst v0  }
0x41: {  	[tilespmem:$0x6A00] =	vst v0  }
0x42: {  	[tilespmem:$0x6A10] =	vst v0  }
0x43: {  	[tilespmem:$0x6A20] =	vst v0  }
0x44: {  	[tilespmem:$0x6A30] =	vst v0  }
0x45: {  	[tilespmem:$0x6A40] =	vst v0  }
0x46: {  	[tilespmem:$0x6A50] =	vst v0  }
0x47: {  	[tilespmem:$0x6A60] =	vst v0  }
0x48: {  	[tilespmem:$0x6A70] =	vst v0  }
0x49: {  	[tilespmem:$0x6A80] =	vst v0  }
0x4a: {  	[tilespmem:$0x6A90] =	vst v0  }
0x4b: {  	[tilespmem:$0x6AA0] =	vst v0  }
0x4c: {  	[tilespmem:$0x6AB0] =	vst v0  }
0x4d: {  	[tilespmem:$0x6AC0] =	vst v0  }
0x4e: {  	[tilespmem:$0x6AD0] =	vst v0  }
0x4f: {  	[tilespmem:$0x6AE0] =	vst v0  }
0x50: {  	[tilespmem:$0x6AF0] =	vst v0  }
0x51: {  	[tilespmem:$0x6B00] =	vst v0  }
0x52: {  	[tilespmem:$0x6B10] =	vst v0  }
0x53: {  	[tilespmem:$0x6B20] =	vst v0  }
0x54: {  	[tilespmem:$0x6B30] =	vst v0  }
0x55: {  	[tilespmem:$0x6B40] =	vst v0  }
0x56: {  	[tilespmem:$0x6B50] =	vst v0  }
0x57: {  	[tilespmem:$0x6B60] =	vst v0  }
0x58: {  	[tilespmem:$0x6B70] =	vst v0  }
0x59: {  	[tilespmem:$0x6B80] =	vst v0  }
0x5a: {  	[tilespmem:$0x6B90] =	vst v0  }
0x5b: {  	[tilespmem:$0x6BA0] =	vst v0  }
0x5c: {  	[tilespmem:$0x6BB0] =	vst v0  }
0x5d: {  	[tilespmem:$0x6BC0] =	vst v0  }
0x5e: {  	[tilespmem:$0x6BD0] =	vst v0  }
0x5f: {  	[tilespmem:$0x6BE0] =	vst v0  }
0x60: {  	[tilespmem:$0x6BF0] =	vst v0  }
0x61: {  	[tilespmem:$0x6C00] =	vst v0  }
0x62: {  	[tilespmem:$0x6C10] =	vst v0  }
0x63: {  	[tilespmem:$0x6C20] =	vst v0  }
0x64: {  	[tilespmem:$0x6C30] =	vst v0  }
0x65: {  	[tilespmem:$0x6C40] =	vst v0  }
0x66: {  	[tilespmem:$0x6C50] =	vst v0  }
0x67: {  	[tilespmem:$0x6C60] =	vst v0  }
0x68: {  	[tilespmem:$0x6C70] =	vst v0  }
0x69: {  	[tilespmem:$0x6C80] =	vst v0  }
0x6a: {  	[tilespmem:$0x6C90] =	vst v0  }
0x6b: {  	[tilespmem:$0x6CA0] =	vst v0  }
0x6c: {  	[tilespmem:$0x6CB0] =	vst v0  }
0x6d: {  	[tilespmem:$0x6CC0] =	vst v0  }
0x6e: {  	[tilespmem:$0x6CD0] =	vst v0  }
0x6f: {  	[tilespmem:$0x6CE0] =	vst v0  }
0x70: {  	[tilespmem:$0x6CF0] =	vst v0  }
0x71: {  	[tilespmem:$0x6D00] =	vst v0  }
0x72: {  	[tilespmem:$0x6D10] =	vst v0  }
0x73: {  	[tilespmem:$0x6D20] =	vst v0  }
0x74: {  	[tilespmem:$0x6D30] =	vst v0  }
0x75: {  	[tilespmem:$0x6D40] =	vst v0  }
0x76: {  	[tilespmem:$0x6D50] =	vst v0  }
0x77: {  	[tilespmem:$0x6D60] =	vst v0  }
0x78: {  	[tilespmem:$0x6D70] =	vst v0  }
0x79: {  	[tilespmem:$0x6D80] =	vst v0  }
0x7a: {  	[tilespmem:$0x6D90] =	vst v0  }
0x7b: {  	[tilespmem:$0x6DA0] =	vst v0  }
0x7c: {  	[tilespmem:$0x6DB0] =	vst v0  }
0x7d: {  	[tilespmem:$0x6DC0] =	vst v0  }
0x7e: {  	[tilespmem:$0x6DD0] =	vst v0  }
0x7f: {  	[tilespmem:$0x6DE0] =	vst v0  }
0x80: {  	[tilespmem:$0x6DF0] =	vst v0  }
0x81: {  	[tilespmem:$0x6E00] =	vst v0  }
0x82: {  	[tilespmem:$0x6E10] =	vst v0  }
0x83: {  	[tilespmem:$0x6E20] =	vst v0  }
0x84: {  	[tilespmem:$0x6E30] =	vst v0  }
0x85: {  	[tilespmem:$0x6E40] =	vst v0  }
0x86: {  	[tilespmem:$0x6E50] =	vst v0  }
0x87: {  	[tilespmem:$0x6E60] =	vst v0  }
0x88: {  	[tilespmem:$0x6E70] =	vst v0  }
0x89: {  	[tilespmem:$0x6E80] =	vst v0  }
0x8a: {  	[tilespmem:$0x6E90] =	vst v0  }
0x8b: {  	[tilespmem:$0x6EA0] =	vst v0  }
0x8c: {  	[tilespmem:$0x6EB0] =	vst v0  }
0x8d: {  	[tilespmem:$0x6EC0] =	vst v0  }
0x8e: {  	[tilespmem:$0x6ED0] =	vst v0  }
0x8f: {  	[tilespmem:$0x6EE0] =	vst v0  }
0x90: {  	[tilespmem:$0x6EF0] =	vst v0  }
0x91: {  	[tilespmem:$0x6F00] =	vst v0  }
0x92: {  	[tilespmem:$0x6F10] =	vst v0  }
0x93: {  	[tilespmem:$0x6F20] =	vst v0  }
0x94: {  	[tilespmem:$0x6F30] =	vst v0  }
0x95: {  	[tilespmem:$0x6F40] =	vst v0  }
0x96: {  	[tilespmem:$0x6F50] =	vst v0  }
0x97: {  	[tilespmem:$0x6F60] =	vst v0  }
0x98: {  	[tilespmem:$0x6F70] =	vst v0  }
0x99: {  	[tilespmem:$0x6F80] =	vst v0  }
0x9a: {  	[tilespmem:$0x6F90] =	vst v0  }
0x9b: {  	[tilespmem:$0x6FA0] =	vst v0  }
0x9c: {  	[tilespmem:$0x6FB0] =	vst v0  }
0x9d: {  	[tilespmem:$0x6FC0] =	vst v0  }
0x9e: {  	[tilespmem:$0x6FD0] =	vst v0  }
0x9f: {  	[tilespmem:$0x6FE0] =	vst v0  }
0xa0: {  	[tilespmem:$0x6FF0] =	vst v0  }
0xa1: {  	[tilespmem:$0x7000] =	vst v0  }
0xa2: {  	[tilespmem:$0x7010] =	vst v0  }
0xa3: {  	[tilespmem:$0x7020] =	vst v0  }
0xa4: {  	[tilespmem:$0x7030] =	vst v0  }
0xa5: {  	[tilespmem:$0x7040] =	vst v0  }
0xa6: {  	[tilespmem:$0x7050] =	vst v0  }
0xa7: {  	[tilespmem:$0x7060] =	vst v0  }
0xa8: {  	[tilespmem:$0x7070] =	vst v0  }
0xa9: {  	[tilespmem:$0x7080] =	vst v0  }
0xaa: {  	[tilespmem:$0x7090] =	vst v0  }
0xab: {  	[tilespmem:$0x70A0] =	vst v0  }
0xac: {  	[tilespmem:$0x70B0] =	vst v0  }
0xad: {  	[tilespmem:$0x70C0] =	vst v0  }
0xae: {  	[tilespmem:$0x70D0] =	vst v0  }
0xaf: {  	[tilespmem:$0x70E0] =	vst v0  }
0xb0: {  	[tilespmem:$0x70F0] =	vst v0  }
0xb1: {  	[tilespmem:$0x7100] =	vst v0  }
0xb2: {  	[tilespmem:$0x7110] =	vst v0  }
0xb3: {  	[tilespmem:$0x7120] =	vst v0  }
0xb4: {  	[tilespmem:$0x7130] =	vst v0  }
0xb5: {  	[tilespmem:$0x7140] =	vst v0  }
0xb6: {  	[tilespmem:$0x7150] =	vst v0  }
0xb7: {  	[tilespmem:$0x7160] =	vst v0  }
0xb8: {  	[tilespmem:$0x7170] =	vst v0  }
0xb9: {  	[tilespmem:$0x7180] =	vst v0  }
0xba: {  	[tilespmem:$0x7190] =	vst v0  }
0xbb: {  	[tilespmem:$0x71A0] =	vst v0  }
0xbc: {  	[tilespmem:$0x71B0] =	vst v0  }
0xbd: {  	[tilespmem:$0x71C0] =	vst v0  }
0xbe: {  	[tilespmem:$0x71D0] =	vst v0  }
0xbf: {  	[tilespmem:$0x71E0] =	vst v0  }
0xc0: {  	[tilespmem:$0x71F0] =	vst v0  }
0xc1: {  	[tilespmem:$0x7200] =	vst v0  }
0xc2: {  	[tilespmem:$0x7210] =	vst v0  }
0xc3: {  	[tilespmem:$0x7220] =	vst v0  }
0xc4: {  	[tilespmem:$0x7230] =	vst v0  }
0xc5: {  	[tilespmem:$0x7240] =	vst v0  }
0xc6: {  	[tilespmem:$0x7250] =	vst v0  }
0xc7: {  	[tilespmem:$0x7260] =	vst v0  }
0xc8: {  	[tilespmem:$0x7270] =	vst v0  }
0xc9: {  	[tilespmem:$0x7280] =	vst v0  }
0xca: {  	[tilespmem:$0x7290] =	vst v0  }
0xcb: {  	[tilespmem:$0x72A0] =	vst v0  }
0xcc: {  	[tilespmem:$0x72B0] =	vst v0  }
0xcd: {  	[tilespmem:$0x72C0] =	vst v0  }
0xce: {  	[tilespmem:$0x72D0] =	vst v0  }
0xcf: {  	[tilespmem:$0x72E0] =	vst v0  }
0xd0: {  	[tilespmem:$0x72F0] =	vst v0  }
0xd1: {  	[tilespmem:$0x7300] =	vst v0  }
0xd2: {  	[tilespmem:$0x7310] =	vst v0  }
0xd3: {  	[tilespmem:$0x7320] =	vst v0  }
0xd4: {  	[tilespmem:$0x7330] =	vst v0  }
0xd5: {  	[tilespmem:$0x7340] =	vst v0  }
0xd6: {  	[tilespmem:$0x7350] =	vst v0  }
0xd7: {  	[tilespmem:$0x7360] =	vst v0  }
0xd8: {  	[tilespmem:$0x7370] =	vst v0  }
0xd9: {  	[tilespmem:$0x7380] =	vst v0  }
0xda: {  	[tilespmem:$0x7390] =	vst v0  }
0xdb: {  	[tilespmem:$0x73A0] =	vst v0  }
0xdc: {  	[tilespmem:$0x73B0] =	vst v0  }
0xdd: {  	[tilespmem:$0x73C0] =	vst v0  }
0xde: {  	[tilespmem:$0x73D0] =	vst v0  }
0xdf: {  	[tilespmem:$0x73E0] =	vst v0  }
0xe0: {  	[tilespmem:$0x73F0] =	vst v0  }
0xe1: {  	[tilespmem:$0x7400] =	vst v0  }
0xe2: {  	[tilespmem:$0x7410] =	vst v0  }
0xe3: {  	[tilespmem:$0x7420] =	vst v0  }
0xe4: {  	[tilespmem:$0x7430] =	vst v0  }
0xe5: {  	[tilespmem:$0x7440] =	vst v0  }
0xe6: {  	[tilespmem:$0x7450] =	vst v0  }
0xe7: {  	[tilespmem:$0x7460] =	vst v0  }
0xe8: {  	[tilespmem:$0x7470] =	vst v0  }
0xe9: {  	[tilespmem:$0x7480] =	vst v0  }
0xea: {  	[tilespmem:$0x7490] =	vst v0  }
0xeb: {  	[tilespmem:$0x74A0] =	vst v0  }
0xec: {  	[tilespmem:$0x74B0] =	vst v0  }
0xed: {  	[tilespmem:$0x74C0] =	vst v0  }
0xee: {  	[tilespmem:$0x74D0] =	vst v0  }
0xef: {  	[tilespmem:$0x74E0] =	vst v0  }
0xf0: {  	[tilespmem:$0x74F0] =	vst v0  }
0xf1: {  	[tilespmem:$0x7500] =	vst v0  }
0xf2: {  	[tilespmem:$0x7510] =	vst v0  }
0xf3: {  	[tilespmem:$0x7520] =	vst v0  }
0xf4: {  	[tilespmem:$0x7530] =	vst v0  }
0xf5: {  	[tilespmem:$0x7540] =	vst v0  }
0xf6: {  	[tilespmem:$0x7550] =	vst v0  }
0xf7: {  	[tilespmem:$0x7560] =	vst v0  }
0xf8: {  	[tilespmem:$0x7570] =	vst v0  }
0xf9: {  	[tilespmem:$0x7580] =	vst v0  }
0xfa: {  	[tilespmem:$0x7590] =	vst v0  }
0xfb: {  	[tilespmem:$0x75A0] =	vst v0  }
0xfc: {  	[tilespmem:$0x75B0] =	vst v0  }
0xfd: {  	[tilespmem:$0x75C0] =	vst v0  }
0xfe: {  	[tilespmem:$0x75D0] =	vst v0  }
0xff: {  	[tilespmem:$0x75E0] =	vst v0  }
0x100: {  	[tilespmem:$0x75F0] =	vst v0  }
0x101: {  	[tilespmem:$0x7600] =	vst v0  }
0x102: {  	[tilespmem:$0x7610] =	vst v0  }
0x103: {  	[tilespmem:$0x7620] =	vst v0  }
0x104: {  	[tilespmem:$0x7630] =	vst v0  }
0x105: {  	[tilespmem:$0x7640] =	vst v0  }
0x106: {  	[tilespmem:$0x7650] =	vst v0  }
0x107: {  	[tilespmem:$0x7660] =	vst v0  }
0x108: {  	[tilespmem:$0x7670] =	vst v0  }
0x109: {  	[tilespmem:$0x7680] =	vst v0  }
0x10a: {  	[tilespmem:$0x7690] =	vst v0  }
0x10b: {  	[tilespmem:$0x76A0] =	vst v0  }
0x10c: {  	[tilespmem:$0x76B0] =	vst v0  }
0x10d: {  	[tilespmem:$0x76C0] =	vst v0  }
0x10e: {  	[tilespmem:$0x76D0] =	vst v0  }
0x10f: {  	[tilespmem:$0x76E0] =	vst v0  }
0x110: {  	[tilespmem:$0x76F0] =	vst v0  }
0x111: {  	[tilespmem:$0x7700] =	vst v0  }
0x112: {  	[tilespmem:$0x7710] =	vst v0  }
0x113: {  	[tilespmem:$0x7720] =	vst v0  }
0x114: {  	[tilespmem:$0x7730] =	vst v0  }
0x115: {  	[tilespmem:$0x7740] =	vst v0  }
0x116: {  	[tilespmem:$0x7750] =	vst v0  }
0x117: {  	[tilespmem:$0x7760] =	vst v0  }
0x118: {  	[tilespmem:$0x7770] =	vst v0  }
0x119: {  	[tilespmem:$0x7780] =	vst v0  }
0x11a: {  	[tilespmem:$0x7790] =	vst v0  }
0x11b: {  	[tilespmem:$0x77A0] =	vst v0  }
0x11c: {  	[tilespmem:$0x77B0] =	vst v0  }
0x11d: {  	[tilespmem:$0x77C0] =	vst v0  }
0x11e: {  	[tilespmem:$0x77D0] =	vst v0  }
0x11f: {  	[tilespmem:$0x77E0] =	vst v0  }
0x120: {  	[tilespmem:$0x77F0] =	vst v0  }
0x121: {  	[tilespmem:$0x7800] =	vst v0  }
0x122: {  	[tilespmem:$0x7810] =	vst v0  }
0x123: {  	[tilespmem:$0x7820] =	vst v0  }
0x124: {  	[tilespmem:$0x7830] =	vst v0  }
0x125: {  	[tilespmem:$0x7840] =	vst v0  }
0x126: {  	[tilespmem:$0x7850] =	vst v0  }
0x127: {  	[tilespmem:$0x7860] =	vst v0  }
0x128: {  	[tilespmem:$0x7870] =	vst v0  }
0x129: {  	[tilespmem:$0x7880] =	vst v0  }
0x12a: {  	[tilespmem:$0x7890] =	vst v0  }
0x12b: {  	[tilespmem:$0x78A0] =	vst v0  }
0x12c: {  	[tilespmem:$0x78B0] =	vst v0  }
0x12d: {  	[tilespmem:$0x78C0] =	vst v0  }
0x12e: {  	[tilespmem:$0x78D0] =	vst v0  }
0x12f: {  	[tilespmem:$0x78E0] =	vst v0  }
0x130: {  	[tilespmem:$0x78F0] =	vst v0  }
0x131: {  	[tilespmem:$0x7900] =	vst v0  }
0x132: {  	[tilespmem:$0x7910] =	vst v0  }
0x133: {  	[tilespmem:$0x7920] =	vst v0  }
0x134: {  	[tilespmem:$0x7930] =	vst v0  }
0x135: {  	[tilespmem:$0x7940] =	vst v0  }
0x136: {  	[tilespmem:$0x7950] =	vst v0  }
0x137: {  	[tilespmem:$0x7960] =	vst v0  }
0x138: {  	[tilespmem:$0x7970] =	vst v0  }
0x139: {  	[tilespmem:$0x7980] =	vst v0  }
0x13a: {  	[tilespmem:$0x7990] =	vst v0  }
0x13b: {  	[tilespmem:$0x79A0] =	vst v0  }
0x13c: {  	[tilespmem:$0x79B0] =	vst v0  }
0x13d: {  	[tilespmem:$0x79C0] =	vst v0  }
0x13e: {  	[tilespmem:$0x79D0] =	vst v0  }
0x13f: {  	[tilespmem:$0x79E0] =	vst v0  }
0x140: {  	[tilespmem:$0x79F0] =	vst v0  }
0x141: {  	[tilespmem:$0x7A00] =	vst v0  }
0x142: {  	[tilespmem:$0x7A10] =	vst v0  }
0x143: {  	[tilespmem:$0x7A20] =	vst v0  }
0x144: {  	[tilespmem:$0x7A30] =	vst v0  }
0x145: {  	[tilespmem:$0x7A40] =	vst v0  }
0x146: {  	[tilespmem:$0x7A50] =	vst v0  }
0x147: {  	[tilespmem:$0x7A60] =	vst v0  }
0x148: {  	[tilespmem:$0x7A70] =	vst v0  }
0x149: {  	[tilespmem:$0x7A80] =	vst v0  }
0x14a: {  	[tilespmem:$0x7A90] =	vst v0  }
0x14b: {  	[tilespmem:$0x7AA0] =	vst v0  }
0x14c: {  	[tilespmem:$0x7AB0] =	vst v0  }
0x14d: {  	[tilespmem:$0x7AC0] =	vst v0  }
0x14e: {  	[tilespmem:$0x7AD0] =	vst v0  }
0x14f: {  	[tilespmem:$0x7AE0] =	vst v0  }
0x150: {  	[tilespmem:$0x7AF0] =	vst v0  }
0x151: {  	[tilespmem:$0x7B00] =	vst v0  }
0x152: {  	[tilespmem:$0x7B10] =	vst v0  }
0x153: {  	[tilespmem:$0x7B20] =	vst v0  }
0x154: {  	[tilespmem:$0x7B30] =	vst v0  }
0x155: {  	[tilespmem:$0x7B40] =	vst v0  }
0x156: {  	[tilespmem:$0x7B50] =	vst v0  }
0x157: {  	[tilespmem:$0x7B60] =	vst v0  }
0x158: {  	[tilespmem:$0x7B70] =	vst v0  }
0x159: {  	[tilespmem:$0x7B80] =	vst v0  }
0x15a: {  	[tilespmem:$0x7B90] =	vst v0  }
0x15b: {  	[tilespmem:$0x7BA0] =	vst v0  }
0x15c: {  	[tilespmem:$0x7BB0] =	vst v0  }
0x15d: {  	[tilespmem:$0x7BC0] =	vst v0  }
0x15e: {  	[tilespmem:$0x7BD0] =	vst v0  }
0x15f: {  	[tilespmem:$0x7BE0] =	vst v0  }
0x160: {  	[tilespmem:$0x7BF0] =	vst v0  }
0x161: {  	[tilespmem:$0x7C00] =	vst v0  }
0x162: {  	[tilespmem:$0x7C10] =	vst v0  }
0x163: {  	[tilespmem:$0x7C20] =	vst v0  }
0x164: {  	[tilespmem:$0x7C30] =	vst v0  }
0x165: {  	[tilespmem:$0x7C40] =	vst v0  }
0x166: {  	[tilespmem:$0x7C50] =	vst v0  }
0x167: {  	[tilespmem:$0x7C60] =	vst v0  }
0x168: {  	[tilespmem:$0x7C70] =	vst v0  }
0x169: {  	[tilespmem:$0x7C80] =	vst v0  }
0x16a: {  	[tilespmem:$0x7C90] =	vst v0  }
0x16b: {  	[tilespmem:$0x7CA0] =	vst v0  }
0x16c: {  	[tilespmem:$0x7CB0] =	vst v0  }
0x16d: {  	[tilespmem:$0x7CC0] =	vst v0  }
0x16e: {  	[tilespmem:$0x7CD0] =	vst v0  }
0x16f: {  	[tilespmem:$0x7CE0] =	vst v0  }
0x170: {  	[tilespmem:$0x7CF0] =	vst v0  }
0x171: {  	[tilespmem:$0x7D00] =	vst v0  }
0x172: {  	[tilespmem:$0x7D10] =	vst v0  }
0x173: {  	[tilespmem:$0x7D20] =	vst v0  }
0x174: {  	[tilespmem:$0x7D30] =	vst v0  }
0x175: {  	[tilespmem:$0x7D40] =	vst v0  }
0x176: {  	[tilespmem:$0x7D50] =	vst v0  }
0x177: {  	[tilespmem:$0x7D60] =	vst v0  }
0x178: {  	[tilespmem:$0x7D70] =	vst v0  }
0x179: {  	[tilespmem:$0x7D80] =	vst v0  }
0x17a: {  	[tilespmem:$0x7D90] =	vst v0  }
0x17b: {  	[tilespmem:$0x7DA0] =	vst v0  }
0x17c: {  	[tilespmem:$0x7DB0] =	vst v0  }
0x17d: {  	[tilespmem:$0x7DC0] =	vst v0  }
0x17e: {  	[tilespmem:$0x7DD0] =	vst v0  }
0x17f: {  	[tilespmem:$0x7DE0] =	vst v0  }
0x180: {  	[tilespmem:$0x7DF0] =	vst v0  }
0x181: {  	[tilespmem:$0x7E00] =	vst v0  }
0x182: {  	[tilespmem:$0x7E10] =	vst v0  }
0x183: {  	[tilespmem:$0x7E20] =	vst v0  }
0x184: {  	[tilespmem:$0x7E30] =	vst v0  }
0x185: {  	[tilespmem:$0x7E40] =	vst v0  }
0x186: {  	[tilespmem:$0x7E50] =	vst v0  }
0x187: {  	[tilespmem:$0x7E60] =	vst v0  }
0x188: {  	[tilespmem:$0x7E70] =	vst v0  }
0x189: {  	[tilespmem:$0x7E80] =	vst v0  }
0x18a: {  	[tilespmem:$0x7E90] =	vst v0  }
0x18b: {  	[tilespmem:$0x7EA0] =	vst v0  }
0x18c: {  	[tilespmem:$0x7EB0] =	vst v0  }
0x18d: {  	[tilespmem:$0x7EC0] =	vst v0  }
0x18e: {  	[tilespmem:$0x7ED0] =	vst v0  }
0x18f: {  	[tilespmem:$0x7EE0] =	vst v0  }
0x190: {  	[tilespmem:$0x7EF0] =	vst v0  }
0x191: {  	[tilespmem:$0x7F00] =	vst v0  }
0x192: {  	[tilespmem:$0x7F10] =	vst v0  }
0x193: {  	[tilespmem:$0x7F20] =	vst v0  }
0x194: {  	[tilespmem:$0x7F30] =	vst v0  }
0x195: {  	[tilespmem:$0x7F40] =	vst v0  }
0x196: {  	[tilespmem:$0x7F50] =	vst v0  }
0x197: {  	[tilespmem:$0x7F60] =	vst v0  }
0x198: {  	[tilespmem:$0x7F70] =	vst v0  }
0x199: {  	[tilespmem:$0x7F80] =	vst v0  }
0x19a: {  	[tilespmem:$0x7F90] =	vst v0  }
0x19b: {  	[tilespmem:$0x7FA0] =	vst v0  }
0x19c: {  	[tilespmem:$0x7FB0] =	vst v0  }
0x19d: {  	[tilespmem:$0x7FC0] =	vst v0  }
0x19e: {  	[tilespmem:$0x7FD0] =	vst v0  }
0x19f: {  	[tilespmem:$0x7FE0] =	vst v0  }
0x1a0: {  	[tilespmem:$0x7FF0] =	vst v0  }
0x1a1: {  	[tilespmem:$0x8000] =	vst v0  }
0x1a2: {  	[tilespmem:$0x8010] =	vst v0  }
0x1a3: {  	[tilespmem:$0x8020] =	vst v0  }
0x1a4: {  	[tilespmem:$0x8030] =	vst v0  }
0x1a5: {  	[tilespmem:$0x8040] =	vst v0  }
0x1a6: {  	[tilespmem:$0x8050] =	vst v0  }
0x1a7: {  	[tilespmem:$0x8060] =	vst v0  }
0x1a8: {  	[tilespmem:$0x8070] =	vst v0  }
0x1a9: {  	[tilespmem:$0x8080] =	vst v0  }
0x1aa: {  	[tilespmem:$0x8090] =	vst v0  }
0x1ab: {  	[tilespmem:$0x80A0] =	vst v0  }
0x1ac: {  	[tilespmem:$0x80B0] =	vst v0  }
0x1ad: {  	[tilespmem:$0x80C0] =	vst v0  }
0x1ae: {  	[tilespmem:$0x80D0] =	vst v0  }
0x1af: {  	[tilespmem:$0x80E0] =	vst v0  }
0x1b0: {  	[tilespmem:$0x80F0] =	vst v0  }
0x1b1: {  	[tilespmem:$0x8100] =	vst v0  }
0x1b2: {  	[tilespmem:$0x8110] =	vst v0  }
0x1b3: {  	[tilespmem:$0x8120] =	vst v0  }
0x1b4: {  	[tilespmem:$0x8130] =	vst v0  }
0x1b5: {  	[tilespmem:$0x8140] =	vst v0  }
0x1b6: {  	[tilespmem:$0x8150] =	vst v0  }
0x1b7: {  	[tilespmem:$0x8160] =	vst v0  }
0x1b8: {  	[tilespmem:$0x8170] =	vst v0  }
0x1b9: {  	[tilespmem:$0x8180] =	vst v0  }
0x1ba: {  	[tilespmem:$0x8190] =	vst v0  }
0x1bb: {  	[tilespmem:$0x81A0] =	vst v0  }
0x1bc: {  	[tilespmem:$0x81B0] =	vst v0  }
0x1bd: {  	[tilespmem:$0x81C0] =	vst v0  }
0x1be: {  	[tilespmem:$0x81D0] =	vst v0  }
0x1bf: {  	[tilespmem:$0x81E0] =	vst v0  }
0x1c0: {  	[tilespmem:$0x81F0] =	vst v0  }
0x1c1: {  	[tilespmem:$0x8200] =	vst v0  }
0x1c2: {  	[tilespmem:$0x8210] =	vst v0  }
0x1c3: {  	[tilespmem:$0x8220] =	vst v0  }
0x1c4: {  	[tilespmem:$0x8230] =	vst v0  }
0x1c5: {  	[tilespmem:$0x8240] =	vst v0  }
0x1c6: {  	[tilespmem:$0x8250] =	vst v0  }
0x1c7: {  	[tilespmem:$0x8260] =	vst v0  }
0x1c8: {  	[tilespmem:$0x8270] =	vst v0  }
0x1c9: {  	[tilespmem:$0x8280] =	vst v0  }
0x1ca: {  	[tilespmem:$0x8290] =	vst v0  }
0x1cb: {  	[tilespmem:$0x82A0] =	vst v0  }
0x1cc: {  	[tilespmem:$0x82B0] =	vst v0  }
0x1cd: {  	[tilespmem:$0x82C0] =	vst v0  }
0x1ce: {  	[tilespmem:$0x82D0] =	vst v0  }
0x1cf: {  	[tilespmem:$0x82E0] =	vst v0  }
0x1d0: {  	[tilespmem:$0x82F0] =	vst v0  }
0x1d1: {  	[tilespmem:$0x8300] =	vst v0  }
0x1d2: {  	[tilespmem:$0x8310] =	vst v0  }
0x1d3: {  	[tilespmem:$0x8320] =	vst v0  }
0x1d4: {  	[tilespmem:$0x8330] =	vst v0  }
0x1d5: {  	[tilespmem:$0x8340] =	vst v0  }
0x1d6: {  	[tilespmem:$0x8350] =	vst v0  }
0x1d7: {  	[tilespmem:$0x8360] =	vst v0  }
0x1d8: {  	[tilespmem:$0x8370] =	vst v0  }
0x1d9: {  	[tilespmem:$0x8380] =	vst v0  }
0x1da: {  	[tilespmem:$0x8390] =	vst v0  }
0x1db: {  	[tilespmem:$0x83A0] =	vst v0  }
0x1dc: {  	[tilespmem:$0x83B0] =	vst v0  }
0x1dd: {  	[tilespmem:$0x83C0] =	vst v0  }
0x1de: {  	[tilespmem:$0x83D0] =	vst v0  }
0x1df: {  	[tilespmem:$0x83E0] =	vst v0  }
0x1e0: {  	[tilespmem:$0x83F0] =	vst v0  }
0x1e1: {  	[tilespmem:$0x8400] =	vst v0  }
0x1e2: {  	[tilespmem:$0x8410] =	vst v0  }
0x1e3: {  	[tilespmem:$0x8420] =	vst v0  }
0x1e4: {  	[tilespmem:$0x8430] =	vst v0  }
0x1e5: {  	[tilespmem:$0x8440] =	vst v0  }
0x1e6: {  	[tilespmem:$0x8450] =	vst v0  }
0x1e7: {  	[tilespmem:$0x8460] =	vst v0  }
0x1e8: {  	[tilespmem:$0x8470] =	vst v0  }
0x1e9: {  	[tilespmem:$0x8480] =	vst v0  }
0x1ea: {  	[tilespmem:$0x8490] =	vst v0  }
0x1eb: {  	[tilespmem:$0x84A0] =	vst v0  }
0x1ec: {  	[tilespmem:$0x84B0] =	vst v0  }
0x1ed: {  	[tilespmem:$0x84C0] =	vst v0  }
0x1ee: {  	[tilespmem:$0x84D0] =	vst v0  }
0x1ef: {  	[tilespmem:$0x84E0] =	vst v0  }
0x1f0: {  	[tilespmem:$0x84F0] =	vst v0  }
0x1f1: {  	[tilespmem:$0x8500] =	vst v0  }
0x1f2: {  	[tilespmem:$0x8510] =	vst v0  }
0x1f3: {  	[tilespmem:$0x8520] =	vst v0  }
0x1f4: {  	[tilespmem:$0x8530] =	vst v0  }
0x1f5: {  	[tilespmem:$0x8540] =	vst v0  }
0x1f6: {  	[tilespmem:$0x8550] =	vst v0  }
0x1f7: {  	[tilespmem:$0x8560] =	vst v0  }
0x1f8: {  	[tilespmem:$0x8570] =	vst v0  }
0x1f9: {  	[tilespmem:$0x8580] =	vst v0  }
0x1fa: {  	[tilespmem:$0x8590] =	vst v0  }
0x1fb: {  	[tilespmem:$0x85A0] =	vst v0  }
0x1fc: {  	[tilespmem:$0x85B0] =	vst v0  }
0x1fd: {  	[tilespmem:$0x85C0] =	vst v0  }
0x1fe: {  	[tilespmem:$0x85D0] =	vst v0  }
0x1ff: {  	[tilespmem:$0x85E0] =	vst v0  }
0x200: {  	[tilespmem:$0x85F0] =	vst v0  }
0x201: {  	[tilespmem:$0x8600] =	vst v0  }
0x202: {  	[tilespmem:$0x8610] =	vst v0  }
0x203: {  	[tilespmem:$0x8620] =	vst v0  }
0x204: {  	[tilespmem:$0x8630] =	vst v0  }
0x205: {  	[tilespmem:$0x8640] =	vst v0  }
0x206: {  	[tilespmem:$0x8650] =	vst v0  }
0x207: {  	[tilespmem:$0x8660] =	vst v0  }
0x208: {  	[tilespmem:$0x8670] =	vst v0  }
0x209: {  	[tilespmem:$0x8680] =	vst v0  }
0x20a: {  	[tilespmem:$0x8690] =	vst v0  }
0x20b: {  	[tilespmem:$0x86A0] =	vst v0  }
0x20c: {  	[tilespmem:$0x86B0] =	vst v0  }
0x20d: {  	[tilespmem:$0x86C0] =	vst v0  }
0x20e: {  	[tilespmem:$0x86D0] =	vst v0  }
0x20f: {  	[tilespmem:$0x86E0] =	vst v0  }
0x210: {  	[tilespmem:$0x86F0] =	vst v0  }
0x211: {  	[tilespmem:$0x8700] =	vst v0  }
0x212: {  	[tilespmem:$0x8710] =	vst v0  }
0x213: {  	[tilespmem:$0x8720] =	vst v0  }
0x214: {  	[tilespmem:$0x8730] =	vst v0  }
0x215: {  	[tilespmem:$0x8740] =	vst v0  }
0x216: {  	[tilespmem:$0x8750] =	vst v0  }
0x217: {  	[tilespmem:$0x8760] =	vst v0  }
0x218: {  	[tilespmem:$0x8770] =	vst v0  }
0x219: {  	[tilespmem:$0x8780] =	vst v0  }
0x21a: {  	[tilespmem:$0x8790] =	vst v0  }
0x21b: {  	[tilespmem:$0x87A0] =	vst v0  }
0x21c: {  	[tilespmem:$0x87B0] =	vst v0  }
0x21d: {  	[tilespmem:$0x87C0] =	vst v0  }
0x21e: {  	[tilespmem:$0x87D0] =	vst v0  }
0x21f: {  	[tilespmem:$0x87E0] =	vst v0  }
0x220: {  	[tilespmem:$0x87F0] =	vst v0  }
0x221: {  	[tilespmem:$0x8800] =	vst v0  }
0x222: {  	[tilespmem:$0x8810] =	vst v0  }
0x223: {  	[tilespmem:$0x8820] =	vst v0  }
0x224: {  	[tilespmem:$0x8830] =	vst v0  }
0x225: {  	[tilespmem:$0x8840] =	vst v0  }
0x226: {  	[tilespmem:$0x8850] =	vst v0  }
0x227: {  	[tilespmem:$0x8860] =	vst v0  }
0x228: {  	[tilespmem:$0x8870] =	vst v0  }
0x229: {  	[tilespmem:$0x8880] =	vst v0  }
0x22a: {  	[tilespmem:$0x8890] =	vst v0  }
0x22b: {  	[tilespmem:$0x88A0] =	vst v0  }
0x22c: {  	[tilespmem:$0x88B0] =	vst v0  }
0x22d: {  	[tilespmem:$0x88C0] =	vst v0  }
0x22e: {  	[tilespmem:$0x88D0] =	vst v0  }
0x22f: {  	[tilespmem:$0x88E0] =	vst v0  }
0x230: {  	[tilespmem:$0x88F0] =	vst v0  }
0x231: {  	[tilespmem:$0x8900] =	vst v0  }
0x232: {  	[tilespmem:$0x8910] =	vst v0  }
0x233: {  	[tilespmem:$0x8920] =	vst v0  }
0x234: {  	[tilespmem:$0x8930] =	vst v0  }
0x235: {  	[tilespmem:$0x8940] =	vst v0  }
0x236: {  	[tilespmem:$0x8950] =	vst v0  }
0x237: {  	[tilespmem:$0x8960] =	vst v0  }
0x238: {  	[tilespmem:$0x8970] =	vst v0  }
0x239: {  	[tilespmem:$0x8980] =	vst v0  }
0x23a: {  	[tilespmem:$0x8990] =	vst v0  }
0x23b: {  	[tilespmem:$0x89A0] =	vst v0  }
0x23c: {  	[tilespmem:$0x89B0] =	vst v0  }
0x23d: {  	[tilespmem:$0x89C0] =	vst v0  }
0x23e: {  	[tilespmem:$0x89D0] =	vst v0  }
0x23f: {  	[tilespmem:$0x89E0] =	vst v0  }
0x240: {  	[tilespmem:$0x89F0] =	vst v0  }
0x241: {  	[tilespmem:$0x8A00] =	vst v0  }
0x242: {  	[tilespmem:$0x8A10] =	vst v0  }
0x243: {  	[tilespmem:$0x8A20] =	vst v0  }
0x244: {  	[tilespmem:$0x8A30] =	vst v0  }
0x245: {  	[tilespmem:$0x8A40] =	vst v0  }
0x246: {  	[tilespmem:$0x8A50] =	vst v0  }
0x247: {  	[tilespmem:$0x8A60] =	vst v0  }
0x248: {  	[tilespmem:$0x8A70] =	vst v0  }
0x249: {  	[tilespmem:$0x8A80] =	vst v0  }
0x24a: {  	[tilespmem:$0x8A90] =	vst v0  }
0x24b: {  	[tilespmem:$0x8AA0] =	vst v0  }
0x24c: {  	[tilespmem:$0x8AB0] =	vst v0  }
0x24d: {  	[tilespmem:$0x8AC0] =	vst v0  }
0x24e: {  	[tilespmem:$0x8AD0] =	vst v0  }
0x24f: {  	[tilespmem:$0x8AE0] =	vst v0  }
0x250: {  	[tilespmem:$0x8AF0] =	vst v0  }
0x251: {  	[tilespmem:$0x8B00] =	vst v0  }
0x252: {  	[tilespmem:$0x8B10] =	vst v0  }
0x253: {  	[tilespmem:$0x8B20] =	vst v0  }
0x254: {  	[tilespmem:$0x8B30] =	vst v0  }
0x255: {  	[tilespmem:$0x8B40] =	vst v0  }
0x256: {  	[tilespmem:$0x8B50] =	vst v0  }
0x257: {  	[tilespmem:$0x8B60] =	vst v0  }
0x258: {  	[tilespmem:$0x8B70] =	vst v0  }
0x259: {  	[tilespmem:$0x8B80] =	vst v0  }
0x25a: {  	[tilespmem:$0x8B90] =	vst v0  }
0x25b: {  	[tilespmem:$0x8BA0] =	vst v0  }
0x25c: {  	[tilespmem:$0x8BB0] =	vst v0  }
0x25d: {  	[tilespmem:$0x8BC0] =	vst v0  }
0x25e: {  	[tilespmem:$0x8BD0] =	vst v0  }
0x25f: {  	[tilespmem:$0x8BE0] =	vst v0  }
0x260: {  	[tilespmem:$0x8BF0] =	vst v0  }
0x261: {  	[tilespmem:$0x8C00] =	vst v0  }
0x262: {  	[tilespmem:$0x8C10] =	vst v0  }
0x263: {  	[tilespmem:$0x8C20] =	vst v0  }
0x264: {  	[tilespmem:$0x8C30] =	vst v0  }
0x265: {  	[tilespmem:$0x8C40] =	vst v0  }
0x266: {  	[tilespmem:$0x8C50] =	vst v0  }
0x267: {  	[tilespmem:$0x8C60] =	vst v0  }
0x268: {  	[tilespmem:$0x8C70] =	vst v0  }
0x269: {  	[tilespmem:$0x8C80] =	vst v0  }
0x26a: {  	[tilespmem:$0x8C90] =	vst v0  }
0x26b: {  	[tilespmem:$0x8CA0] =	vst v0  }
0x26c: {  	[tilespmem:$0x8CB0] =	vst v0  }
0x26d: {  	[tilespmem:$0x8CC0] =	vst v0  }
0x26e: {  	[tilespmem:$0x8CD0] =	vst v0  }
0x26f: {  	[tilespmem:$0x8CE0] =	vst v0  }
0x270: {  	[tilespmem:$0x8CF0] =	vst v0  }
0x271: {  	[tilespmem:$0x8D00] =	vst v0  }
0x272: {  	[tilespmem:$0x8D10] =	vst v0  }
0x273: {  	[tilespmem:$0x8D20] =	vst v0  }
0x274: {  	[tilespmem:$0x8D30] =	vst v0  }
0x275: {  	[tilespmem:$0x8D40] =	vst v0  }
0x276: {  	[tilespmem:$0x8D50] =	vst v0  }
0x277: {  	[tilespmem:$0x8D60] =	vst v0  }
0x278: {  	[tilespmem:$0x8D70] =	vst v0  }
0x279: {  	[tilespmem:$0x8D80] =	vst v0  }
0x27a: {  	[tilespmem:$0x8D90] =	vst v0  }
0x27b: {  	[tilespmem:$0x8DA0] =	vst v0  }
0x27c: {  	[tilespmem:$0x8DB0] =	vst v0  }
0x27d: {  	[tilespmem:$0x8DC0] =	vst v0  }
0x27e: {  	[tilespmem:$0x8DD0] =	vst v0  }
0x27f: {  	[tilespmem:$0x8DE0] =	vst v0  }
0x280: {  	[tilespmem:$0x8DF0] =	vst v0  }
0x281: {  	[tilespmem:$0x8E00] =	vst v0  }
0x282: {  	[tilespmem:$0x8E10] =	vst v0  }
0x283: {  	[tilespmem:$0x8E20] =	vst v0  }
0x284: {  	[tilespmem:$0x8E30] =	vst v0  }
0x285: {  	[tilespmem:$0x8E40] =	vst v0  }
0x286: {  	[tilespmem:$0x8E50] =	vst v0  }
0x287: {  	[tilespmem:$0x8E60] =	vst v0  }
0x288: {  	[tilespmem:$0x8E70] =	vst v0  }
0x289: {  	[tilespmem:$0x8E80] =	vst v0  }
0x28a: {  	[tilespmem:$0x8E90] =	vst v0  }
0x28b: {  	[tilespmem:$0x8EA0] =	vst v0  }
0x28c: {  	[tilespmem:$0x8EB0] =	vst v0  }
0x28d: {  	[tilespmem:$0x8EC0] =	vst v0  }
0x28e: {  	[tilespmem:$0x8ED0] =	vst v0  }
0x28f: {  	[tilespmem:$0x8EE0] =	vst v0  }
0x290: {  	[tilespmem:$0x8EF0] =	vst v0  }
0x291: {  	[tilespmem:$0x8F00] =	vst v0  }
0x292: {  	[tilespmem:$0x8F10] =	vst v0  }
0x293: {  	[tilespmem:$0x8F20] =	vst v0  }
0x294: {  	[tilespmem:$0x8F30] =	vst v0  }
0x295: {  	[tilespmem:$0x8F40] =	vst v0  }
0x296: {  	[tilespmem:$0x8F50] =	vst v0  }
0x297: {  	[tilespmem:$0x8F60] =	vst v0  }
0x298: {  	[tilespmem:$0x8F70] =	vst v0  }
0x299: {  	[spmem:s5] =	stream.linear.scatter [tilespmem:s19], [sflag:$0x5], $0x2800, $0x38;
	[tilespmem:$0x1F780] =	vst v63  }
0x29a: {  	_ =	swait.ge [sflag:s17], $0x2800  }
0x29b: {  	[sflag:s17] =	ssyncset.done $0x0  }
0x29c: {  	[sflag:s17] =	ssyncadd.s32 $0xFFFFD800  }
0x29d: {  	[spmem:s8] =	stream.linear.scatter [tilespmem:s19], [sflag:$0x5], $0x2800, $0x38;
	[tilespmem:$0x1F780] =	vst v63  }
0x29e: {  	_ =	swait.ge [sflag:s17], $0x2800  }
0x29f: {  	[sflag:s17] =	ssyncset.done $0x0  }
0x2a0: {  	[sflag:s17] =	ssyncadd.s32 $0xFFFFD800  }
0x2a1: {  	[spmem:s9] =	stream.linear.scatter [tilespmem:s19], [sflag:$0x5], $0x2800, $0x38;
	[tilespmem:$0x1F780] =	vst v63  }
0x2a2: {  	_ =	swait.ge [sflag:s17], $0x2800  }
0x2a3: {  	[sflag:s17] =	ssyncset.done $0x0  }
0x2a4: {  	[sflag:s17] =	ssyncadd.s32 $0xFFFFD800  }
0x2a5: {  	[spmem:s10] =	stream.linear.scatter [tilespmem:s19], [sflag:$0x5], $0x2800, $0x38;
	[tilespmem:$0x1F780] =	vst v63  }
0x2a6: {  	_ =	swait.ge [sflag:s17], $0x2800  }
0x2a7: {  	[sflag:s17] =	ssyncset.done $0x0  }
0x2a8: {  	[sflag:s17] =	ssyncadd.s32 $0xFFFFD800  }
0x2a9: {  	[spmem:s11] =	stream.linear.scatter [tilespmem:s19], [sflag:$0x5], $0x2800, $0x38;
	[tilespmem:$0x1F780] =	vst v63  }
0x2aa: {  	_ =	swait.ge [sflag:s17], $0x2800  }
0x2ab: {  	[sflag:s17] =	ssyncset.done $0x0  }
0x2ac: {  	[sflag:s17] =	ssyncadd.s32 $0xFFFFD800  }
0x2ad: {  	[spmem:s12] =	stream.linear.scatter [tilespmem:s19], [sflag:$0x5], $0x2800, $0x38;
	[tilespmem:$0x1F780] =	vst v63  }
0x2ae: {  	_ =	swait.ge [sflag:s17], $0x2800  }
0x2af: {  	[sflag:s17] =	ssyncset.done $0x0  }
0x2b0: {  	[sflag:s17] =	ssyncadd.s32 $0xFFFFD800  }
0x2b1: {  	[spmem:s13] =	stream.linear.scatter [tilespmem:s19], [sflag:$0x5], $0x2800, $0x38;
	[tilespmem:$0x1F780] =	vst v63  }
0x2b2: {  	_ =	swait.ge [sflag:s17], $0x2800  }
0x2b3: {  	[sflag:s17] =	ssyncset.done $0x0  }
0x2b4: {  	[sflag:s17] =	ssyncadd.s32 $0xFFFFD800  }
0x2b5: {  	[spmem:s14] =	stream.linear.scatter [tilespmem:s19], [sflag:$0x5], $0x2800, $0x38;
	[tilespmem:$0x1F780] =	vst v63  }
0x2b6: {  	_ =	swait.ge [sflag:s17], $0x2800  }
0x2b7: {  	[sflag:s17] =	ssyncset.done $0x0  }
0x2b8: {  	[sflag:s17] =	ssyncadd.s32 $0xFFFFD800  }
0x2b9: {  	[bflag:$0x0] =	sbarrier.arrive $0xFFFF  }
0x2ba: {  	[tilespmem:s19], [sflag:$0x1] =	stream.indirect.gather [hbm4b:s1+s20], $0x80, s4, s20, $0xb8;
	[tilespmem:$0x1F780] =	vst v63  }
0x2bb: {  	_ =	swait.ge [sflag:s21], $0x2800  }
0x2bc: {  	[sflag:s21] =	ssyncset.done $0x0  }
0x2bd: {  	[sflag:s21] =	ssyncadd.s32 $0xFFFFD800  }
0x2be: {  	[tilespmem:s22], [sflag:$0x2] =	stream.indirect.gather [hbm4b:s1+s20], $0x80, s20, s20, $0xb8;
	[tilespmem:$0x1F780] =	vst v63  }
0x2bf: {  	_ = 	snop  }
0x2c0: {  	[spmem:s3] =	stream.indirect.scatter.add.f32 [tilespmem:s19], [sflag:$0x3], $0x80, s18, s20, $0xb8;
	[tilespmem:$0x1F780] =	vst v63  }
0x2c1: {  	_ =	swait.ge [sflag:s23], $0x2800  }
0x2c2: {  	[sflag:s23] =	ssyncset.done $0x0  }
0x2c3: {  	[sflag:s23] =	ssyncadd.s32 $0xFFFFD800  }
0x2c4: {  	_ =	swait.ge [sflag:s24], $0x2800  }
0x2c5: {  	[sflag:s24] =	ssyncset.done $0x0  }
0x2c6: {  	s2 =	simm.s32 $0xA0;
	[sflag:s24] =	ssyncadd.s32 $0xFFFFD800  }
0x2c7: {  	[tilespmem:s19], [sflag:$0x1] =	stream.indirect.gather [hbm4b:s1+s20], $0x80, s2, s20, $0xb8;
	[tilespmem:$0x1F780] =	vst v63  }
0x2c8: {  	s25 =	simm.s32 $0x2800  }
0x2c9: {  	[spmem:s3] =	stream.indirect.scatter.add.f32 [tilespmem:s22], [sflag:$0x4], $0x80, s25, s20, $0xb8;
	[tilespmem:$0x1F780] =	vst v63  }
0x2ca: {  	_ =	swait.ge [sflag:s21], $0x2800  }
0x2cb: {  	[sflag:s21] =	ssyncset.done $0x0  }
0x2cc: {  	[sflag:s21] =	ssyncadd.s32 $0xFFFFD800  }
0x2cd: {  	_ =	swait.ge [sflag:s28], $0x2800  }
0x2ce: {  	[sflag:s28] =	ssyncset.done $0x0  }
0x2cf: {  	s26 =	simm.s32 $0xF0;
	[sflag:s28] =	ssyncadd.s32 $0xFFFFD800  }
0x2d0: {  	[tilespmem:s22], [sflag:$0x2] =	stream.indirect.gather [hbm4b:s1+s20], $0x80, s26, s20, $0xb8;
	[tilespmem:$0x1F780] =	vst v63  }
0x2d1: {  	s25 =	simm.s32 $0x2880  }
0x2d2: {  	[spmem:s3] =	stream.indirect.scatter.add.f32 [tilespmem:s19], [sflag:$0x3], $0x80, s25, s20, $0xb8;
	[tilespmem:$0x1F780] =	vst v63  }
0x2d3: {  	_ =	swait.ge [sflag:s23], $0x2800  }
0x2d4: {  	[sflag:s23] =	ssyncset.done $0x0  }
0x2d5: {  	[sflag:s23] =	ssyncadd.s32 $0xFFFFD800  }
0x2d6: {  	_ =	swait.ge [sflag:s24], $0x2800  }
0x2d7: {  	s31 =	simm.s32 $0xFFFF6A00;
	s2 =	simm.s32 $0x2980;
	[sflag:s24] =	ssyncset.done $0x0  }
0x2d8: {  	s26 =	simm.s32 $0x140;
	s25 =	simm.s32 $0x2900;
	[sflag:s24] =	ssyncadd.s32 $0xFFFFD800  }
0x2d9: {  	[tilespmem:s19], [sflag:$0x1] =	stream.indirect.gather [hbm4b:s1+s20], $0x80, s26, s20, $0xb8;
	[tilespmem:$0x1F780] =	vst v63  }
.LBB2_2:
0x2da: {  	[spmem:s3] =	stream.indirect.scatter.add.f32 [tilespmem:s22], [sflag:$0x4], $0x80, s25, s20, $0xb8;
	[tilespmem:$0x1F780] =	vst v63  }
0x2db: {  	s25 =	smov.u32 s31  }
0x2dc: {  	p0 =	sne.s32 s31, $0xFFFFFD80;
	s31 =	sadd.s32 $0x280, s31;
	_ =	swait.ge [sflag:s21], $0x2800  }
0x2dd: {  	[sflag:s21] =	ssyncset.done $0x0  }
0x2de: {  	[sflag:s21] =	ssyncadd.s32 $0xFFFFD800  }
0x2df: {  	_ =	swait.ge [sflag:s28], $0x2800  }
0x2e0: {  	s25 =	sshra.s32 s25, $0x2;
	[sflag:s28] =	ssyncset.done $0x0  }
0x2e1: {  	s26 =	sadd.s32 $0x2710, s25;
	[sflag:s28] =	ssyncadd.s32 $0xFFFFD800  }
0x2e2: {  	[tilespmem:s22], [sflag:$0x2] =	stream.indirect.gather [hbm4b:s1+s20], $0x80, s26, s20, $0xb8;
	[tilespmem:$0x1F780] =	vst v63  }
0x2e3: {  	_ = 	snop  }
0x2e4: {  	[spmem:s3] =	stream.indirect.scatter.add.f32 [tilespmem:s19], [sflag:$0x3], $0x80, s2, s20, $0xb8;
	[tilespmem:$0x1F780] =	vst v63  }
0x2e5: {  	_ =	swait.ge [sflag:s23], $0x2800  }
0x2e6: {  	[sflag:s23] =	ssyncset.done $0x0  }
0x2e7: {  	[sflag:s23] =	ssyncadd.s32 $0xFFFFD800  }
.Ltmp0:
0x2e8: {  	_ =	swait.ge [sflag:s24], $0x2800;
	(pc) =	sbr.rel @p0 .LBB2_2-.Ltmp0, $4  }
0x2e9: {  	[sflag:s24] =	ssyncset.done $0x0  }
0x2ea: {  	s25 =	sadd.s32 $0x2760, s25;
	[sflag:s24] =	ssyncadd.s32 $0xFFFFD800  }
0x2eb: {  	[tilespmem:s19], [sflag:$0x1] =	stream.indirect.gather [hbm4b:s1+s20], $0x80, s25, s20, $0xb8;
	[tilespmem:$0x1F780] =	vst v63  }
0x2ec: {  	s25 =	sadd.s32 $0x80, s2;
	s2 =	sadd.s32 $0x100, s2  }
0x2ed: {  	[spmem:s3] =	stream.indirect.scatter.add.f32 [tilespmem:s22], [sflag:$0x4], $0x80, s25, s20, $0xb8;
	[tilespmem:$0x1F780] =	vst v63  }
0x2ee: {  	_ =	swait.ge [sflag:s21], $0x2800  }
0x2ef: {  	[sflag:s21] =	ssyncset.done $0x0  }
0x2f0: {  	[sflag:s21] =	ssyncadd.s32 $0xFFFFD800  }
0x2f1: {  	_ =	swait.ge [sflag:s28], $0x2800  }
0x2f2: {  	[sflag:s28] =	ssyncset.done $0x0  }
0x2f3: {  	[sflag:s28] =	ssyncadd.s32 $0xFFFFD800  }
0x2f4: {  	[spmem:s3] =	stream.indirect.scatter.add.f32 [tilespmem:s19], [sflag:$0x3], $0x80, s29, s20, $0xb8;
	[tilespmem:$0x1F780] =	vst v63  }
0x2f5: {  	_ =	swait.ge [sflag:s24], $0x2800  }
0x2f6: {  	s2 =	sshll.u32 s0, $0x6;
	s30 =	sadd.s32 $0x1, s30;
	[sflag:s24] =	ssyncset.done $0x0  }
0x2f7: {  	s31 =	sshrl.u32 s5, $0x3;
	p0 =	sne.s32 s30, s16;
	[sflag:s24] =	ssyncadd.s32 $0xFFFFD800  }
.Ltmp1:
0x2f8: {  	s2 =	sor.u32 $0x1C05, s2;
	[bflag:$0x0] =	sbarrier.arrive $0xFFFF;
	(pc) =	sbr.rel @p0 .LBB2_1-.Ltmp1, $4  }
0x2f9: {  	[hbm:s15], [sflag:s2] =	dma.local [spmem:s31], $0x2800  }
0x2fa: {  	_ =	swait.ge [sflag:s17], $0x2800  }
0x2fb: {  	[sflag:s17] =	ssyncset.done $0x0  }
0x2fc: {  	[sflag:s17] =	ssyncadd.s32 $0xFFFFD800  }
0x2fd: {  	_ =	sfence.sel $0x180000  }
0x2fe: {  	[bflag:$0x0] =	sbarrier.arrive $0xFFFF  }
0x2ff: {  	_ =	strace $0x9000004D  }
0x300: {  	[bflag:$0x2] =	sbarrier.arrive $0xFFFF  }
0x301: {  	p0 =	sne.s32 s0, $0x0;
	s0 =	rddreg [dreg:$0x3]  }
0x302: {  	s0 =	sadd.s32 @!p0 $0x100000, s0  }
0x303: {  	[sflag:s0] =	ssyncadd.tile.s32 @!p0 $0x1;
	_ =	shalt  }
.Lfunc_end2:
_tile_overlayer_lowered:
.L_overlay_start_2:
0x304: {  	(tag) =	ssettag $0x2  }
0x305: {  	s0 =	rddreg [dreg:$0x0];
	s2 =	stileid.u32  }
0x306: {  	s1 =	rddreg [dreg:$0x1];
	p0 =	sne.s32 s2, $0x0  }
0x307: {  	s3 =	rddreg [dreg:$0x2];
	[bflag:$0x3] =	sbarrier.arrive $0xFFFF;
	s2 =	simm.s32 @!p0 $0x1C05  }
0x308: {  	[timem:s3], [sflag:s2] =	dma.local @!p0 [hbm:s0], s1  }
0x309: {  	s0 =	simm.s32 @!p0 $0x5  }
0x30a: {  	_ =	swait.ge @!p0 [sflag:s0], s1  }
0x30b: {  	s1 =	ssub.s32 @!p0 $0x0, s1;
	[sflag:s0] =	ssyncset.done @!p0 $0x0  }
0x30c: {  	[sflag:s0] =	ssyncadd.s32 @!p0 s1  }
0x30d: {  	[bflag:$0x3] =	sbarrier.arrive $0xFFFF  }
0x30e: {  	_ =	shalt  }

// kernel: kernel.8.cloned.1.call-start
scs
__scs_entry_jumppad:
0x0: {  	(pc) =	sbr.rel $0x88, $3  }
0x1: {  	(tag) =	ssettag $0x0;
	lr =	simm.s32 $0x1  }
0x2: {  	[smem:$0x3F99] =	sst lr;
	_ =	strace $0xD0000000  }
0x3: {  	_ = 	snop  }
0x4: {  	_ = 	snop  }
0x5: {  	_ = 	snop  }
0x6: {  	_ = 	snop  }
0x7: {  	_ = 	snop  }
__scs_overlays_trampoline_lowered:
0x8: {  	[smem:$0x3FA8] =	sst s0  }
0x9: {  	[smem:$0x3FA9] =	sst s1  }
0xa: {  	[smem:$0x3FAA] =	sst s2  }
0xb: {  	[smem:$0x3FAB] =	sst s3  }
0xc: {  	[smem:$0x3FAC] =	sst s4  }
0xd: {  	[smem:$0x3FAD] =	sst s5  }
0xe: {  	[smem:$0x3FAE] =	sst s6  }
0xf: {  	[smem:$0x3FAF] =	sst s7  }
0x10: {  	[smem:$0x3FB0] =	sst s8  }
0x11: {  	[smem:$0x3FB1] =	sst s9;
	s0 =	simm.s32 @!p0 $0x0  }
0x12: {  	s1 =	sld [smem:$0x3F97];
	s0 =	simm.s32 @p0 $0x1  }
0x13: {  	[smem:$0x3FB2] =	sst s0;
	s0 =	simm.s32 @!p1 $0x0  }
0x14: {  	s2 =	sld [smem:$0x3F96];
	s0 =	simm.s32 @p1 $0x1  }
0x15: {  	[smem:$0x3FB3] =	sst s0;
	s0 =	simm.s32 @!p2 $0x0  }
0x16: {  	s3 =	sld [smem:$0x3FDB];
	s0 =	simm.s32 @p2 $0x1  }
0x17: {  	s4 =	simm.s32 $0x1BF5;
	[smem:$0x3FB5] =	sst s0  }
0x18: {  	s0 =	sld [smem:$0x3F98];
	_ =	swait.ge [sflag:s4], $0x0  }
0x19: {  	s7 =	sld [smem:$0x3F99]  }
0x1a: {  	s8 =	sadd.s32 $0xFFFFE003, lr  }
0x1b: {  	s9 =	sadd.s32 $0xFFFFFEF7, lr;
	s5 =	simm.s32 $0xFFFFFFFF;
	p2 =	slt.u32 s8, $0xFFFFF086  }
0x1c: {  	p1 =	slt.u32 s9, $0xF7A;
	s5 =	simm.s32 @!p2 $0x0  }
0x1d: {  	s5 =	simm.s32 @p1 $0x1;
	p0 =	seq.s32 s7, s2  }
0x1e: {  	s7 =	smul.u32 @!p0 $0xF7A, s2;
	p2 =	seq.s32 @!p0 s5, $0x0  }
0x1f: {  	s9 =	smul.u32 $0xF7A, s1;
	s8 =	simm.s32 @!p0 $0x1BF5;
	p2 =	por !p2, p0  }
0x20: {  	[sflag:s8] =	ssyncset.s32 @!p0 $0xFFFFF086;
	s6 =	sadd.s32 @!p0 s3, s7;
	s7 =	simm.s32 @!p0 $0x108  }
0x21: {  	s3 =	sadd.s32 s3, s9;
	s6 =	sadd.s32 @!p0 $0x88, s6;
	s7 =	simm.s32 @p2 $0x1082  }
0x22: {  	[simem:s7], [sflag:s8] =	dma.local @!p0 [hbm:s6], $0xF7A  }
0x23: {  	s9 =	sor.u32 $0xD0000000, s2;
	s6 =	simm.s32 $0x108;
	_ =	swait.ge @!p0 [sflag:s8], $0x0  }
0x24: {  	s3 =	sadd.s32 $0x88, s3;
	s6 =	simm.s32 @!p1 $0x1082;
	[sflag:s4] =	ssyncset.s32 $0xFFFFF086  }
0x25: {  	[simem:s6], [sflag:s4] =	dma.local [hbm:s3], $0xF7A  }
0x26: {  	[smem:$0x3F99] =	sst s1;
	(tag) =	ssettag s2;
	_ =	strace s9  }
0x27: {  	s1 =	sld [smem:$0x3FA9]  }
0x28: {  	s2 =	sld [smem:$0x3FAA]  }
0x29: {  	s4 =	sld [smem:$0x3FAC]  }
0x2a: {  	p0 =	seq.s32 s5, $0x0;
	s5 =	sld [smem:$0x3FAD]  }
0x2b: {  	s6 =	sld [smem:$0x3FAE]  }
0x2c: {  	s7 =	sld [smem:$0x3FAF]  }
0x2d: {  	s3 =	simm.s32 $0x108;
	s8 =	sld [smem:$0x3FB0]  }
0x2e: {  	s3 =	simm.s32 @!p0 $0x1082;
	s9 =	sld [smem:$0x3FB1]  }
0x2f: {  	lr =	sadd.s32 s0, s3;
	s0 =	sld [smem:$0x3FA8]  }
0x30: {  	s3 =	sld [smem:$0x3FAB]  }
0x31: {  	[smem:$0x3FB4] =	sst s10  }
0x32: {  	s10 =	sld [smem:$0x3FB2];
	_ =	sdelay $0x3  }
0x33: {  	p0 =	seq.s32 s10, $0x1;
	s10 =	sld [smem:$0x3FB4];
	_ =	sdelay $0x3  }
0x34: {  	[smem:$0x3FB4] =	sst s10  }
0x35: {  	s10 =	sld [smem:$0x3FB3];
	_ =	sdelay $0x3  }
0x36: {  	p1 =	seq.s32 s10, $0x1;
	s10 =	sld [smem:$0x3FB4];
	_ =	sdelay $0x3  }
0x37: {  	[smem:$0x3FB4] =	sst s10  }
0x38: {  	s10 =	sld [smem:$0x3FB5]  }
0x39: {  	_ = 	snop;
	(pc) =	sbr.ind lr, $3  }
0x3a: {  	_ = 	snop  }
0x3b: {  	_ = 	snop  }
0x3c: {  	p2 =	seq.s32 s10, $0x1;
	s10 =	sld [smem:$0x3FB4]  }
0x3d: {  	_ =	shalt  }
0x3e: {  	_ =	shalt  }
0x3f: {  	_ =	shalt  }
0x40: {  	_ =	shalt  }
0x41: {  	_ =	shalt  }
0x42: {  	_ =	shalt  }
0x43: {  	_ =	shalt  }
0x44: {  	_ =	shalt  }
0x45: {  	_ =	shalt  }
0x46: {  	_ =	shalt  }
0x47: {  	_ =	shalt  }
0x48: {  	_ =	shalt  }
0x49: {  	_ =	shalt  }
0x4a: {  	_ =	shalt  }
0x4b: {  	_ =	shalt  }
0x4c: {  	_ =	shalt  }
0x4d: {  	_ =	shalt  }
0x4e: {  	_ =	shalt  }
0x4f: {  	_ =	shalt  }
0x50: {  	_ =	shalt  }
0x51: {  	_ =	shalt  }
0x52: {  	_ =	shalt  }
0x53: {  	_ =	shalt  }
0x54: {  	_ =	shalt  }
0x55: {  	_ =	shalt  }
0x56: {  	_ =	shalt  }
0x57: {  	_ =	shalt  }
0x58: {  	_ =	shalt  }
0x59: {  	_ =	shalt  }
0x5a: {  	_ =	shalt  }
0x5b: {  	_ =	shalt  }
0x5c: {  	_ =	shalt  }
0x5d: {  	_ =	shalt  }
0x5e: {  	_ =	shalt  }
0x5f: {  	_ =	shalt  }
0x60: {  	_ =	shalt  }
0x61: {  	_ =	shalt  }
0x62: {  	_ =	shalt  }
0x63: {  	_ =	shalt  }
0x64: {  	_ =	shalt  }
0x65: {  	_ =	shalt  }
0x66: {  	_ =	shalt  }
0x67: {  	_ =	shalt  }
0x68: {  	_ =	shalt  }
0x69: {  	_ =	shalt  }
0x6a: {  	_ =	shalt  }
0x6b: {  	_ =	shalt  }
0x6c: {  	_ =	shalt  }
0x6d: {  	_ =	shalt  }
0x6e: {  	_ =	shalt  }
0x6f: {  	_ =	shalt  }
0x70: {  	_ =	shalt  }
0x71: {  	_ =	shalt  }
0x72: {  	_ =	shalt  }
0x73: {  	_ =	shalt  }
0x74: {  	_ =	shalt  }
0x75: {  	_ =	shalt  }
0x76: {  	_ =	shalt  }
0x77: {  	_ =	shalt  }
0x78: {  	_ =	shalt  }
0x79: {  	_ =	shalt  }
0x7a: {  	_ =	shalt  }
0x7b: {  	_ =	shalt  }
0x7c: {  	_ =	shalt  }
0x7d: {  	_ =	shalt  }
0x7e: {  	_ =	shalt  }
0x7f: {  	_ =	shalt  }
0x80: {  	_ =	shalt  }
0x81: {  	_ =	shalt  }
0x82: {  	_ =	shalt  }
0x83: {  	_ =	shalt  }
0x84: {  	_ =	shalt  }
0x85: {  	_ =	shalt  }
0x86: {  	_ =	shalt  }
0x87: {  	_ =	shalt  }
.Lfunc_end0:
.L_simem_size_0:
called_computation_lowered:
.L_overlay_start_0:
0x88: {  	s2 =	sld [smem:$0x3FD9]  }
0x89: {  	s3 =	sld [smem:$0x3FFE];
	_ =	sdelay $0x1  }
0x8a: {  	s1 =	srdreg.scid  }
0x8b: {  	s0 =	sand.u32 $0x1, s1  }
0x8c: {  	s15 =	sshll.u32 s0, $0xA;
	s2 =	sadd.s32 s3, s2  }
0x8d: {  	s2 =	sadd.s32 s2, s15  }
0x8e: {  	[smem:$0x3FC0] =	sst s2  }
0x8f: {  	_ = 	snop  }
0x90: {  	s2 =	sld [smem:$0x3FD0];
	_ =	sdelay $0x2  }
0x91: {  	s16 =	simm.s32 $0xA;
	s4 =	simm.s32 $0x10  }
0x92: {  	[smem:s4], [sflag:s16] =	dma.local [hbm:s2], $0x1  }
0x93: {  	_ =	swait.eq [sflag:s16], $0x1  }
0x94: {  	[sflag:s16] =	ssyncset.done $0x0  }
0x95: {  	s17 =	sld [smem:$0x10];
	[sflag:s16] =	ssyncadd.s32 $0xFFFFFFFF  }
0x96: {  	s18 =	sld [smem:$0x11];
	(tm) =	ssettm $0x1  }
0x97: {  	s19 =	sld [smem:$0x3FFB];
	_ =	sdelay $0x3  }
0x98: {  	_ =	strace s19  }
0x99: {  	s4 =	sld [smem:$0x3FFC];
	_ =	sdelay $0x3  }
0x9a: {  	_ =	strace s4  }
0x9b: {  	s4 =	sld [smem:$0x3FFD];
	_ =	sdelay $0x3  }
0x9c: {  	_ =	strace s4  }
0x9d: {  	_ =	strace $0x8FFFFFFF  }
0x9e: {  	s20 =	sld [smem:$0x3FDB];
	_ =	sdelay $0x1  }
0x9f: {  	s5 =	simm.s32 $_scs_section_size  }
0xa0: {  	s6 =	simm.s32 $_size__tile_overlayer_lowered;
	s7 =	simm.s32 $_tile_overlayer_lowered  }
0xa1: {  	s23 =	simm.s32 $0x1BFF;
	s22 =	sshll.u32 s7, $0x1;
	s4 =	sadd.s32 s5, s20  }
0xa2: {  	s8 =	simm.s32 $0x0;
	s21 =	sshll.u32 s6, $0x1;
	s6 =	sadd.s32 s22, s4  }
0xa3: {  	[timem:s8], [sflag:s23] =	dma.local [hbm:s6], s21  }
0xa4: {  	_ =	swait.ge [sflag:s23], s21  }
0xa5: {  	s5 =	ssub.s32 $0x0, s21;
	[sflag:s23] =	ssyncset.done $0x0  }
0xa6: {  	[sflag:s23] =	ssyncadd.s32 s5;
	_ =	sdelay $0x1  }
0xa7: {  	s24 =	simm.s32 $0x1B8B  }
0xa8: {  	_ =	swait.ge [sflag:s24], $0x1  }
0xa9: {  	[sflag:s24] =	ssyncset.done $0x0  }
0xaa: {  	s25 =	simm.s32 $0x1B8E;
	[sflag:s24] =	ssyncadd.s32 $0xFFFFFFFF  }
0xab: {  	s26 =	simm.s32 $execute0_lowered;
	[smem:$0x3FD2] =	sst s25  }
0xac: {  	s5 =	sshll.u32 s26, $0x1;
	_ =	strace $0x80000046;
	[dreg:$0x1] =	wrdreg $0xFFFFFFFF  }
0xad: {  	s28 =	simm.s32 $_size_execute0_lowered;
	s4 =	sadd.s32 s4, s5;
	[dreg:$0x0] =	wrdreg $0x0  }
0xae: {  	s5 =	sshll.u32 s28, $0x1;
	[dreg:$0x2] =	wrdreg s4  }
0xaf: {  	[dreg:$0x3] =	wrdreg s5  }
0xb0: {  	[dreg:$0x4] =	wrdreg $0xC0  }
0xb1: {  	_ =	task [dreg:s8], $0x5FFFF  }
0xb2: {  	[dreg:$0x1] =	wrdreg $0xFFFFFFFF  }
0xb3: {  	[dreg:$0x0] =	wrdreg $0x60  }
0xb4: {  	[dreg:$0x2] =	wrdreg s18  }
0xb5: {  	[dreg:$0x3] =	wrdreg s17  }
0xb6: {  	[dreg:$0x4] =	wrdreg $0x9  }
0xb7: {  	_ =	task.clear_ibuf [dreg:s8], $0x5FFFF;
	_ =	strace $0x90000046  }
0xb8: {  	s29 =	simm.s32 $0x9;
	_ =	strace $0x80000048  }
0xb9: {  	_ =	swait.ge [sflag:s29], $0x1  }
0xba: {  	[sflag:s29] =	ssyncadd.s32 $0xFFFFFFFF  }
0xbb: {  	_ =	strace $0x90000048  }
0xbc: {  	_ =	sfence  }
0xbd: {  	s30 =	sld [smem:$0x0];
	_ =	sdelay $0x2  }
0xbe: {  	s31 =	sshll.u32 s1, $0xD;
	s1 =	sshrl.u32 s1, $0x2  }
0xbf: {  	s3 =	sand.u32 $0x4000, s31;
	s1 =	sadd.s32 s1, s30  }
0xc0: {  	s0 =	sor.u32 s3, s0;
	s1 =	sshll.u32 s1, $0x11  }
0xc1: {  	s0 =	sor.u32 s1, s0  }
0xc2: {  	s0 =	sadd.s32 $0x8F2B, s0  }
0xc3: {  	[sflag:s0] =	ssyncadd.remote.s32 $0x1  }
0xc4: {  	_ =	sfence.sel $0xFFFF  }
0xc5: {  	[dreg:$0x0] =	wrdreg $0xFFFFFFFF;
	(pc) =	sbr.abs _section_cstart, $3  }
0xc6: {  	[dreg:$0x1] =	wrdreg $0xFFFFFFFF  }
0xc7: {  	_ =	task.clear_ibuf [dreg:s8], $0x2FFFF;
	_ =	strace $0x9FFFFFFF  }
0xc8: {  	(tm) =	ssettm $0x7FFFFFFF  }
0xc9: {  	_ =	shalt  }
tec
execute0_lowered:
.L_overlay_start_1:
0x0: {  	(tag) =	ssettag $0x1  }
0x1: {  	s3 =	rddreg [dreg:$0x0];
	s1 =	srdreg.scid  }
0x2: {  	s0 =	stileid.u32;
	s4 =	rddreg [dreg:$0x1];
	s9 =	simm.s32 $0x400  }
0x3: {  	s10 =	simm.s32 $0x0;
	s5 =	sand.u32 $0x1, s1;
	s2 =	sshll.u32 s0, $0x1  }
0x4: {  	s1 =	rddreg [dreg:$0x2];
	s7 =	sshrl.u32 s0, $0x2;
	s6 =	sor.u32 s5, s2  }
0x5: {  	s2 =	simm.s32 $0x0;
	s7 =	smul.u32 $0x13C00, s7;
	s5 =	ssub.s32 $0x2, s5  }
0x6: {  	s8 =	sshll.u32 s6, $0x7;
	[smem:$0x7FF] =	sst s2;
	s6 =	smul.u32 $0x4E2, s6  }
0x7: {  	s31 =	sshrl.u32 s5, $0x1;
	s8 =	sand.u32 $0x380, s8;
	_ =	strace $0x80000047  }
0x8: {  	s5 =	ssub.s32 s5, s31;
	s7 =	sor.u32 s7, s8;
	s3 =	sadd.s32 s3, s6  }
0x9: {  	s5 =	smax.u32 s5, $0x1;
	s6 =	simm.s32 $0x1;
	s7 =	sshrl.u32 s7, $0x3  }
0xa: {  	v0 =	vimm.f32 $0.0e+00;
	v1 =	vimm.f32 $1.000000000e+00;
	s8 =	simm.s32 $0x80;
	s4 =	sadd.s32 s4, s7;
	s7 =	simm.s32 $0x2780  }
.LBB2_1:
0xb: {  	[tilespmem:s2], [sflag:$0x1] =	stream.linear.gather [hbm4b:s3+s2], $0x2710, $0x38;
	[tilespmem:$0x4F00] =	vst v63  }
0xc: {  	_ =	swait.ge [sflag:s6], $0x2710  }
0xd: {  	[sflag:s6] =	ssyncset.done $0x0  }
0xe: {  	s11 =	simm.s32 $0x0;
	[sflag:s6] =	ssyncadd.s32 $0xFFFFD8F0  }
.LBB2_2:
0xf: {  	p0 =	sne.s32 s11, $0x9C00  }
.Ltmp0:
0x10: {  	_ = 	snop;
	(pc) =	sbr.rel @p0 .LBB2_2-.Ltmp0, $3  }
0x11: {  	_ =	sdelay $0x1  }
0x12: {  	s12 =	sshra.s32 s11, $0x2  }
0x13: {  	s11 =	sadd.s32 $0x40, s11;
	[tilespmem:s12+$0x2780] =	vst v0  }
0x14: {  	s12 =	simm.s32 $0x0;
	s11 =	simm.s32 $0x40  }
.LBB2_4:
0x15: {  	p0 =	sne.s32 s11, $0x9C00;
	v2 =	vld [tilespmem:s12+$0x0];
	_ =	sdelay $0x3  }
.Ltmp1:
0x16: {  	(pc) =	sbr.rel @p0 .LBB2_4-.Ltmp1, $2  }
0x17: {  	_ =	sdelay $0x2  }
0x18: {  	s12 =	sshra.s32 s11, $0x2;
	s11 =	sadd.s32 $0x40, s11;
	[tilespmem:v2+s7+$0x0] =	vst.idx.add.f32.msk $0xffff, v1  }
0x19: {  	v2 =	vld [tilespmem:s12+$0x0];
	_ =	sdelay $0x5  }
0x1a: {  	s10 =	sadd.s32 $0x1, s10  }
0x1b: {  	p0 =	sne.s32 s10, s5  }
.Ltmp2:
0x1c: {  	[tilespmem:v2+s7+$0x0] =	vst.idx.add.f32.msk $0xffff, v1;
	(pc) =	sbr.rel @p0 .LBB2_1-.Ltmp2, $4  }
0x1d: {  	[hbm4b:s4+s8] =	stream.strided.scatter [tilespmem:s7], [sflag:$0x1], $0x2780, s9, s8, $0x38;
	[tilespmem:$0x4F00] =	vst v63  }
0x1e: {  	_ =	swait.ge [sflag:s6], $0x2780  }
0x1f: {  	[sflag:s6] =	ssyncset.done $0x0  }
0x20: {  	[sflag:s6] =	ssyncadd.s32 $0xFFFFD880  }
0x21: {  	_ =	sfence.sel $0x180000  }
0x22: {  	[bflag:$0x0] =	sbarrier.arrive $0xFFFF  }
0x23: {  	p0 =	sne.s32 s0, $0x0;
	_ =	strace $0x90000047  }
0x24: {  	s0 =	sadd.s32 @!p0 $0x100000, s1;
	[bflag:$0x2] =	sbarrier.arrive $0xFFFF  }
0x25: {  	[sflag:s0] =	ssyncadd.tile.s32 @!p0 $0x1;
	_ =	shalt  }
.Lfunc_end2:
_tile_overlayer_lowered:
.L_overlay_start_2:
0x26: {  	(tag) =	ssettag $0x2  }
0x27: {  	s0 =	rddreg [dreg:$0x0];
	s2 =	stileid.u32  }
0x28: {  	s1 =	rddreg [dreg:$0x1];
	p0 =	sne.s32 s2, $0x0  }
0x29: {  	s3 =	rddreg [dreg:$0x2];
	[bflag:$0x3] =	sbarrier.arrive $0xFFFF;
	s2 =	simm.s32 @!p0 $0x1C01  }
0x2a: {  	[timem:s3], [sflag:s2] =	dma.local @!p0 [hbm:s0], s1  }
0x2b: {  	s0 =	simm.s32 @!p0 $0x1  }
0x2c: {  	_ =	swait.ge @!p0 [sflag:s0], s1  }
0x2d: {  	s1 =	ssub.s32 @!p0 $0x0, s1;
	[sflag:s0] =	ssyncset.done @!p0 $0x0  }
0x2e: {  	[sflag:s0] =	ssyncadd.s32 @!p0 s1  }
0x2f: {  	[bflag:$0x3] =	sbarrier.arrive $0xFFFF  }
0x30: {  	_ =	shalt  }

</sc_bundles>
